<compile_context>
chip_gen: v7x
topology: tpu7x:2x2x1
jax: 0.10.2.dev20260603
libtpu: 0.0.44.dev20260713+nightly
codegen_flags: <defaults>
</compile_context>

<pallas_src>
import jax
import jax.numpy as jnp
from jax import lax
from jax.experimental import pallas as pl
from jax.experimental.pallas import tpu as pltpu
from jax.experimental.pallas import tpu_sc as plsc

N = 100000
D = 128
K = 7
NSLOT = K - 1

BM = 1000
GRID = N // BM


def _mm_body(x_ref, w_ref, b_ref, base_ref, *t_refs):
    y = jnp.dot(
        x_ref[...],
        w_ref[...],
        preferred_element_type=jnp.float32,
    )
    base_ref[...] = y[:, :D] + b_ref[...]
    for k in range(NSLOT):
        c0 = D * (k + 1)
        t_refs[k][...] = y[:, c0:c0 + D]


def _tc_matmul(x, wcat, bias2d):
    outs = [jax.ShapeDtypeStruct((N, D), jnp.float32) for _ in range(1 + NSLOT)]
    return pl.pallas_call(
        _mm_body,
        grid=(GRID,),
        in_specs=[
            pl.BlockSpec((BM, D), lambda i: (i, 0)),
            pl.BlockSpec((D, K * D), lambda i: (0, 0)),
            pl.BlockSpec((1, D), lambda i: (0, 0)),
        ],
        out_specs=[pl.BlockSpec((BM, D), lambda i: (i, 0))] * (1 + NSLOT),
        out_shape=outs,
        compiler_params=pltpu.CompilerParams(
            dimension_semantics=("arbitrary",),
        ),
    )(x, wcat, bias2d)


NW = 32
PER_W = 3200
CH = 80
NT_FULL = PER_W // CH
NT_LAST = (N - (NW - 1) * PER_W) // CH
PAD_N = NW * PER_W


def _sc_body(t0, t1, t2, t3, t4, t5, base_hbm,
             ih0, ih1, ih2, ih3, ih4, ih5, wh0, wh1, wh2, wh3, wh4, wh5,
             out_hbm,
             i0, i1, i2, i3, i4, i5, w0s, w1s, w2s, w3s, w4s, w5s,
             g0, g1, g2, g3, g4, g5, acc_v, gsem, bsem, osem0, osem1):
    tabs = (t0, t1, t2, t3, t4, t5)
    idx_hbm = (ih0, ih1, ih2, ih3, ih4, ih5)
    w_hbm = (wh0, wh1, wh2, wh3, wh4, wh5)
    idxs = (i0, i1, i2, i3, i4, i5)
    wss = (w0s, w1s, w2s, w3s, w4s, w5s)
    gs = (g0, g1, g2, g3, g4, g5)
    wid = lax.axis_index("s") * 2 + lax.axis_index("c")
    w0 = pl.multiple_of(wid * PER_W, 8)
    for j in range(NSLOT):
        pltpu.sync_copy(idx_hbm[j].at[pl.ds(w0, PER_W)], idxs[j])
        pltpu.sync_copy(w_hbm[j].at[pl.ds(w0, PER_W)], wss[j].at[pl.ds(0, PER_W)])
    nt = jnp.where(wid == NW - 1, NT_LAST, NT_FULL)

    def out_copy(c):
        bc = pl.multiple_of(wid * PER_W + c * CH, 8)
        sbuf = c & 1
        return pltpu.make_async_copy(
            acc_v.at[pl.ds(pl.multiple_of(sbuf * CH, 8), CH)],
            out_hbm.at[pl.ds(bc, CH)], osem0)

    def chunk(t, carry):
        buf = t & 1
        ro = pl.multiple_of(buf * CH, 8)
        r0 = pl.multiple_of(t * CH, 8)
        b0 = pl.multiple_of(wid * PER_W + t * CH, 8)
        cps = [
            pltpu.async_copy(tabs[j].at[idxs[j].at[pl.ds(r0, CH)]], gs[j], gsem)
            for j in range(NSLOT)
        ]
        pl.when(t >= 1)(lambda: out_copy(t - 1).wait())
        bcp = pltpu.make_async_copy(
            base_hbm.at[pl.ds(b0, CH)], acc_v.at[pl.ds(ro, CH)], bsem)
        bcp.start()
        bcp.wait()
        for cp in cps:
            cp.wait()

        @plsc.parallel_loop(0, CH, 1, unroll=2)
        def row(i):
            r = r0 + i
            ws = [wss[j][pl.ds(r, 16)][0] for j in range(NSLOT)]
            for q in range(D // 16):
                sl = pl.ds(q * 16, 16)
                v = acc_v[ro + i, sl]
                for j in range(NSLOT):
                    v = v + ws[j] * gs[j][i, sl]
                acc_v[ro + i, sl] = v

        out_copy(t).start()
        return carry

    lax.fori_loop(0, nt, chunk, jnp.int32(0))
    out_copy(nt - 1).wait()


_sc_gather_accum = pl.kernel(
    _sc_body,
    out_type=jax.ShapeDtypeStruct((N, D), jnp.float32),
    mesh=plsc.VectorSubcoreMesh(core_axis_name="c", subcore_axis_name="s"),
    scratch_types=(
        [pltpu.VMEM((PER_W,), jnp.int32) for _ in range(NSLOT)]
        + [pltpu.VMEM((PER_W + 16,), jnp.float32) for _ in range(NSLOT)]
        + [pltpu.VMEM((CH, D), jnp.float32) for _ in range(NSLOT)]
        + [
            pltpu.VMEM((2 * CH, D), jnp.float32),
            pltpu.SemaphoreType.DMA,
            pltpu.SemaphoreType.DMA,
            pltpu.SemaphoreType.DMA,
            pltpu.SemaphoreType.DMA,
        ]
    ),
)


def kernel(x, neighbors_indices, neighbors_weights, weight, bias):
    wcat = weight.transpose(1, 0, 2).reshape(D, K * D)
    base, *tabs = _tc_matmul(x, wcat, bias.reshape(1, D))
    pad = PAD_N - N
    idx_cols = [jnp.pad(neighbors_indices[:, j], (0, pad)) for j in range(NSLOT)]
    w_cols = [jnp.pad(neighbors_weights[:, j], (0, pad)) for j in range(NSLOT)]
    return _sc_gather_accum(*tabs, base, *idx_cols, *w_cols)

# --- scband reference (transcript-rebuilt; emitter-appended) ---
"""Pipeline reference for scband-sdpaconv-31610959299273 (READ-ONLY COPY).

The authoritative reference and input builder live on the scoring server;
editing this copy changes nothing except your own understanding.
"""

import jax, jax.numpy as jnp
import numpy as np

K = 7
N = 100000
D_IN = 128
D_OUT = 128


def setup_inputs(seed: int = 0) -> dict:
    key = jax.random.key(seed)
    k1, k2, k3, k4, k5 = jax.random.split(key, 5)
    x = jax.random.normal(k1, (N, D_IN), dtype=jnp.float32)
    neighbors_indices = jax.random.randint(k2, (N, K - 1), 0, N, dtype=jnp.int32)
    neighbors_weights = jax.random.uniform(k3, (N, K - 1), dtype=jnp.float32)
    # kaiming-uniform-like init for weight [K, in, out], fan_in-based bound for bias
    bound_w = float(np.sqrt(6.0 / ((1.0 + 5.0) * D_IN)))
    weight = jax.random.uniform(k4, (K, D_IN, D_OUT), minval=-bound_w, maxval=bound_w, dtype=jnp.float32)
    bound_b = 1.0 / float(np.sqrt(D_IN * D_OUT))
    bias = jax.random.uniform(k5, (D_OUT,), minval=-bound_b, maxval=bound_b, dtype=jnp.float32)
    return {
        "x": x,
        "neighbors_indices": neighbors_indices,
        "neighbors_weights": neighbors_weights,
        "weight": weight,
        "bias": bias,
    }


def reference(x, neighbors_indices, neighbors_weights, weight, bias):
    # out = x @ W[0]
    out = jnp.matmul(x, weight[0])
    # for each neighbor slot k: gather neighbor features, scale by per-edge weight, apply W[k]
    for k in range(1, K):
        col = k - 1
        gathered = jnp.take(x, neighbors_indices[:, col], axis=0)
        s = neighbors_weights[:, col:col + 1] * gathered
        out = out + jnp.matmul(s, weight[k])
    out = out + bias
    return out

if __name__ == "__main__":
    import jax
    _d = setup_inputs()
    print(jax.jit(kernel)(*tuple(_d.values())))

</pallas_src>

<mosaic_0001>
#map = affine_map<(d0, d1) -> (0, 0)>
#map1 = affine_map<(d0, d1) -> (0)>
module attributes {stable_mosaic.version = 14 : i64} {
  func.func @_sc_body(%arg0: i32, %arg1: i32, %arg2: memref<100000x128xf32, #tpu.memory_space<hbm>>, %arg3: memref<100000x128xf32, #tpu.memory_space<hbm>>, %arg4: memref<100000x128xf32, #tpu.memory_space<hbm>>, %arg5: memref<100000x128xf32, #tpu.memory_space<hbm>>, %arg6: memref<100000x128xf32, #tpu.memory_space<hbm>>, %arg7: memref<100000x128xf32, #tpu.memory_space<hbm>>, %arg8: memref<100000x128xf32, #tpu.memory_space<hbm>>, %arg9: memref<102400xi32, #tpu.memory_space<hbm>>, %arg10: memref<102400xi32, #tpu.memory_space<hbm>>, %arg11: memref<102400xi32, #tpu.memory_space<hbm>>, %arg12: memref<102400xi32, #tpu.memory_space<hbm>>, %arg13: memref<102400xi32, #tpu.memory_space<hbm>>, %arg14: memref<102400xi32, #tpu.memory_space<hbm>>, %arg15: memref<102400xf32, #tpu.memory_space<hbm>>, %arg16: memref<102400xf32, #tpu.memory_space<hbm>>, %arg17: memref<102400xf32, #tpu.memory_space<hbm>>, %arg18: memref<102400xf32, #tpu.memory_space<hbm>>, %arg19: memref<102400xf32, #tpu.memory_space<hbm>>, %arg20: memref<102400xf32, #tpu.memory_space<hbm>>, %arg21: memref<100000x128xf32, #tpu.memory_space<hbm>>, %arg22: memref<3200xi32, #tpu.memory_space<vmem>>, %arg23: memref<3200xi32, #tpu.memory_space<vmem>>, %arg24: memref<3200xi32, #tpu.memory_space<vmem>>, %arg25: memref<3200xi32, #tpu.memory_space<vmem>>, %arg26: memref<3200xi32, #tpu.memory_space<vmem>>, %arg27: memref<3200xi32, #tpu.memory_space<vmem>>, %arg28: memref<3216xf32, #tpu.memory_space<vmem>>, %arg29: memref<3216xf32, #tpu.memory_space<vmem>>, %arg30: memref<3216xf32, #tpu.memory_space<vmem>>, %arg31: memref<3216xf32, #tpu.memory_space<vmem>>, %arg32: memref<3216xf32, #tpu.memory_space<vmem>>, %arg33: memref<3216xf32, #tpu.memory_space<vmem>>, %arg34: memref<80x128xf32, #tpu.memory_space<vmem>>, %arg35: memref<80x128xf32, #tpu.memory_space<vmem>>, %arg36: memref<80x128xf32, #tpu.memory_space<vmem>>, %arg37: memref<80x128xf32, #tpu.memory_space<vmem>>, %arg38: memref<80x128xf32, #tpu.memory_space<vmem>>, %arg39: memref<80x128xf32, #tpu.memory_space<vmem>>, %arg40: memref<160x128xf32, #tpu.memory_space<vmem>>, %arg41: memref<!tpu.dma_semaphore, #tpu.memory_space<semaphore_mem>>, %arg42: memref<!tpu.dma_semaphore, #tpu.memory_space<semaphore_mem>>, %arg43: memref<!tpu.dma_semaphore, #tpu.memory_space<semaphore_mem>>, %arg44: memref<!tpu.dma_semaphore, #tpu.memory_space<semaphore_mem>>) attributes {dimension_semantics = [#tpu.dimension_semantics<core_parallel>, #tpu.dimension_semantics<subcore_parallel>], iteration_bounds = array<i64: 2, 16>, scalar_prefetch = 0 : i64, scratch_operands = 23 : i64, tpu.core_type = #tpu.core_type<sc_vector_subcore>, window_params = [{transform_indices = #map}, {transform_indices = #map}, {transform_indices = #map}, {transform_indices = #map}, {transform_indices = #map}, {transform_indices = #map}, {transform_indices = #map}, {transform_indices = #map1}, {transform_indices = #map1}, {transform_indices = #map1}, {transform_indices = #map1}, {transform_indices = #map1}, {transform_indices = #map1}, {transform_indices = #map1}, {transform_indices = #map1}, {transform_indices = #map1}, {transform_indices = #map1}, {transform_indices = #map1}, {transform_indices = #map1}, {transform_indices = #map}]} {
    %mul3A = arith.constant 2 : i32
    %mul3A_0 = arith.muli %arg1, %mul3A : i32
    %add3A = arith.addi %mul3A_0, %arg0 : i32
    %mul3A_1 = arith.constant 3200 : i32
    %mul3A_2 = arith.muli %add3A, %mul3A_1 : i32
    %multiple_of3A = tpu.assume_multiple %mul3A_2, 8 : i32
    "tpu.region"() ({
      %run_scoped3A = tpu.sem_alloc : memref<!tpu.dma_semaphore, #tpu.memory_space<semaphore_mem>>
      %dma_start3A = tpu.memref_slice %arg9[%multiple_of3A] : memref<102400xi32, #tpu.memory_space<hbm>> -> memref<3200xi32, #tpu.memory_space<hbm>>
      %dma_start3A_32 = tpu.memref_slice %arg9[%multiple_of3A] : memref<102400xi32, #tpu.memory_space<hbm>> -> memref<3200xi32, #tpu.memory_space<hbm>>
      tpu.enqueue_dma source(%dma_start3A_32 : memref<3200xi32, #tpu.memory_space<hbm>>) target(%arg22 : memref<3200xi32, #tpu.memory_space<vmem>>) target_semaphore(%run_scoped3A : memref<!tpu.dma_semaphore, #tpu.memory_space<semaphore_mem>>)
      %dma_wait3A_33 = tpu.memref_slice %arg9[%multiple_of3A] : memref<102400xi32, #tpu.memory_space<hbm>> -> memref<3200xi32, #tpu.memory_space<hbm>>
      %dma_wait3A_34 = tpu.memref_slice %arg9[%multiple_of3A] : memref<102400xi32, #tpu.memory_space<hbm>> -> memref<3200xi32, #tpu.memory_space<hbm>>
      tpu.wait_dma2 semaphore(%run_scoped3A : memref<!tpu.dma_semaphore, #tpu.memory_space<semaphore_mem>>) src(%dma_wait3A_34 : memref<3200xi32, #tpu.memory_space<hbm>>) dst(%arg22 : memref<3200xi32, #tpu.memory_space<vmem>>)
      tpu.yield
    }) : () -> ()
    "tpu.region"() ({
      %run_scoped3A = tpu.sem_alloc : memref<!tpu.dma_semaphore, #tpu.memory_space<semaphore_mem>>
      %dma_start3A = arith.constant 0 : i32
      %dma_start3A_32 = tpu.memref_slice %arg28[%dma_start3A] : memref<3216xf32, #tpu.memory_space<vmem>> -> memref<3200xf32, #tpu.memory_space<vmem>>
      %dma_start3A_33 = tpu.memref_slice %arg15[%multiple_of3A] : memref<102400xf32, #tpu.memory_space<hbm>> -> memref<3200xf32, #tpu.memory_space<hbm>>
      %dma_start3A_34 = arith.constant 0 : i32
      %dma_start3A_35 = tpu.memref_slice %arg28[%dma_start3A_34] : memref<3216xf32, #tpu.memory_space<vmem>> -> memref<3200xf32, #tpu.memory_space<vmem>>
      %dma_start3A_36 = tpu.memref_slice %arg15[%multiple_of3A] : memref<102400xf32, #tpu.memory_space<hbm>> -> memref<3200xf32, #tpu.memory_space<hbm>>
      tpu.enqueue_dma source(%dma_start3A_36 : memref<3200xf32, #tpu.memory_space<hbm>>) target(%dma_start3A_35 : memref<3200xf32, #tpu.memory_space<vmem>>) target_semaphore(%run_scoped3A : memref<!tpu.dma_semaphore, #tpu.memory_space<semaphore_mem>>)
      %dma_wait3A_37 = arith.constant 0 : i32
      %dma_wait3A_38 = tpu.memref_slice %arg28[%dma_wait3A_37] : memref<3216xf32, #tpu.memory_space<vmem>> -> memref<3200xf32, #tpu.memory_space<vmem>>
      %dma_wait3A_39 = tpu.memref_slice %arg15[%multiple_of3A] : memref<102400xf32, #tpu.memory_space<hbm>> -> memref<3200xf32, #tpu.memory_space<hbm>>
      %dma_wait3A_40 = arith.constant 0 : i32
      %dma_wait3A_41 = tpu.memref_slice %arg28[%dma_wait3A_40] : memref<3216xf32, #tpu.memory_space<vmem>> -> memref<3200xf32, #tpu.memory_space<vmem>>
      %dma_wait3A_42 = tpu.memref_slice %arg15[%multiple_of3A] : memref<102400xf32, #tpu.memory_space<hbm>> -> memref<3200xf32, #tpu.memory_space<hbm>>
      tpu.wait_dma2 semaphore(%run_scoped3A : memref<!tpu.dma_semaphore, #tpu.memory_space<semaphore_mem>>) src(%dma_wait3A_42 : memref<3200xf32, #tpu.memory_space<hbm>>) dst(%dma_wait3A_41 : memref<3200xf32, #tpu.memory_space<vmem>>)
      tpu.yield
    }) : () -> ()
    "tpu.region"() ({
      %run_scoped3A = tpu.sem_alloc : memref<!tpu.dma_semaphore, #tpu.memory_space<semaphore_mem>>
      %dma_start3A = tpu.memref_slice %arg10[%multiple_of3A] : memref<102400xi32, #tpu.memory_space<hbm>> -> memref<3200xi32, #tpu.memory_space<hbm>>
      %dma_start3A_32 = tpu.memref_slice %arg10[%multiple_of3A] : memref<102400xi32, #tpu.memory_space<hbm>> -> memref<3200xi32, #tpu.memory_space<hbm>>
      tpu.enqueue_dma source(%dma_start3A_32 : memref<3200xi32, #tpu.memory_space<hbm>>) target(%arg23 : memref<3200xi32, #tpu.memory_space<vmem>>) target_semaphore(%run_scoped3A : memref<!tpu.dma_semaphore, #tpu.memory_space<semaphore_mem>>)
      %dma_wait3A_33 = tpu.memref_slice %arg10[%multiple_of3A] : memref<102400xi32, #tpu.memory_space<hbm>> -> memref<3200xi32, #tpu.memory_space<hbm>>
      %dma_wait3A_34 = tpu.memref_slice %arg10[%multiple_of3A] : memref<102400xi32, #tpu.memory_space<hbm>> -> memref<3200xi32, #tpu.memory_space<hbm>>
      tpu.wait_dma2 semaphore(%run_scoped3A : memref<!tpu.dma_semaphore, #tpu.memory_space<semaphore_mem>>) src(%dma_wait3A_34 : memref<3200xi32, #tpu.memory_space<hbm>>) dst(%arg23 : memref<3200xi32, #tpu.memory_space<vmem>>)
      tpu.yield
    }) : () -> ()
    "tpu.region"() ({
      %run_scoped3A = tpu.sem_alloc : memref<!tpu.dma_semaphore, #tpu.memory_space<semaphore_mem>>
      %dma_start3A = arith.constant 0 : i32
      %dma_start3A_32 = tpu.memref_slice %arg29[%dma_start3A] : memref<3216xf32, #tpu.memory_space<vmem>> -> memref<3200xf32, #tpu.memory_space<vmem>>
      %dma_start3A_33 = tpu.memref_slice %arg16[%multiple_of3A] : memref<102400xf32, #tpu.memory_space<hbm>> -> memref<3200xf32, #tpu.memory_space<hbm>>
      %dma_start3A_34 = arith.constant 0 : i32
      %dma_start3A_35 = tpu.memref_slice %arg29[%dma_start3A_34] : memref<3216xf32, #tpu.memory_space<vmem>> -> memref<3200xf32, #tpu.memory_space<vmem>>
      %dma_start3A_36 = tpu.memref_slice %arg16[%multiple_of3A] : memref<102400xf32, #tpu.memory_space<hbm>> -> memref<3200xf32, #tpu.memory_space<hbm>>
      tpu.enqueue_dma source(%dma_start3A_36 : memref<3200xf32, #tpu.memory_space<hbm>>) target(%dma_start3A_35 : memref<3200xf32, #tpu.memory_space<vmem>>) target_semaphore(%run_scoped3A : memref<!tpu.dma_semaphore, #tpu.memory_space<semaphore_mem>>)
      %dma_wait3A_37 = arith.constant 0 : i32
      %dma_wait3A_38 = tpu.memref_slice %arg29[%dma_wait3A_37] : memref<3216xf32, #tpu.memory_space<vmem>> -> memref<3200xf32, #tpu.memory_space<vmem>>
      %dma_wait3A_39 = tpu.memref_slice %arg16[%multiple_of3A] : memref<102400xf32, #tpu.memory_space<hbm>> -> memref<3200xf32, #tpu.memory_space<hbm>>
      %dma_wait3A_40 = arith.constant 0 : i32
      %dma_wait3A_41 = tpu.memref_slice %arg29[%dma_wait3A_40] : memref<3216xf32, #tpu.memory_space<vmem>> -> memref<3200xf32, #tpu.memory_space<vmem>>
      %dma_wait3A_42 = tpu.memref_slice %arg16[%multiple_of3A] : memref<102400xf32, #tpu.memory_space<hbm>> -> memref<3200xf32, #tpu.memory_space<hbm>>
      tpu.wait_dma2 semaphore(%run_scoped3A : memref<!tpu.dma_semaphore, #tpu.memory_space<semaphore_mem>>) src(%dma_wait3A_42 : memref<3200xf32, #tpu.memory_space<hbm>>) dst(%dma_wait3A_41 : memref<3200xf32, #tpu.memory_space<vmem>>)
      tpu.yield
    }) : () -> ()
    "tpu.region"() ({
      %run_scoped3A = tpu.sem_alloc : memref<!tpu.dma_semaphore, #tpu.memory_space<semaphore_mem>>
      %dma_start3A = tpu.memref_slice %arg11[%multiple_of3A] : memref<102400xi32, #tpu.memory_space<hbm>> -> memref<3200xi32, #tpu.memory_space<hbm>>
      %dma_start3A_32 = tpu.memref_slice %arg11[%multiple_of3A] : memref<102400xi32, #tpu.memory_space<hbm>> -> memref<3200xi32, #tpu.memory_space<hbm>>
      tpu.enqueue_dma source(%dma_start3A_32 : memref<3200xi32, #tpu.memory_space<hbm>>) target(%arg24 : memref<3200xi32, #tpu.memory_space<vmem>>) target_semaphore(%run_scoped3A : memref<!tpu.dma_semaphore, #tpu.memory_space<semaphore_mem>>)
      %dma_wait3A_33 = tpu.memref_slice %arg11[%multiple_of3A] : memref<102400xi32, #tpu.memory_space<hbm>> -> memref<3200xi32, #tpu.memory_space<hbm>>
      %dma_wait3A_34 = tpu.memref_slice %arg11[%multiple_of3A] : memref<102400xi32, #tpu.memory_space<hbm>> -> memref<3200xi32, #tpu.memory_space<hbm>>
      tpu.wait_dma2 semaphore(%run_scoped3A : memref<!tpu.dma_semaphore, #tpu.memory_space<semaphore_mem>>) src(%dma_wait3A_34 : memref<3200xi32, #tpu.memory_space<hbm>>) dst(%arg24 : memref<3200xi32, #tpu.memory_space<vmem>>)
      tpu.yield
    }) : () -> ()
    "tpu.region"() ({
      %run_scoped3A = tpu.sem_alloc : memref<!tpu.dma_semaphore, #tpu.memory_space<semaphore_mem>>
      %dma_start3A = arith.constant 0 : i32
      %dma_start3A_32 = tpu.memref_slice %arg30[%dma_start3A] : memref<3216xf32, #tpu.memory_space<vmem>> -> memref<3200xf32, #tpu.memory_space<vmem>>
      %dma_start3A_33 = tpu.memref_slice %arg17[%multiple_of3A] : memref<102400xf32, #tpu.memory_space<hbm>> -> memref<3200xf32, #tpu.memory_space<hbm>>
      %dma_start3A_34 = arith.constant 0 : i32
      %dma_start3A_35 = tpu.memref_slice %arg30[%dma_start3A_34] : memref<3216xf32, #tpu.memory_space<vmem>> -> memref<3200xf32, #tpu.memory_space<vmem>>
      %dma_start3A_36 = tpu.memref_slice %arg17[%multiple_of3A] : memref<102400xf32, #tpu.memory_space<hbm>> -> memref<3200xf32, #tpu.memory_space<hbm>>
      tpu.enqueue_dma source(%dma_start3A_36 : memref<3200xf32, #tpu.memory_space<hbm>>) target(%dma_start3A_35 : memref<3200xf32, #tpu.memory_space<vmem>>) target_semaphore(%run_scoped3A : memref<!tpu.dma_semaphore, #tpu.memory_space<semaphore_mem>>)
      %dma_wait3A_37 = arith.constant 0 : i32
      %dma_wait3A_38 = tpu.memref_slice %arg30[%dma_wait3A_37] : memref<3216xf32, #tpu.memory_space<vmem>> -> memref<3200xf32, #tpu.memory_space<vmem>>
      %dma_wait3A_39 = tpu.memref_slice %arg17[%multiple_of3A] : memref<102400xf32, #tpu.memory_space<hbm>> -> memref<3200xf32, #tpu.memory_space<hbm>>
      %dma_wait3A_40 = arith.constant 0 : i32
      %dma_wait3A_41 = tpu.memref_slice %arg30[%dma_wait3A_40] : memref<3216xf32, #tpu.memory_space<vmem>> -> memref<3200xf32, #tpu.memory_space<vmem>>
      %dma_wait3A_42 = tpu.memref_slice %arg17[%multiple_of3A] : memref<102400xf32, #tpu.memory_space<hbm>> -> memref<3200xf32, #tpu.memory_space<hbm>>
      tpu.wait_dma2 semaphore(%run_scoped3A : memref<!tpu.dma_semaphore, #tpu.memory_space<semaphore_mem>>) src(%dma_wait3A_42 : memref<3200xf32, #tpu.memory_space<hbm>>) dst(%dma_wait3A_41 : memref<3200xf32, #tpu.memory_space<vmem>>)
      tpu.yield
    }) : () -> ()
    "tpu.region"() ({
      %run_scoped3A = tpu.sem_alloc : memref<!tpu.dma_semaphore, #tpu.memory_space<semaphore_mem>>
      %dma_start3A = tpu.memref_slice %arg12[%multiple_of3A] : memref<102400xi32, #tpu.memory_space<hbm>> -> memref<3200xi32, #tpu.memory_space<hbm>>
      %dma_start3A_32 = tpu.memref_slice %arg12[%multiple_of3A] : memref<102400xi32, #tpu.memory_space<hbm>> -> memref<3200xi32, #tpu.memory_space<hbm>>
      tpu.enqueue_dma source(%dma_start3A_32 : memref<3200xi32, #tpu.memory_space<hbm>>) target(%arg25 : memref<3200xi32, #tpu.memory_space<vmem>>) target_semaphore(%run_scoped3A : memref<!tpu.dma_semaphore, #tpu.memory_space<semaphore_mem>>)
      %dma_wait3A_33 = tpu.memref_slice %arg12[%multiple_of3A] : memref<102400xi32, #tpu.memory_space<hbm>> -> memref<3200xi32, #tpu.memory_space<hbm>>
      %dma_wait3A_34 = tpu.memref_slice %arg12[%multiple_of3A] : memref<102400xi32, #tpu.memory_space<hbm>> -> memref<3200xi32, #tpu.memory_space<hbm>>
      tpu.wait_dma2 semaphore(%run_scoped3A : memref<!tpu.dma_semaphore, #tpu.memory_space<semaphore_mem>>) src(%dma_wait3A_34 : memref<3200xi32, #tpu.memory_space<hbm>>) dst(%arg25 : memref<3200xi32, #tpu.memory_space<vmem>>)
      tpu.yield
    }) : () -> ()
    "tpu.region"() ({
      %run_scoped3A = tpu.sem_alloc : memref<!tpu.dma_semaphore, #tpu.memory_space<semaphore_mem>>
      %dma_start3A = arith.constant 0 : i32
      %dma_start3A_32 = tpu.memref_slice %arg31[%dma_start3A] : memref<3216xf32, #tpu.memory_space<vmem>> -> memref<3200xf32, #tpu.memory_space<vmem>>
      %dma_start3A_33 = tpu.memref_slice %arg18[%multiple_of3A] : memref<102400xf32, #tpu.memory_space<hbm>> -> memref<3200xf32, #tpu.memory_space<hbm>>
      %dma_start3A_34 = arith.constant 0 : i32
      %dma_start3A_35 = tpu.memref_slice %arg31[%dma_start3A_34] : memref<3216xf32, #tpu.memory_space<vmem>> -> memref<3200xf32, #tpu.memory_space<vmem>>
      %dma_start3A_36 = tpu.memref_slice %arg18[%multiple_of3A] : memref<102400xf32, #tpu.memory_space<hbm>> -> memref<3200xf32, #tpu.memory_space<hbm>>
      tpu.enqueue_dma source(%dma_start3A_36 : memref<3200xf32, #tpu.memory_space<hbm>>) target(%dma_start3A_35 : memref<3200xf32, #tpu.memory_space<vmem>>) target_semaphore(%run_scoped3A : memref<!tpu.dma_semaphore, #tpu.memory_space<semaphore_mem>>)
      %dma_wait3A_37 = arith.constant 0 : i32
      %dma_wait3A_38 = tpu.memref_slice %arg31[%dma_wait3A_37] : memref<3216xf32, #tpu.memory_space<vmem>> -> memref<3200xf32, #tpu.memory_space<vmem>>
      %dma_wait3A_39 = tpu.memref_slice %arg18[%multiple_of3A] : memref<102400xf32, #tpu.memory_space<hbm>> -> memref<3200xf32, #tpu.memory_space<hbm>>
      %dma_wait3A_40 = arith.constant 0 : i32
      %dma_wait3A_41 = tpu.memref_slice %arg31[%dma_wait3A_40] : memref<3216xf32, #tpu.memory_space<vmem>> -> memref<3200xf32, #tpu.memory_space<vmem>>
      %dma_wait3A_42 = tpu.memref_slice %arg18[%multiple_of3A] : memref<102400xf32, #tpu.memory_space<hbm>> -> memref<3200xf32, #tpu.memory_space<hbm>>
      tpu.wait_dma2 semaphore(%run_scoped3A : memref<!tpu.dma_semaphore, #tpu.memory_space<semaphore_mem>>) src(%dma_wait3A_42 : memref<3200xf32, #tpu.memory_space<hbm>>) dst(%dma_wait3A_41 : memref<3200xf32, #tpu.memory_space<vmem>>)
      tpu.yield
    }) : () -> ()
    "tpu.region"() ({
      %run_scoped3A = tpu.sem_alloc : memref<!tpu.dma_semaphore, #tpu.memory_space<semaphore_mem>>
      %dma_start3A = tpu.memref_slice %arg13[%multiple_of3A] : memref<102400xi32, #tpu.memory_space<hbm>> -> memref<3200xi32, #tpu.memory_space<hbm>>
      %dma_start3A_32 = tpu.memref_slice %arg13[%multiple_of3A] : memref<102400xi32, #tpu.memory_space<hbm>> -> memref<3200xi32, #tpu.memory_space<hbm>>
      tpu.enqueue_dma source(%dma_start3A_32 : memref<3200xi32, #tpu.memory_space<hbm>>) target(%arg26 : memref<3200xi32, #tpu.memory_space<vmem>>) target_semaphore(%run_scoped3A : memref<!tpu.dma_semaphore, #tpu.memory_space<semaphore_mem>>)
      %dma_wait3A_33 = tpu.memref_slice %arg13[%multiple_of3A] : memref<102400xi32, #tpu.memory_space<hbm>> -> memref<3200xi32, #tpu.memory_space<hbm>>
      %dma_wait3A_34 = tpu.memref_slice %arg13[%multiple_of3A] : memref<102400xi32, #tpu.memory_space<hbm>> -> memref<3200xi32, #tpu.memory_space<hbm>>
      tpu.wait_dma2 semaphore(%run_scoped3A : memref<!tpu.dma_semaphore, #tpu.memory_space<semaphore_mem>>) src(%dma_wait3A_34 : memref<3200xi32, #tpu.memory_space<hbm>>) dst(%arg26 : memref<3200xi32, #tpu.memory_space<vmem>>)
      tpu.yield
    }) : () -> ()
    "tpu.region"() ({
      %run_scoped3A = tpu.sem_alloc : memref<!tpu.dma_semaphore, #tpu.memory_space<semaphore_mem>>
      %dma_start3A = arith.constant 0 : i32
      %dma_start3A_32 = tpu.memref_slice %arg32[%dma_start3A] : memref<3216xf32, #tpu.memory_space<vmem>> -> memref<3200xf32, #tpu.memory_space<vmem>>
      %dma_start3A_33 = tpu.memref_slice %arg19[%multiple_of3A] : memref<102400xf32, #tpu.memory_space<hbm>> -> memref<3200xf32, #tpu.memory_space<hbm>>
      %dma_start3A_34 = arith.constant 0 : i32
      %dma_start3A_35 = tpu.memref_slice %arg32[%dma_start3A_34] : memref<3216xf32, #tpu.memory_space<vmem>> -> memref<3200xf32, #tpu.memory_space<vmem>>
      %dma_start3A_36 = tpu.memref_slice %arg19[%multiple_of3A] : memref<102400xf32, #tpu.memory_space<hbm>> -> memref<3200xf32, #tpu.memory_space<hbm>>
      tpu.enqueue_dma source(%dma_start3A_36 : memref<3200xf32, #tpu.memory_space<hbm>>) target(%dma_start3A_35 : memref<3200xf32, #tpu.memory_space<vmem>>) target_semaphore(%run_scoped3A : memref<!tpu.dma_semaphore, #tpu.memory_space<semaphore_mem>>)
      %dma_wait3A_37 = arith.constant 0 : i32
      %dma_wait3A_38 = tpu.memref_slice %arg32[%dma_wait3A_37] : memref<3216xf32, #tpu.memory_space<vmem>> -> memref<3200xf32, #tpu.memory_space<vmem>>
      %dma_wait3A_39 = tpu.memref_slice %arg19[%multiple_of3A] : memref<102400xf32, #tpu.memory_space<hbm>> -> memref<3200xf32, #tpu.memory_space<hbm>>
      %dma_wait3A_40 = arith.constant 0 : i32
      %dma_wait3A_41 = tpu.memref_slice %arg32[%dma_wait3A_40] : memref<3216xf32, #tpu.memory_space<vmem>> -> memref<3200xf32, #tpu.memory_space<vmem>>
      %dma_wait3A_42 = tpu.memref_slice %arg19[%multiple_of3A] : memref<102400xf32, #tpu.memory_space<hbm>> -> memref<3200xf32, #tpu.memory_space<hbm>>
      tpu.wait_dma2 semaphore(%run_scoped3A : memref<!tpu.dma_semaphore, #tpu.memory_space<semaphore_mem>>) src(%dma_wait3A_42 : memref<3200xf32, #tpu.memory_space<hbm>>) dst(%dma_wait3A_41 : memref<3200xf32, #tpu.memory_space<vmem>>)
      tpu.yield
    }) : () -> ()
    "tpu.region"() ({
      %run_scoped3A = tpu.sem_alloc : memref<!tpu.dma_semaphore, #tpu.memory_space<semaphore_mem>>
      %dma_start3A = tpu.memref_slice %arg14[%multiple_of3A] : memref<102400xi32, #tpu.memory_space<hbm>> -> memref<3200xi32, #tpu.memory_space<hbm>>
      %dma_start3A_32 = tpu.memref_slice %arg14[%multiple_of3A] : memref<102400xi32, #tpu.memory_space<hbm>> -> memref<3200xi32, #tpu.memory_space<hbm>>
      tpu.enqueue_dma source(%dma_start3A_32 : memref<3200xi32, #tpu.memory_space<hbm>>) target(%arg27 : memref<3200xi32, #tpu.memory_space<vmem>>) target_semaphore(%run_scoped3A : memref<!tpu.dma_semaphore, #tpu.memory_space<semaphore_mem>>)
      %dma_wait3A_33 = tpu.memref_slice %arg14[%multiple_of3A] : memref<102400xi32, #tpu.memory_space<hbm>> -> memref<3200xi32, #tpu.memory_space<hbm>>
      %dma_wait3A_34 = tpu.memref_slice %arg14[%multiple_of3A] : memref<102400xi32, #tpu.memory_space<hbm>> -> memref<3200xi32, #tpu.memory_space<hbm>>
      tpu.wait_dma2 semaphore(%run_scoped3A : memref<!tpu.dma_semaphore, #tpu.memory_space<semaphore_mem>>) src(%dma_wait3A_34 : memref<3200xi32, #tpu.memory_space<hbm>>) dst(%arg27 : memref<3200xi32, #tpu.memory_space<vmem>>)
      tpu.yield
    }) : () -> ()
    "tpu.region"() ({
      %run_scoped3A = tpu.sem_alloc : memref<!tpu.dma_semaphore, #tpu.memory_space<semaphore_mem>>
      %dma_start3A = arith.constant 0 : i32
      %dma_start3A_32 = tpu.memref_slice %arg33[%dma_start3A] : memref<3216xf32, #tpu.memory_space<vmem>> -> memref<3200xf32, #tpu.memory_space<vmem>>
      %dma_start3A_33 = tpu.memref_slice %arg20[%multiple_of3A] : memref<102400xf32, #tpu.memory_space<hbm>> -> memref<3200xf32, #tpu.memory_space<hbm>>
      %dma_start3A_34 = arith.constant 0 : i32
      %dma_start3A_35 = tpu.memref_slice %arg33[%dma_start3A_34] : memref<3216xf32, #tpu.memory_space<vmem>> -> memref<3200xf32, #tpu.memory_space<vmem>>
      %dma_start3A_36 = tpu.memref_slice %arg20[%multiple_of3A] : memref<102400xf32, #tpu.memory_space<hbm>> -> memref<3200xf32, #tpu.memory_space<hbm>>
      tpu.enqueue_dma source(%dma_start3A_36 : memref<3200xf32, #tpu.memory_space<hbm>>) target(%dma_start3A_35 : memref<3200xf32, #tpu.memory_space<vmem>>) target_semaphore(%run_scoped3A : memref<!tpu.dma_semaphore, #tpu.memory_space<semaphore_mem>>)
      %dma_wait3A_37 = arith.constant 0 : i32
      %dma_wait3A_38 = tpu.memref_slice %arg33[%dma_wait3A_37] : memref<3216xf32, #tpu.memory_space<vmem>> -> memref<3200xf32, #tpu.memory_space<vmem>>
      %dma_wait3A_39 = tpu.memref_slice %arg20[%multiple_of3A] : memref<102400xf32, #tpu.memory_space<hbm>> -> memref<3200xf32, #tpu.memory_space<hbm>>
      %dma_wait3A_40 = arith.constant 0 : i32
      %dma_wait3A_41 = tpu.memref_slice %arg33[%dma_wait3A_40] : memref<3216xf32, #tpu.memory_space<vmem>> -> memref<3200xf32, #tpu.memory_space<vmem>>
      %dma_wait3A_42 = tpu.memref_slice %arg20[%multiple_of3A] : memref<102400xf32, #tpu.memory_space<hbm>> -> memref<3200xf32, #tpu.memory_space<hbm>>
      tpu.wait_dma2 semaphore(%run_scoped3A : memref<!tpu.dma_semaphore, #tpu.memory_space<semaphore_mem>>) src(%dma_wait3A_42 : memref<3200xf32, #tpu.memory_space<hbm>>) dst(%dma_wait3A_41 : memref<3200xf32, #tpu.memory_space<vmem>>)
      tpu.yield
    }) : () -> ()
    %eq3A = arith.constant 31 : i32
    %eq3A_3 = arith.cmpi eq, %add3A, %eq3A : i32
    %jit3A = arith.constant 10 : i32
    %jit3A_4 = arith.constant 40 : i32
    %select_n3A = arith.select %eq3A_3, %jit3A, %jit3A_4 : i32
    %while3A = arith.constant 0 : i32
    %while3A_5 = arith.constant 0 : i32
    %while3A_6 = arith.subi %select_n3A, %while3A_5 : i32
    %while3A_7 = arith.addi %while3A_5, %while3A_6 : i32
    %while3A_8 = arith.constant 1 : i32
    %while3A_9 = arith.divsi %while3A_6, %while3A_8 : i32
    %while3A_10 = arith.muli %while3A_9, %while3A_8 : i32
    %while3A_11 = arith.addi %while3A_5, %while3A_10 : i32
    %while3A_12 = arith.constant 1 : i32
    scf.for %while3A_32 = %while3A_5 to %while3A_11 step %while3A_12  : i32 {
      %and3A_33 = arith.constant 1 : i32
      %and3A_34 = arith.andi %while3A_32, %and3A_33 : i32
      %mul3A_35 = arith.constant 80 : i32
      %mul3A_36 = arith.muli %and3A_34, %mul3A_35 : i32
      %multiple_of3A_37 = tpu.assume_multiple %mul3A_36, 8 : i32
      %mul3A_38 = arith.constant 80 : i32
      %mul3A_39 = arith.muli %while3A_32, %mul3A_38 : i32
      %multiple_of3A_40 = tpu.assume_multiple %mul3A_39, 8 : i32
      %mul3A_41 = arith.constant 3200 : i32
      %mul3A_42 = arith.muli %add3A, %mul3A_41 : i32
      %mul3A_43 = arith.constant 80 : i32
      %mul3A_44 = arith.muli %while3A_32, %mul3A_43 : i32
      %add3A_45 = arith.addi %mul3A_42, %mul3A_44 : i32
      %multiple_of3A_46 = tpu.assume_multiple %add3A_45, 8 : i32
      %dma_start3A = tpu.memref_slice %arg22[%multiple_of3A_40] : memref<3200xi32, #tpu.memory_space<vmem>> -> memref<80xi32, #tpu.memory_space<vmem>>
      %dma_start3A_47 = arith.constant 0 : i32
      %dma_start3A_48 = arith.constant 0 : i32
      %dma_start3A_49 = tpu.memref_slice %arg2[%dma_start3A_47, %dma_start3A_48] : memref<100000x128xf32, #tpu.memory_space<hbm>> -> memref<100000x128xf32, #tpu.memory_space<hbm>>
      tpu.enqueue_indirect_dma source(%dma_start3A_49 : memref<100000x128xf32, #tpu.memory_space<hbm>>) target(%arg34 : memref<80x128xf32, #tpu.memory_space<vmem>>) offsets(%dma_start3A : memref<80xi32, #tpu.memory_space<vmem>>) semaphore(%arg41 : memref<!tpu.dma_semaphore, #tpu.memory_space<semaphore_mem>>)
      %dma_start3A_50 = tpu.memref_slice %arg23[%multiple_of3A_40] : memref<3200xi32, #tpu.memory_space<vmem>> -> memref<80xi32, #tpu.memory_space<vmem>>
      %dma_start3A_51 = arith.constant 0 : i32
      %dma_start3A_52 = arith.constant 0 : i32
      %dma_start3A_53 = tpu.memref_slice %arg3[%dma_start3A_51, %dma_start3A_52] : memref<100000x128xf32, #tpu.memory_space<hbm>> -> memref<100000x128xf32, #tpu.memory_space<hbm>>
      tpu.enqueue_indirect_dma source(%dma_start3A_53 : memref<100000x128xf32, #tpu.memory_space<hbm>>) target(%arg35 : memref<80x128xf32, #tpu.memory_space<vmem>>) offsets(%dma_start3A_50 : memref<80xi32, #tpu.memory_space<vmem>>) semaphore(%arg41 : memref<!tpu.dma_semaphore, #tpu.memory_space<semaphore_mem>>)
      %dma_start3A_54 = tpu.memref_slice %arg24[%multiple_of3A_40] : memref<3200xi32, #tpu.memory_space<vmem>> -> memref<80xi32, #tpu.memory_space<vmem>>
      %dma_start3A_55 = arith.constant 0 : i32
      %dma_start3A_56 = arith.constant 0 : i32
      %dma_start3A_57 = tpu.memref_slice %arg4[%dma_start3A_55, %dma_start3A_56] : memref<100000x128xf32, #tpu.memory_space<hbm>> -> memref<100000x128xf32, #tpu.memory_space<hbm>>
      tpu.enqueue_indirect_dma source(%dma_start3A_57 : memref<100000x128xf32, #tpu.memory_space<hbm>>) target(%arg36 : memref<80x128xf32, #tpu.memory_space<vmem>>) offsets(%dma_start3A_54 : memref<80xi32, #tpu.memory_space<vmem>>) semaphore(%arg41 : memref<!tpu.dma_semaphore, #tpu.memory_space<semaphore_mem>>)
      %dma_start3A_58 = tpu.memref_slice %arg25[%multiple_of3A_40] : memref<3200xi32, #tpu.memory_space<vmem>> -> memref<80xi32, #tpu.memory_space<vmem>>
      %dma_start3A_59 = arith.constant 0 : i32
      %dma_start3A_60 = arith.constant 0 : i32
      %dma_start3A_61 = tpu.memref_slice %arg5[%dma_start3A_59, %dma_start3A_60] : memref<100000x128xf32, #tpu.memory_space<hbm>> -> memref<100000x128xf32, #tpu.memory_space<hbm>>
      tpu.enqueue_indirect_dma source(%dma_start3A_61 : memref<100000x128xf32, #tpu.memory_space<hbm>>) target(%arg37 : memref<80x128xf32, #tpu.memory_space<vmem>>) offsets(%dma_start3A_58 : memref<80xi32, #tpu.memory_space<vmem>>) semaphore(%arg41 : memref<!tpu.dma_semaphore, #tpu.memory_space<semaphore_mem>>)
      %dma_start3A_62 = tpu.memref_slice %arg26[%multiple_of3A_40] : memref<3200xi32, #tpu.memory_space<vmem>> -> memref<80xi32, #tpu.memory_space<vmem>>
      %dma_start3A_63 = arith.constant 0 : i32
      %dma_start3A_64 = arith.constant 0 : i32
      %dma_start3A_65 = tpu.memref_slice %arg6[%dma_start3A_63, %dma_start3A_64] : memref<100000x128xf32, #tpu.memory_space<hbm>> -> memref<100000x128xf32, #tpu.memory_space<hbm>>
      tpu.enqueue_indirect_dma source(%dma_start3A_65 : memref<100000x128xf32, #tpu.memory_space<hbm>>) target(%arg38 : memref<80x128xf32, #tpu.memory_space<vmem>>) offsets(%dma_start3A_62 : memref<80xi32, #tpu.memory_space<vmem>>) semaphore(%arg41 : memref<!tpu.dma_semaphore, #tpu.memory_space<semaphore_mem>>)
      %dma_start3A_66 = tpu.memref_slice %arg27[%multiple_of3A_40] : memref<3200xi32, #tpu.memory_space<vmem>> -> memref<80xi32, #tpu.memory_space<vmem>>
      %dma_start3A_67 = arith.constant 0 : i32
      %dma_start3A_68 = arith.constant 0 : i32
      %dma_start3A_69 = tpu.memref_slice %arg7[%dma_start3A_67, %dma_start3A_68] : memref<100000x128xf32, #tpu.memory_space<hbm>> -> memref<100000x128xf32, #tpu.memory_space<hbm>>
      tpu.enqueue_indirect_dma source(%dma_start3A_69 : memref<100000x128xf32, #tpu.memory_space<hbm>>) target(%arg39 : memref<80x128xf32, #tpu.memory_space<vmem>>) offsets(%dma_start3A_66 : memref<80xi32, #tpu.memory_space<vmem>>) semaphore(%arg41 : memref<!tpu.dma_semaphore, #tpu.memory_space<semaphore_mem>>)
      %ge3A = arith.constant 1 : i32
      %ge3A_70 = arith.cmpi sge, %while3A_32, %ge3A : i32
      %convert_element_type3A = arith.extui %ge3A_70 : i1 to i32
      %cond3A = arith.constant 0 : i32
      %cond3A_71 = arith.cmpi ne, %convert_element_type3A, %cond3A : i32
      scf.if %cond3A_71 {
        %sub3A_133 = arith.constant 1 : i32
        %sub3A_134 = arith.subi %while3A_32, %sub3A_133 : i32
        %mul3A_135 = arith.constant 3200 : i32
        %mul3A_136 = arith.muli %add3A, %mul3A_135 : i32
        %mul3A_137 = arith.constant 80 : i32
        %mul3A_138 = arith.muli %sub3A_134, %mul3A_137 : i32
        %add3A_139 = arith.addi %mul3A_136, %mul3A_138 : i32
        %multiple_of3A_140 = tpu.assume_multiple %add3A_139, 8 : i32
        %and3A_141 = arith.constant 1 : i32
        %and3A_142 = arith.andi %sub3A_134, %and3A_141 : i32
        %mul3A_143 = arith.constant 80 : i32
        %mul3A_144 = arith.muli %and3A_142, %mul3A_143 : i32
        %multiple_of3A_145 = tpu.assume_multiple %mul3A_144, 8 : i32
        %dma_wait3A_146 = arith.constant 0 : i32
        %dma_wait3A_147 = tpu.memref_slice %arg40[%multiple_of3A_145, %dma_wait3A_146] : memref<160x128xf32, #tpu.memory_space<vmem>> -> memref<80x128xf32, #tpu.memory_space<vmem>>
        %dma_wait3A_148 = arith.constant 0 : i32
        %dma_wait3A_149 = tpu.memref_slice %arg21[%multiple_of3A_140, %dma_wait3A_148] : memref<100000x128xf32, #tpu.memory_space<hbm>> -> memref<80x128xf32, #tpu.memory_space<hbm>>
        %dma_wait3A_150 = arith.constant 0 : i32
        %dma_wait3A_151 = tpu.memref_slice %arg21[%multiple_of3A_140, %dma_wait3A_150] : memref<100000x128xf32, #tpu.memory_space<hbm>> -> memref<80x128xf32, #tpu.memory_space<hbm>>
        %dma_wait3A_152 = arith.constant 0 : i32
        %dma_wait3A_153 = tpu.memref_slice %arg40[%multiple_of3A_145, %dma_wait3A_152] : memref<160x128xf32, #tpu.memory_space<vmem>> -> memref<80x128xf32, #tpu.memory_space<vmem>>
        tpu.wait_dma2 semaphore(%arg43 : memref<!tpu.dma_semaphore, #tpu.memory_space<semaphore_mem>>) src(%dma_wait3A_153 : memref<80x128xf32, #tpu.memory_space<vmem>>) dst(%dma_wait3A_151 : memref<80x128xf32, #tpu.memory_space<hbm>>)
      } else {
      }
      %dma_start3A_72 = arith.constant 0 : i32
      %dma_start3A_73 = tpu.memref_slice %arg40[%multiple_of3A_37, %dma_start3A_72] : memref<160x128xf32, #tpu.memory_space<vmem>> -> memref<80x128xf32, #tpu.memory_space<vmem>>
      %dma_start3A_74 = arith.constant 0 : i32
      %dma_start3A_75 = tpu.memref_slice %arg8[%multiple_of3A_46, %dma_start3A_74] : memref<100000x128xf32, #tpu.memory_space<hbm>> -> memref<80x128xf32, #tpu.memory_space<hbm>>
      %dma_start3A_76 = arith.constant 0 : i32
      %dma_start3A_77 = tpu.memref_slice %arg40[%multiple_of3A_37, %dma_start3A_76] : memref<160x128xf32, #tpu.memory_space<vmem>> -> memref<80x128xf32, #tpu.memory_space<vmem>>
      %dma_start3A_78 = arith.constant 0 : i32
      %dma_start3A_79 = tpu.memref_slice %arg8[%multiple_of3A_46, %dma_start3A_78] : memref<100000x128xf32, #tpu.memory_space<hbm>> -> memref<80x128xf32, #tpu.memory_space<hbm>>
      tpu.enqueue_dma source(%dma_start3A_79 : memref<80x128xf32, #tpu.memory_space<hbm>>) target(%dma_start3A_77 : memref<80x128xf32, #tpu.memory_space<vmem>>) target_semaphore(%arg42 : memref<!tpu.dma_semaphore, #tpu.memory_space<semaphore_mem>>)
      %dma_wait3A_80 = arith.constant 0 : i32
      %dma_wait3A_81 = tpu.memref_slice %arg40[%multiple_of3A_37, %dma_wait3A_80] : memref<160x128xf32, #tpu.memory_space<vmem>> -> memref<80x128xf32, #tpu.memory_space<vmem>>
      %dma_wait3A_82 = arith.constant 0 : i32
      %dma_wait3A_83 = tpu.memref_slice %arg8[%multiple_of3A_46, %dma_wait3A_82] : memref<100000x128xf32, #tpu.memory_space<hbm>> -> memref<80x128xf32, #tpu.memory_space<hbm>>
      %dma_wait3A_84 = arith.constant 0 : i32
      %dma_wait3A_85 = tpu.memref_slice %arg40[%multiple_of3A_37, %dma_wait3A_84] : memref<160x128xf32, #tpu.memory_space<vmem>> -> memref<80x128xf32, #tpu.memory_space<vmem>>
      %dma_wait3A_86 = arith.constant 0 : i32
      %dma_wait3A_87 = tpu.memref_slice %arg8[%multiple_of3A_46, %dma_wait3A_86] : memref<100000x128xf32, #tpu.memory_space<hbm>> -> memref<80x128xf32, #tpu.memory_space<hbm>>
      tpu.wait_dma2 semaphore(%arg42 : memref<!tpu.dma_semaphore, #tpu.memory_space<semaphore_mem>>) src(%dma_wait3A_87 : memref<80x128xf32, #tpu.memory_space<hbm>>) dst(%dma_wait3A_85 : memref<80x128xf32, #tpu.memory_space<vmem>>)
      %dma_wait3A_88 = tpu.memref_slice %arg22[%multiple_of3A_40] : memref<3200xi32, #tpu.memory_space<vmem>> -> memref<80xi32, #tpu.memory_space<vmem>>
      %dma_wait3A_89 = arith.constant 0 : i32
      %dma_wait3A_90 = arith.constant 0 : i32
      %dma_wait3A_91 = tpu.memref_slice %arg2[%dma_wait3A_89, %dma_wait3A_90] : memref<100000x128xf32, #tpu.memory_space<hbm>> -> memref<100000x128xf32, #tpu.memory_space<hbm>>
      tpu.wait_indirect_dma semaphore(%arg41 : memref<!tpu.dma_semaphore, #tpu.memory_space<semaphore_mem>>) src(%dma_wait3A_91 : memref<100000x128xf32, #tpu.memory_space<hbm>>) dst(%arg34 : memref<80x128xf32, #tpu.memory_space<vmem>>)
      %dma_wait3A_92 = tpu.memref_slice %arg23[%multiple_of3A_40] : memref<3200xi32, #tpu.memory_space<vmem>> -> memref<80xi32, #tpu.memory_space<vmem>>
      %dma_wait3A_93 = arith.constant 0 : i32
      %dma_wait3A_94 = arith.constant 0 : i32
      %dma_wait3A_95 = tpu.memref_slice %arg3[%dma_wait3A_93, %dma_wait3A_94] : memref<100000x128xf32, #tpu.memory_space<hbm>> -> memref<100000x128xf32, #tpu.memory_space<hbm>>
      tpu.wait_indirect_dma semaphore(%arg41 : memref<!tpu.dma_semaphore, #tpu.memory_space<semaphore_mem>>) src(%dma_wait3A_95 : memref<100000x128xf32, #tpu.memory_space<hbm>>) dst(%arg35 : memref<80x128xf32, #tpu.memory_space<vmem>>)
      %dma_wait3A_96 = tpu.memref_slice %arg24[%multiple_of3A_40] : memref<3200xi32, #tpu.memory_space<vmem>> -> memref<80xi32, #tpu.memory_space<vmem>>
      %dma_wait3A_97 = arith.constant 0 : i32
      %dma_wait3A_98 = arith.constant 0 : i32
      %dma_wait3A_99 = tpu.memref_slice %arg4[%dma_wait3A_97, %dma_wait3A_98] : memref<100000x128xf32, #tpu.memory_space<hbm>> -> memref<100000x128xf32, #tpu.memory_space<hbm>>
      tpu.wait_indirect_dma semaphore(%arg41 : memref<!tpu.dma_semaphore, #tpu.memory_space<semaphore_mem>>) src(%dma_wait3A_99 : memref<100000x128xf32, #tpu.memory_space<hbm>>) dst(%arg36 : memref<80x128xf32, #tpu.memory_space<vmem>>)
      %dma_wait3A_100 = tpu.memref_slice %arg25[%multiple_of3A_40] : memref<3200xi32, #tpu.memory_space<vmem>> -> memref<80xi32, #tpu.memory_space<vmem>>
      %dma_wait3A_101 = arith.constant 0 : i32
      %dma_wait3A_102 = arith.constant 0 : i32
      %dma_wait3A_103 = tpu.memref_slice %arg5[%dma_wait3A_101, %dma_wait3A_102] : memref<100000x128xf32, #tpu.memory_space<hbm>> -> memref<100000x128xf32, #tpu.memory_space<hbm>>
      tpu.wait_indirect_dma semaphore(%arg41 : memref<!tpu.dma_semaphore, #tpu.memory_space<semaphore_mem>>) src(%dma_wait3A_103 : memref<100000x128xf32, #tpu.memory_space<hbm>>) dst(%arg37 : memref<80x128xf32, #tpu.memory_space<vmem>>)
      %dma_wait3A_104 = tpu.memref_slice %arg26[%multiple_of3A_40] : memref<3200xi32, #tpu.memory_space<vmem>> -> memref<80xi32, #tpu.memory_space<vmem>>
      %dma_wait3A_105 = arith.constant 0 : i32
      %dma_wait3A_106 = arith.constant 0 : i32
      %dma_wait3A_107 = tpu.memref_slice %arg6[%dma_wait3A_105, %dma_wait3A_106] : memref<100000x128xf32, #tpu.memory_space<hbm>> -> memref<100000x128xf32, #tpu.memory_space<hbm>>
      tpu.wait_indirect_dma semaphore(%arg41 : memref<!tpu.dma_semaphore, #tpu.memory_space<semaphore_mem>>) src(%dma_wait3A_107 : memref<100000x128xf32, #tpu.memory_space<hbm>>) dst(%arg38 : memref<80x128xf32, #tpu.memory_space<vmem>>)
      %dma_wait3A_108 = tpu.memref_slice %arg27[%multiple_of3A_40] : memref<3200xi32, #tpu.memory_space<vmem>> -> memref<80xi32, #tpu.memory_space<vmem>>
      %dma_wait3A_109 = arith.constant 0 : i32
      %dma_wait3A_110 = arith.constant 0 : i32
      %dma_wait3A_111 = tpu.memref_slice %arg7[%dma_wait3A_109, %dma_wait3A_110] : memref<100000x128xf32, #tpu.memory_space<hbm>> -> memref<100000x128xf32, #tpu.memory_space<hbm>>
      tpu.wait_indirect_dma semaphore(%arg41 : memref<!tpu.dma_semaphore, #tpu.memory_space<semaphore_mem>>) src(%dma_wait3A_111 : memref<100000x128xf32, #tpu.memory_space<hbm>>) dst(%arg39 : memref<80x128xf32, #tpu.memory_space<vmem>>)
      %parallel_loop3A = arith.constant 0 : i32
      %parallel_loop3A_112 = arith.constant 80 : i32
      %parallel_loop3A_113 = arith.constant 1 : i32
      scf.for %parallel_loop3A_133 = %parallel_loop3A to %parallel_loop3A_112 step %parallel_loop3A_113  : i32 {
        %parallel_loop3A_134 = arith.addi %multiple_of3A_40, %parallel_loop3A_133 : i32
        %parallel_loop3A_135 = arith.index_cast %parallel_loop3A_134 : i32 to index
        %parallel_loop3A_136 = tpu.vector_load %arg28[%parallel_loop3A_135] {strides = array<i32>} : memref<3216xf32, #tpu.memory_space<vmem>>, vector<16xf32>,
        %parallel_loop3A_137 = vector.shape_cast %parallel_loop3A_136 : vector<16xf32> to vector<16xf32>
        %parallel_loop3A_138 = vector.extract_strided_slice %parallel_loop3A_137 {offsets = [0], sizes = [1], strides = [1]} : vector<16xf32> to vector<1xf32>
        %parallel_loop3A_139 = vector.extract %parallel_loop3A_138[0] : f32 from vector<1xf32>
        %parallel_loop3A_140 = arith.index_cast %parallel_loop3A_134 : i32 to index
        %parallel_loop3A_141 = tpu.vector_load %arg29[%parallel_loop3A_140] {strides = array<i32>} : memref<3216xf32, #tpu.memory_space<vmem>>, vector<16xf32>,
        %parallel_loop3A_142 = vector.shape_cast %parallel_loop3A_141 : vector<16xf32> to vector<16xf32>
        %parallel_loop3A_143 = vector.extract_strided_slice %parallel_loop3A_142 {offsets = [0], sizes = [1], strides = [1]} : vector<16xf32> to vector<1xf32>
        %parallel_loop3A_144 = vector.extract %parallel_loop3A_143[0] : f32 from vector<1xf32>
        %parallel_loop3A_145 = arith.index_cast %parallel_loop3A_134 : i32 to index
        %parallel_loop3A_146 = tpu.vector_load %arg30[%parallel_loop3A_145] {strides = array<i32>} : memref<3216xf32, #tpu.memory_space<vmem>>, vector<16xf32>,
        %parallel_loop3A_147 = vector.shape_cast %parallel_loop3A_146 : vector<16xf32> to vector<16xf32>
        %parallel_loop3A_148 = vector.extract_strided_slice %parallel_loop3A_147 {offsets = [0], sizes = [1], strides = [1]} : vector<16xf32> to vector<1xf32>
        %parallel_loop3A_149 = vector.extract %parallel_loop3A_148[0] : f32 from vector<1xf32>
        %parallel_loop3A_150 = arith.index_cast %parallel_loop3A_134 : i32 to index
        %parallel_loop3A_151 = tpu.vector_load %arg31[%parallel_loop3A_150] {strides = array<i32>} : memref<3216xf32, #tpu.memory_space<vmem>>, vector<16xf32>,
        %parallel_loop3A_152 = vector.shape_cast %parallel_loop3A_151 : vector<16xf32> to vector<16xf32>
        %parallel_loop3A_153 = vector.extract_strided_slice %parallel_loop3A_152 {offsets = [0], sizes = [1], strides = [1]} : vector<16xf32> to vector<1xf32>
        %parallel_loop3A_154 = vector.extract %parallel_loop3A_153[0] : f32 from vector<1xf32>
        %parallel_loop3A_155 = arith.index_cast %parallel_loop3A_134 : i32 to index
        %parallel_loop3A_156 = tpu.vector_load %arg32[%parallel_loop3A_155] {strides = array<i32>} : memref<3216xf32, #tpu.memory_space<vmem>>, vector<16xf32>,
        %parallel_loop3A_157 = vector.shape_cast %parallel_loop3A_156 : vector<16xf32> to vector<16xf32>
        %parallel_loop3A_158 = vector.extract_strided_slice %parallel_loop3A_157 {offsets = [0], sizes = [1], strides = [1]} : vector<16xf32> to vector<1xf32>
        %parallel_loop3A_159 = vector.extract %parallel_loop3A_158[0] : f32 from vector<1xf32>
        %parallel_loop3A_160 = arith.index_cast %parallel_loop3A_134 : i32 to index
        %parallel_loop3A_161 = tpu.vector_load %arg33[%parallel_loop3A_160] {strides = array<i32>} : memref<3216xf32, #tpu.memory_space<vmem>>, vector<16xf32>,
        %parallel_loop3A_162 = vector.shape_cast %parallel_loop3A_161 : vector<16xf32> to vector<16xf32>
        %parallel_loop3A_163 = vector.extract_strided_slice %parallel_loop3A_162 {offsets = [0], sizes = [1], strides = [1]} : vector<16xf32> to vector<1xf32>
        %parallel_loop3A_164 = vector.extract %parallel_loop3A_163[0] : f32 from vector<1xf32>
        %parallel_loop3A_165 = arith.addi %multiple_of3A_37, %parallel_loop3A_133 : i32
        %parallel_loop3A_166 = arith.index_cast %parallel_loop3A_165 : i32 to index
        %parallel_loop3A_167 = arith.constant 0 : index
        %parallel_loop3A_168 = tpu.vector_load %arg40[%parallel_loop3A_166, %parallel_loop3A_167] {strides = array<i32>} : memref<160x128xf32, #tpu.memory_space<vmem>>, vector<1x16xf32>,
        %parallel_loop3A_169 = vector.shape_cast %parallel_loop3A_168 : vector<1x16xf32> to vector<16xf32>
        %parallel_loop3A_170 = arith.index_cast %parallel_loop3A_133 : i32 to index
        %parallel_loop3A_171 = arith.constant 0 : index
        %parallel_loop3A_172 = tpu.vector_load %arg34[%parallel_loop3A_170, %parallel_loop3A_171] {strides = array<i32>} : memref<80x128xf32, #tpu.memory_space<vmem>>, vector<1x16xf32>,
        %parallel_loop3A_173 = vector.shape_cast %parallel_loop3A_172 : vector<1x16xf32> to vector<16xf32>
        %parallel_loop3A_174 = vector.broadcast %parallel_loop3A_139 : f32 to vector<16xf32>
        %parallel_loop3A_175 = arith.mulf %parallel_loop3A_174, %parallel_loop3A_173 : vector<16xf32>
        %parallel_loop3A_176 = arith.addf %parallel_loop3A_169, %parallel_loop3A_175 : vector<16xf32>
        %parallel_loop3A_177 = arith.index_cast %parallel_loop3A_133 : i32 to index
        %parallel_loop3A_178 = arith.constant 0 : index
        %parallel_loop3A_179 = tpu.vector_load %arg35[%parallel_loop3A_177, %parallel_loop3A_178] {strides = array<i32>} : memref<80x128xf32, #tpu.memory_space<vmem>>, vector<1x16xf32>,
        %parallel_loop3A_180 = vector.shape_cast %parallel_loop3A_179 : vector<1x16xf32> to vector<16xf32>
        %parallel_loop3A_181 = vector.broadcast %parallel_loop3A_144 : f32 to vector<16xf32>
        %parallel_loop3A_182 = arith.mulf %parallel_loop3A_181, %parallel_loop3A_180 : vector<16xf32>
        %parallel_loop3A_183 = arith.addf %parallel_loop3A_176, %parallel_loop3A_182 : vector<16xf32>
        %parallel_loop3A_184 = arith.index_cast %parallel_loop3A_133 : i32 to index
        %parallel_loop3A_185 = arith.constant 0 : index
        %parallel_loop3A_186 = tpu.vector_load %arg36[%parallel_loop3A_184, %parallel_loop3A_185] {strides = array<i32>} : memref<80x128xf32, #tpu.memory_space<vmem>>, vector<1x16xf32>,
        %parallel_loop3A_187 = vector.shape_cast %parallel_loop3A_186 : vector<1x16xf32> to vector<16xf32>
        %parallel_loop3A_188 = vector.broadcast %parallel_loop3A_149 : f32 to vector<16xf32>
        %parallel_loop3A_189 = arith.mulf %parallel_loop3A_188, %parallel_loop3A_187 : vector<16xf32>
        %parallel_loop3A_190 = arith.addf %parallel_loop3A_183, %parallel_loop3A_189 : vector<16xf32>
        %parallel_loop3A_191 = arith.index_cast %parallel_loop3A_133 : i32 to index
        %parallel_loop3A_192 = arith.constant 0 : index
        %parallel_loop3A_193 = tpu.vector_load %arg37[%parallel_loop3A_191, %parallel_loop3A_192] {strides = array<i32>} : memref<80x128xf32, #tpu.memory_space<vmem>>, vector<1x16xf32>,
        %parallel_loop3A_194 = vector.shape_cast %parallel_loop3A_193 : vector<1x16xf32> to vector<16xf32>
        %parallel_loop3A_195 = vector.broadcast %parallel_loop3A_154 : f32 to vector<16xf32>
        %parallel_loop3A_196 = arith.mulf %parallel_loop3A_195, %parallel_loop3A_194 : vector<16xf32>
        %parallel_loop3A_197 = arith.addf %parallel_loop3A_190, %parallel_loop3A_196 : vector<16xf32>
        %parallel_loop3A_198 = arith.index_cast %parallel_loop3A_133 : i32 to index
        %parallel_loop3A_199 = arith.constant 0 : index
        %parallel_loop3A_200 = tpu.vector_load %arg38[%parallel_loop3A_198, %parallel_loop3A_199] {strides = array<i32>} : memref<80x128xf32, #tpu.memory_space<vmem>>, vector<1x16xf32>,
        %parallel_loop3A_201 = vector.shape_cast %parallel_loop3A_200 : vector<1x16xf32> to vector<16xf32>
        %parallel_loop3A_202 = vector.broadcast %parallel_loop3A_159 : f32 to vector<16xf32>
        %parallel_loop3A_203 = arith.mulf %parallel_loop3A_202, %parallel_loop3A_201 : vector<16xf32>
        %parallel_loop3A_204 = arith.addf %parallel_loop3A_197, %parallel_loop3A_203 : vector<16xf32>
        %parallel_loop3A_205 = arith.index_cast %parallel_loop3A_133 : i32 to index
        %parallel_loop3A_206 = arith.constant 0 : index
        %parallel_loop3A_207 = tpu.vector_load %arg39[%parallel_loop3A_205, %parallel_loop3A_206] {strides = array<i32>} : memref<80x128xf32, #tpu.memory_space<vmem>>, vector<1x16xf32>,
        %parallel_loop3A_208 = vector.shape_cast %parallel_loop3A_207 : vector<1x16xf32> to vector<16xf32>
        %parallel_loop3A_209 = vector.broadcast %parallel_loop3A_164 : f32 to vector<16xf32>
        %parallel_loop3A_210 = arith.mulf %parallel_loop3A_209, %parallel_loop3A_208 : vector<16xf32>
        %parallel_loop3A_211 = arith.addf %parallel_loop3A_204, %parallel_loop3A_210 : vector<16xf32>
        %parallel_loop3A_212 = arith.addi %multiple_of3A_37, %parallel_loop3A_133 : i32
        %parallel_loop3A_213 = arith.index_cast %parallel_loop3A_212 : i32 to index
        %parallel_loop3A_214 = arith.constant 0 : index
        %parallel_loop3A_215 = tpu.vector_load %arg40[%parallel_loop3A_213, %parallel_loop3A_214] {strides = array<i32>} : memref<160x128xf32, #tpu.memory_space<vmem>>, vector<1x16xf32>,
        %parallel_loop3A_216 = vector.shape_cast %parallel_loop3A_215 : vector<1x16xf32> to vector<16xf32>
        %parallel_loop3A_217 = vector.shape_cast %parallel_loop3A_211 : vector<16xf32> to vector<1x16xf32>
        tpu.vector_store %arg40[%parallel_loop3A_213, %parallel_loop3A_214], %parallel_loop3A_217 {strides = array<i32>} : memref<160x128xf32, #tpu.memory_space<vmem>>, vector<1x16xf32>,
        %parallel_loop3A_218 = arith.addi %multiple_of3A_37, %parallel_loop3A_133 : i32
        %parallel_loop3A_219 = arith.index_cast %parallel_loop3A_218 : i32 to index
        %parallel_loop3A_220 = arith.constant 16 : index
        %parallel_loop3A_221 = tpu.vector_load %arg40[%parallel_loop3A_219, %parallel_loop3A_220] {strides = array<i32>} : memref<160x128xf32, #tpu.memory_space<vmem>>, vector<1x16xf32>,
        %parallel_loop3A_222 = vector.shape_cast %parallel_loop3A_221 : vector<1x16xf32> to vector<16xf32>
        %parallel_loop3A_223 = arith.index_cast %parallel_loop3A_133 : i32 to index
        %parallel_loop3A_224 = arith.constant 16 : index
        %parallel_loop3A_225 = tpu.vector_load %arg34[%parallel_loop3A_223, %parallel_loop3A_224] {strides = array<i32>} : memref<80x128xf32, #tpu.memory_space<vmem>>, vector<1x16xf32>,
        %parallel_loop3A_226 = vector.shape_cast %parallel_loop3A_225 : vector<1x16xf32> to vector<16xf32>
        %parallel_loop3A_227 = vector.broadcast %parallel_loop3A_139 : f32 to vector<16xf32>
        %parallel_loop3A_228 = arith.mulf %parallel_loop3A_227, %parallel_loop3A_226 : vector<16xf32>
        %parallel_loop3A_229 = arith.addf %parallel_loop3A_222, %parallel_loop3A_228 : vector<16xf32>
        %parallel_loop3A_230 = arith.index_cast %parallel_loop3A_133 : i32 to index
        %parallel_loop3A_231 = arith.constant 16 : index
        %parallel_loop3A_232 = tpu.vector_load %arg35[%parallel_loop3A_230, %parallel_loop3A_231] {strides = array<i32>} : memref<80x128xf32, #tpu.memory_space<vmem>>, vector<1x16xf32>,
        %parallel_loop3A_233 = vector.shape_cast %parallel_loop3A_232 : vector<1x16xf32> to vector<16xf32>
        %parallel_loop3A_234 = vector.broadcast %parallel_loop3A_144 : f32 to vector<16xf32>
        %parallel_loop3A_235 = arith.mulf %parallel_loop3A_234, %parallel_loop3A_233 : vector<16xf32>
        %parallel_loop3A_236 = arith.addf %parallel_loop3A_229, %parallel_loop3A_235 : vector<16xf32>
        %parallel_loop3A_237 = arith.index_cast %parallel_loop3A_133 : i32 to index
        %parallel_loop3A_238 = arith.constant 16 : index
        %parallel_loop3A_239 = tpu.vector_load %arg36[%parallel_loop3A_237, %parallel_loop3A_238] {strides = array<i32>} : memref<80x128xf32, #tpu.memory_space<vmem>>, vector<1x16xf32>,
        %parallel_loop3A_240 = vector.shape_cast %parallel_loop3A_239 : vector<1x16xf32> to vector<16xf32>
        %parallel_loop3A_241 = vector.broadcast %parallel_loop3A_149 : f32 to vector<16xf32>
        %parallel_loop3A_242 = arith.mulf %parallel_loop3A_241, %parallel_loop3A_240 : vector<16xf32>
        %parallel_loop3A_243 = arith.addf %parallel_loop3A_236, %parallel_loop3A_242 : vector<16xf32>
        %parallel_loop3A_244 = arith.index_cast %parallel_loop3A_133 : i32 to index
        %parallel_loop3A_245 = arith.constant 16 : index
        %parallel_loop3A_246 = tpu.vector_load %arg37[%parallel_loop3A_244, %parallel_loop3A_245] {strides = array<i32>} : memref<80x128xf32, #tpu.memory_space<vmem>>, vector<1x16xf32>,
        %parallel_loop3A_247 = vector.shape_cast %parallel_loop3A_246 : vector<1x16xf32> to vector<16xf32>
        %parallel_loop3A_248 = vector.broadcast %parallel_loop3A_154 : f32 to vector<16xf32>
        %parallel_loop3A_249 = arith.mulf %parallel_loop3A_248, %parallel_loop3A_247 : vector<16xf32>
        %parallel_loop3A_250 = arith.addf %parallel_loop3A_243, %parallel_loop3A_249 : vector<16xf32>
        %parallel_loop3A_251 = arith.index_cast %parallel_loop3A_133 : i32 to index
        %parallel_loop3A_252 = arith.constant 16 : index
        %parallel_loop3A_253 = tpu.vector_load %arg38[%parallel_loop3A_251, %parallel_loop3A_252] {strides = array<i32>} : memref<80x128xf32, #tpu.memory_space<vmem>>, vector<1x16xf32>,
        %parallel_loop3A_254 = vector.shape_cast %parallel_loop3A_253 : vector<1x16xf32> to vector<16xf32>
        %parallel_loop3A_255 = vector.broadcast %parallel_loop3A_159 : f32 to vector<16xf32>
        %parallel_loop3A_256 = arith.mulf %parallel_loop3A_255, %parallel_loop3A_254 : vector<16xf32>
        %parallel_loop3A_257 = arith.addf %parallel_loop3A_250, %parallel_loop3A_256 : vector<16xf32>
        %parallel_loop3A_258 = arith.index_cast %parallel_loop3A_133 : i32 to index
        %parallel_loop3A_259 = arith.constant 16 : index
        %parallel_loop3A_260 = tpu.vector_load %arg39[%parallel_loop3A_258, %parallel_loop3A_259] {strides = array<i32>} : memref<80x128xf32, #tpu.memory_space<vmem>>, vector<1x16xf32>,
        %parallel_loop3A_261 = vector.shape_cast %parallel_loop3A_260 : vector<1x16xf32> to vector<16xf32>
        %parallel_loop3A_262 = vector.broadcast %parallel_loop3A_164 : f32 to vector<16xf32>
        %parallel_loop3A_263 = arith.mulf %parallel_loop3A_262, %parallel_loop3A_261 : vector<16xf32>
        %parallel_loop3A_264 = arith.addf %parallel_loop3A_257, %parallel_loop3A_263 : vector<16xf32>
        %parallel_loop3A_265 = arith.addi %multiple_of3A_37, %parallel_loop3A_133 : i32
        %parallel_loop3A_266 = arith.index_cast %parallel_loop3A_265 : i32 to index
        %parallel_loop3A_267 = arith.constant 16 : index
        %parallel_loop3A_268 = tpu.vector_load %arg40[%parallel_loop3A_266, %parallel_loop3A_267] {strides = array<i32>} : memref<160x128xf32, #tpu.memory_space<vmem>>, vector<1x16xf32>,
        %parallel_loop3A_269 = vector.shape_cast %parallel_loop3A_268 : vector<1x16xf32> to vector<16xf32>
        %parallel_loop3A_270 = vector.shape_cast %parallel_loop3A_264 : vector<16xf32> to vector<1x16xf32>
        tpu.vector_store %arg40[%parallel_loop3A_266, %parallel_loop3A_267], %parallel_loop3A_270 {strides = array<i32>} : memref<160x128xf32, #tpu.memory_space<vmem>>, vector<1x16xf32>,
        %parallel_loop3A_271 = arith.addi %multiple_of3A_37, %parallel_loop3A_133 : i32
        %parallel_loop3A_272 = arith.index_cast %parallel_loop3A_271 : i32 to index
        %parallel_loop3A_273 = arith.constant 32 : index
        %parallel_loop3A_274 = tpu.vector_load %arg40[%parallel_loop3A_272, %parallel_loop3A_273] {strides = array<i32>} : memref<160x128xf32, #tpu.memory_space<vmem>>, vector<1x16xf32>,
        %parallel_loop3A_275 = vector.shape_cast %parallel_loop3A_274 : vector<1x16xf32> to vector<16xf32>
        %parallel_loop3A_276 = arith.index_cast %parallel_loop3A_133 : i32 to index
        %parallel_loop3A_277 = arith.constant 32 : index
        %parallel_loop3A_278 = tpu.vector_load %arg34[%parallel_loop3A_276, %parallel_loop3A_277] {strides = array<i32>} : memref<80x128xf32, #tpu.memory_space<vmem>>, vector<1x16xf32>,
        %parallel_loop3A_279 = vector.shape_cast %parallel_loop3A_278 : vector<1x16xf32> to vector<16xf32>
        %parallel_loop3A_280 = vector.broadcast %parallel_loop3A_139 : f32 to vector<16xf32>
        %parallel_loop3A_281 = arith.mulf %parallel_loop3A_280, %parallel_loop3A_279 : vector<16xf32>
        %parallel_loop3A_282 = arith.addf %parallel_loop3A_275, %parallel_loop3A_281 : vector<16xf32>
        %parallel_loop3A_283 = arith.index_cast %parallel_loop3A_133 : i32 to index
        %parallel_loop3A_284 = arith.constant 32 : index
        %parallel_loop3A_285 = tpu.vector_load %arg35[%parallel_loop3A_283, %parallel_loop3A_284] {strides = array<i32>} : memref<80x128xf32, #tpu.memory_space<vmem>>, vector<1x16xf32>,
        %parallel_loop3A_286 = vector.shape_cast %parallel_loop3A_285 : vector<1x16xf32> to vector<16xf32>
        %parallel_loop3A_287 = vector.broadcast %parallel_loop3A_144 : f32 to vector<16xf32>
        %parallel_loop3A_288 = arith.mulf %parallel_loop3A_287, %parallel_loop3A_286 : vector<16xf32>
        %parallel_loop3A_289 = arith.addf %parallel_loop3A_282, %parallel_loop3A_288 : vector<16xf32>
        %parallel_loop3A_290 = arith.index_cast %parallel_loop3A_133 : i32 to index
        %parallel_loop3A_291 = arith.constant 32 : index
        %parallel_loop3A_292 = tpu.vector_load %arg36[%parallel_loop3A_290, %parallel_loop3A_291] {strides = array<i32>} : memref<80x128xf32, #tpu.memory_space<vmem>>, vector<1x16xf32>,
        %parallel_loop3A_293 = vector.shape_cast %parallel_loop3A_292 : vector<1x16xf32> to vector<16xf32>
        %parallel_loop3A_294 = vector.broadcast %parallel_loop3A_149 : f32 to vector<16xf32>
        %parallel_loop3A_295 = arith.mulf %parallel_loop3A_294, %parallel_loop3A_293 : vector<16xf32>
        %parallel_loop3A_296 = arith.addf %parallel_loop3A_289, %parallel_loop3A_295 : vector<16xf32>
        %parallel_loop3A_297 = arith.index_cast %parallel_loop3A_133 : i32 to index
        %parallel_loop3A_298 = arith.constant 32 : index
        %parallel_loop3A_299 = tpu.vector_load %arg37[%parallel_loop3A_297, %parallel_loop3A_298] {strides = array<i32>} : memref<80x128xf32, #tpu.memory_space<vmem>>, vector<1x16xf32>,
        %parallel_loop3A_300 = vector.shape_cast %parallel_loop3A_299 : vector<1x16xf32> to vector<16xf32>
        %parallel_loop3A_301 = vector.broadcast %parallel_loop3A_154 : f32 to vector<16xf32>
        %parallel_loop3A_302 = arith.mulf %parallel_loop3A_301, %parallel_loop3A_300 : vector<16xf32>
        %parallel_loop3A_303 = arith.addf %parallel_loop3A_296, %parallel_loop3A_302 : vector<16xf32>
        %parallel_loop3A_304 = arith.index_cast %parallel_loop3A_133 : i32 to index
        %parallel_loop3A_305 = arith.constant 32 : index
        %parallel_loop3A_306 = tpu.vector_load %arg38[%parallel_loop3A_304, %parallel_loop3A_305] {strides = array<i32>} : memref<80x128xf32, #tpu.memory_space<vmem>>, vector<1x16xf32>,
        %parallel_loop3A_307 = vector.shape_cast %parallel_loop3A_306 : vector<1x16xf32> to vector<16xf32>
        %parallel_loop3A_308 = vector.broadcast %parallel_loop3A_159 : f32 to vector<16xf32>
        %parallel_loop3A_309 = arith.mulf %parallel_loop3A_308, %parallel_loop3A_307 : vector<16xf32>
        %parallel_loop3A_310 = arith.addf %parallel_loop3A_303, %parallel_loop3A_309 : vector<16xf32>
        %parallel_loop3A_311 = arith.index_cast %parallel_loop3A_133 : i32 to index
        %parallel_loop3A_312 = arith.constant 32 : index
        %parallel_loop3A_313 = tpu.vector_load %arg39[%parallel_loop3A_311, %parallel_loop3A_312] {strides = array<i32>} : memref<80x128xf32, #tpu.memory_space<vmem>>, vector<1x16xf32>,
        %parallel_loop3A_314 = vector.shape_cast %parallel_loop3A_313 : vector<1x16xf32> to vector<16xf32>
        %parallel_loop3A_315 = vector.broadcast %parallel_loop3A_164 : f32 to vector<16xf32>
        %parallel_loop3A_316 = arith.mulf %parallel_loop3A_315, %parallel_loop3A_314 : vector<16xf32>
        %parallel_loop3A_317 = arith.addf %parallel_loop3A_310, %parallel_loop3A_316 : vector<16xf32>
        %parallel_loop3A_318 = arith.addi %multiple_of3A_37, %parallel_loop3A_133 : i32
        %parallel_loop3A_319 = arith.index_cast %parallel_loop3A_318 : i32 to index
        %parallel_loop3A_320 = arith.constant 32 : index
        %parallel_loop3A_321 = tpu.vector_load %arg40[%parallel_loop3A_319, %parallel_loop3A_320] {strides = array<i32>} : memref<160x128xf32, #tpu.memory_space<vmem>>, vector<1x16xf32>,
        %parallel_loop3A_322 = vector.shape_cast %parallel_loop3A_321 : vector<1x16xf32> to vector<16xf32>
        %parallel_loop3A_323 = vector.shape_cast %parallel_loop3A_317 : vector<16xf32> to vector<1x16xf32>
        tpu.vector_store %arg40[%parallel_loop3A_319, %parallel_loop3A_320], %parallel_loop3A_323 {strides = array<i32>} : memref<160x128xf32, #tpu.memory_space<vmem>>, vector<1x16xf32>,
        %parallel_loop3A_324 = arith.addi %multiple_of3A_37, %parallel_loop3A_133 : i32
        %parallel_loop3A_325 = arith.index_cast %parallel_loop3A_324 : i32 to index
        %parallel_loop3A_326 = arith.constant 48 : index
        %parallel_loop3A_327 = tpu.vector_load %arg40[%parallel_loop3A_325, %parallel_loop3A_326] {strides = array<i32>} : memref<160x128xf32, #tpu.memory_space<vmem>>, vector<1x16xf32>,
        %parallel_loop3A_328 = vector.shape_cast %parallel_loop3A_327 : vector<1x16xf32> to vector<16xf32>
        %parallel_loop3A_329 = arith.index_cast %parallel_loop3A_133 : i32 to index
        %parallel_loop3A_330 = arith.constant 48 : index
        %parallel_loop3A_331 = tpu.vector_load %arg34[%parallel_loop3A_329, %parallel_loop3A_330] {strides = array<i32>} : memref<80x128xf32, #tpu.memory_space<vmem>>, vector<1x16xf32>,
        %parallel_loop3A_332 = vector.shape_cast %parallel_loop3A_331 : vector<1x16xf32> to vector<16xf32>
        %parallel_loop3A_333 = vector.broadcast %parallel_loop3A_139 : f32 to vector<16xf32>
        %parallel_loop3A_334 = arith.mulf %parallel_loop3A_333, %parallel_loop3A_332 : vector<16xf32>
        %parallel_loop3A_335 = arith.addf %parallel_loop3A_328, %parallel_loop3A_334 : vector<16xf32>
        %parallel_loop3A_336 = arith.index_cast %parallel_loop3A_133 : i32 to index
        %parallel_loop3A_337 = arith.constant 48 : index
        %parallel_loop3A_338 = tpu.vector_load %arg35[%parallel_loop3A_336, %parallel_loop3A_337] {strides = array<i32>} : memref<80x128xf32, #tpu.memory_space<vmem>>, vector<1x16xf32>,
        %parallel_loop3A_339 = vector.shape_cast %parallel_loop3A_338 : vector<1x16xf32> to vector<16xf32>
        %parallel_loop3A_340 = vector.broadcast %parallel_loop3A_144 : f32 to vector<16xf32>
        %parallel_loop3A_341 = arith.mulf %parallel_loop3A_340, %parallel_loop3A_339 : vector<16xf32>
        %parallel_loop3A_342 = arith.addf %parallel_loop3A_335, %parallel_loop3A_341 : vector<16xf32>
        %parallel_loop3A_343 = arith.index_cast %parallel_loop3A_133 : i32 to index
        %parallel_loop3A_344 = arith.constant 48 : index
        %parallel_loop3A_345 = tpu.vector_load %arg36[%parallel_loop3A_343, %parallel_loop3A_344] {strides = array<i32>} : memref<80x128xf32, #tpu.memory_space<vmem>>, vector<1x16xf32>,
        %parallel_loop3A_346 = vector.shape_cast %parallel_loop3A_345 : vector<1x16xf32> to vector<16xf32>
        %parallel_loop3A_347 = vector.broadcast %parallel_loop3A_149 : f32 to vector<16xf32>
        %parallel_loop3A_348 = arith.mulf %parallel_loop3A_347, %parallel_loop3A_346 : vector<16xf32>
        %parallel_loop3A_349 = arith.addf %parallel_loop3A_342, %parallel_loop3A_348 : vector<16xf32>
        %parallel_loop3A_350 = arith.index_cast %parallel_loop3A_133 : i32 to index
        %parallel_loop3A_351 = arith.constant 48 : index
        %parallel_loop3A_352 = tpu.vector_load %arg37[%parallel_loop3A_350, %parallel_loop3A_351] {strides = array<i32>} : memref<80x128xf32, #tpu.memory_space<vmem>>, vector<1x16xf32>,
        %parallel_loop3A_353 = vector.shape_cast %parallel_loop3A_352 : vector<1x16xf32> to vector<16xf32>
        %parallel_loop3A_354 = vector.broadcast %parallel_loop3A_154 : f32 to vector<16xf32>
        %parallel_loop3A_355 = arith.mulf %parallel_loop3A_354, %parallel_loop3A_353 : vector<16xf32>
        %parallel_loop3A_356 = arith.addf %parallel_loop3A_349, %parallel_loop3A_355 : vector<16xf32>
        %parallel_loop3A_357 = arith.index_cast %parallel_loop3A_133 : i32 to index
        %parallel_loop3A_358 = arith.constant 48 : index
        %parallel_loop3A_359 = tpu.vector_load %arg38[%parallel_loop3A_357, %parallel_loop3A_358] {strides = array<i32>} : memref<80x128xf32, #tpu.memory_space<vmem>>, vector<1x16xf32>,
        %parallel_loop3A_360 = vector.shape_cast %parallel_loop3A_359 : vector<1x16xf32> to vector<16xf32>
        %parallel_loop3A_361 = vector.broadcast %parallel_loop3A_159 : f32 to vector<16xf32>
        %parallel_loop3A_362 = arith.mulf %parallel_loop3A_361, %parallel_loop3A_360 : vector<16xf32>
        %parallel_loop3A_363 = arith.addf %parallel_loop3A_356, %parallel_loop3A_362 : vector<16xf32>
        %parallel_loop3A_364 = arith.index_cast %parallel_loop3A_133 : i32 to index
        %parallel_loop3A_365 = arith.constant 48 : index
        %parallel_loop3A_366 = tpu.vector_load %arg39[%parallel_loop3A_364, %parallel_loop3A_365] {strides = array<i32>} : memref<80x128xf32, #tpu.memory_space<vmem>>, vector<1x16xf32>,
        %parallel_loop3A_367 = vector.shape_cast %parallel_loop3A_366 : vector<1x16xf32> to vector<16xf32>
        %parallel_loop3A_368 = vector.broadcast %parallel_loop3A_164 : f32 to vector<16xf32>
        %parallel_loop3A_369 = arith.mulf %parallel_loop3A_368, %parallel_loop3A_367 : vector<16xf32>
        %parallel_loop3A_370 = arith.addf %parallel_loop3A_363, %parallel_loop3A_369 : vector<16xf32>
        %parallel_loop3A_371 = arith.addi %multiple_of3A_37, %parallel_loop3A_133 : i32
        %parallel_loop3A_372 = arith.index_cast %parallel_loop3A_371 : i32 to index
        %parallel_loop3A_373 = arith.constant 48 : index
        %parallel_loop3A_374 = tpu.vector_load %arg40[%parallel_loop3A_372, %parallel_loop3A_373] {strides = array<i32>} : memref<160x128xf32, #tpu.memory_space<vmem>>, vector<1x16xf32>,
        %parallel_loop3A_375 = vector.shape_cast %parallel_loop3A_374 : vector<1x16xf32> to vector<16xf32>
        %parallel_loop3A_376 = vector.shape_cast %parallel_loop3A_370 : vector<16xf32> to vector<1x16xf32>
        tpu.vector_store %arg40[%parallel_loop3A_372, %parallel_loop3A_373], %parallel_loop3A_376 {strides = array<i32>} : memref<160x128xf32, #tpu.memory_space<vmem>>, vector<1x16xf32>,
        %parallel_loop3A_377 = arith.addi %multiple_of3A_37, %parallel_loop3A_133 : i32
        %parallel_loop3A_378 = arith.index_cast %parallel_loop3A_377 : i32 to index
        %parallel_loop3A_379 = arith.constant 64 : index
        %parallel_loop3A_380 = tpu.vector_load %arg40[%parallel_loop3A_378, %parallel_loop3A_379] {strides = array<i32>} : memref<160x128xf32, #tpu.memory_space<vmem>>, vector<1x16xf32>,
        %parallel_loop3A_381 = vector.shape_cast %parallel_loop3A_380 : vector<1x16xf32> to vector<16xf32>
        %parallel_loop3A_382 = arith.index_cast %parallel_loop3A_133 : i32 to index
        %parallel_loop3A_383 = arith.constant 64 : index
        %parallel_loop3A_384 = tpu.vector_load %arg34[%parallel_loop3A_382, %parallel_loop3A_383] {strides = array<i32>} : memref<80x128xf32, #tpu.memory_space<vmem>>, vector<1x16xf32>,
        %parallel_loop3A_385 = vector.shape_cast %parallel_loop3A_384 : vector<1x16xf32> to vector<16xf32>
        %parallel_loop3A_386 = vector.broadcast %parallel_loop3A_139 : f32 to vector<16xf32>
        %parallel_loop3A_387 = arith.mulf %parallel_loop3A_386, %parallel_loop3A_385 : vector<16xf32>
        %parallel_loop3A_388 = arith.addf %parallel_loop3A_381, %parallel_loop3A_387 : vector<16xf32>
        %parallel_loop3A_389 = arith.index_cast %parallel_loop3A_133 : i32 to index
        %parallel_loop3A_390 = arith.constant 64 : index
        %parallel_loop3A_391 = tpu.vector_load %arg35[%parallel_loop3A_389, %parallel_loop3A_390] {strides = array<i32>} : memref<80x128xf32, #tpu.memory_space<vmem>>, vector<1x16xf32>,
        %parallel_loop3A_392 = vector.shape_cast %parallel_loop3A_391 : vector<1x16xf32> to vector<16xf32>
        %parallel_loop3A_393 = vector.broadcast %parallel_loop3A_144 : f32 to vector<16xf32>
        %parallel_loop3A_394 = arith.mulf %parallel_loop3A_393, %parallel_loop3A_392 : vector<16xf32>
        %parallel_loop3A_395 = arith.addf %parallel_loop3A_388, %parallel_loop3A_394 : vector<16xf32>
        %parallel_loop3A_396 = arith.index_cast %parallel_loop3A_133 : i32 to index
        %parallel_loop3A_397 = arith.constant 64 : index
        %parallel_loop3A_398 = tpu.vector_load %arg36[%parallel_loop3A_396, %parallel_loop3A_397] {strides = array<i32>} : memref<80x128xf32, #tpu.memory_space<vmem>>, vector<1x16xf32>,
        %parallel_loop3A_399 = vector.shape_cast %parallel_loop3A_398 : vector<1x16xf32> to vector<16xf32>
        %parallel_loop3A_400 = vector.broadcast %parallel_loop3A_149 : f32 to vector<16xf32>
        %parallel_loop3A_401 = arith.mulf %parallel_loop3A_400, %parallel_loop3A_399 : vector<16xf32>
        %parallel_loop3A_402 = arith.addf %parallel_loop3A_395, %parallel_loop3A_401 : vector<16xf32>
        %parallel_loop3A_403 = arith.index_cast %parallel_loop3A_133 : i32 to index
        %parallel_loop3A_404 = arith.constant 64 : index
        %parallel_loop3A_405 = tpu.vector_load %arg37[%parallel_loop3A_403, %parallel_loop3A_404] {strides = array<i32>} : memref<80x128xf32, #tpu.memory_space<vmem>>, vector<1x16xf32>,
        %parallel_loop3A_406 = vector.shape_cast %parallel_loop3A_405 : vector<1x16xf32> to vector<16xf32>
        %parallel_loop3A_407 = vector.broadcast %parallel_loop3A_154 : f32 to vector<16xf32>
        %parallel_loop3A_408 = arith.mulf %parallel_loop3A_407, %parallel_loop3A_406 : vector<16xf32>
        %parallel_loop3A_409 = arith.addf %parallel_loop3A_402, %parallel_loop3A_408 : vector<16xf32>
        %parallel_loop3A_410 = arith.index_cast %parallel_loop3A_133 : i32 to index
        %parallel_loop3A_411 = arith.constant 64 : index
        %parallel_loop3A_412 = tpu.vector_load %arg38[%parallel_loop3A_410, %parallel_loop3A_411] {strides = array<i32>} : memref<80x128xf32, #tpu.memory_space<vmem>>, vector<1x16xf32>,
        %parallel_loop3A_413 = vector.shape_cast %parallel_loop3A_412 : vector<1x16xf32> to vector<16xf32>
        %parallel_loop3A_414 = vector.broadcast %parallel_loop3A_159 : f32 to vector<16xf32>
        %parallel_loop3A_415 = arith.mulf %parallel_loop3A_414, %parallel_loop3A_413 : vector<16xf32>
        %parallel_loop3A_416 = arith.addf %parallel_loop3A_409, %parallel_loop3A_415 : vector<16xf32>
        %parallel_loop3A_417 = arith.index_cast %parallel_loop3A_133 : i32 to index
        %parallel_loop3A_418 = arith.constant 64 : index
        %parallel_loop3A_419 = tpu.vector_load %arg39[%parallel_loop3A_417, %parallel_loop3A_418] {strides = array<i32>} : memref<80x128xf32, #tpu.memory_space<vmem>>, vector<1x16xf32>,
        %parallel_loop3A_420 = vector.shape_cast %parallel_loop3A_419 : vector<1x16xf32> to vector<16xf32>
        %parallel_loop3A_421 = vector.broadcast %parallel_loop3A_164 : f32 to vector<16xf32>
        %parallel_loop3A_422 = arith.mulf %parallel_loop3A_421, %parallel_loop3A_420 : vector<16xf32>
        %parallel_loop3A_423 = arith.addf %parallel_loop3A_416, %parallel_loop3A_422 : vector<16xf32>
        %parallel_loop3A_424 = arith.addi %multiple_of3A_37, %parallel_loop3A_133 : i32
        %parallel_loop3A_425 = arith.index_cast %parallel_loop3A_424 : i32 to index
        %parallel_loop3A_426 = arith.constant 64 : index
        %parallel_loop3A_427 = tpu.vector_load %arg40[%parallel_loop3A_425, %parallel_loop3A_426] {strides = array<i32>} : memref<160x128xf32, #tpu.memory_space<vmem>>, vector<1x16xf32>,
        %parallel_loop3A_428 = vector.shape_cast %parallel_loop3A_427 : vector<1x16xf32> to vector<16xf32>
        %parallel_loop3A_429 = vector.shape_cast %parallel_loop3A_423 : vector<16xf32> to vector<1x16xf32>
        tpu.vector_store %arg40[%parallel_loop3A_425, %parallel_loop3A_426], %parallel_loop3A_429 {strides = array<i32>} : memref<160x128xf32, #tpu.memory_space<vmem>>, vector<1x16xf32>,
        %parallel_loop3A_430 = arith.addi %multiple_of3A_37, %parallel_loop3A_133 : i32
        %parallel_loop3A_431 = arith.index_cast %parallel_loop3A_430 : i32 to index
        %parallel_loop3A_432 = arith.constant 80 : index
        %parallel_loop3A_433 = tpu.vector_load %arg40[%parallel_loop3A_431, %parallel_loop3A_432] {strides = array<i32>} : memref<160x128xf32, #tpu.memory_space<vmem>>, vector<1x16xf32>,
        %parallel_loop3A_434 = vector.shape_cast %parallel_loop3A_433 : vector<1x16xf32> to vector<16xf32>
        %parallel_loop3A_435 = arith.index_cast %parallel_loop3A_133 : i32 to index
        %parallel_loop3A_436 = arith.constant 80 : index
        %parallel_loop3A_437 = tpu.vector_load %arg34[%parallel_loop3A_435, %parallel_loop3A_436] {strides = array<i32>} : memref<80x128xf32, #tpu.memory_space<vmem>>, vector<1x16xf32>,
        %parallel_loop3A_438 = vector.shape_cast %parallel_loop3A_437 : vector<1x16xf32> to vector<16xf32>
        %parallel_loop3A_439 = vector.broadcast %parallel_loop3A_139 : f32 to vector<16xf32>
        %parallel_loop3A_440 = arith.mulf %parallel_loop3A_439, %parallel_loop3A_438 : vector<16xf32>
        %parallel_loop3A_441 = arith.addf %parallel_loop3A_434, %parallel_loop3A_440 : vector<16xf32>
        %parallel_loop3A_442 = arith.index_cast %parallel_loop3A_133 : i32 to index
        %parallel_loop3A_443 = arith.constant 80 : index
        %parallel_loop3A_444 = tpu.vector_load %arg35[%parallel_loop3A_442, %parallel_loop3A_443] {strides = array<i32>} : memref<80x128xf32, #tpu.memory_space<vmem>>, vector<1x16xf32>,
        %parallel_loop3A_445 = vector.shape_cast %parallel_loop3A_444 : vector<1x16xf32> to vector<16xf32>
        %parallel_loop3A_446 = vector.broadcast %parallel_loop3A_144 : f32 to vector<16xf32>
        %parallel_loop3A_447 = arith.mulf %parallel_loop3A_446, %parallel_loop3A_445 : vector<16xf32>
        %parallel_loop3A_448 = arith.addf %parallel_loop3A_441, %parallel_loop3A_447 : vector<16xf32>
        %parallel_loop3A_449 = arith.index_cast %parallel_loop3A_133 : i32 to index
        %parallel_loop3A_450 = arith.constant 80 : index
        %parallel_loop3A_451 = tpu.vector_load %arg36[%parallel_loop3A_449, %parallel_loop3A_450] {strides = array<i32>} : memref<80x128xf32, #tpu.memory_space<vmem>>, vector<1x16xf32>,
        %parallel_loop3A_452 = vector.shape_cast %parallel_loop3A_451 : vector<1x16xf32> to vector<16xf32>
        %parallel_loop3A_453 = vector.broadcast %parallel_loop3A_149 : f32 to vector<16xf32>
        %parallel_loop3A_454 = arith.mulf %parallel_loop3A_453, %parallel_loop3A_452 : vector<16xf32>
        %parallel_loop3A_455 = arith.addf %parallel_loop3A_448, %parallel_loop3A_454 : vector<16xf32>
        %parallel_loop3A_456 = arith.index_cast %parallel_loop3A_133 : i32 to index
        %parallel_loop3A_457 = arith.constant 80 : index
        %parallel_loop3A_458 = tpu.vector_load %arg37[%parallel_loop3A_456, %parallel_loop3A_457] {strides = array<i32>} : memref<80x128xf32, #tpu.memory_space<vmem>>, vector<1x16xf32>,
        %parallel_loop3A_459 = vector.shape_cast %parallel_loop3A_458 : vector<1x16xf32> to vector<16xf32>
        %parallel_loop3A_460 = vector.broadcast %parallel_loop3A_154 : f32 to vector<16xf32>
        %parallel_loop3A_461 = arith.mulf %parallel_loop3A_460, %parallel_loop3A_459 : vector<16xf32>
        %parallel_loop3A_462 = arith.addf %parallel_loop3A_455, %parallel_loop3A_461 : vector<16xf32>
        %parallel_loop3A_463 = arith.index_cast %parallel_loop3A_133 : i32 to index
        %parallel_loop3A_464 = arith.constant 80 : index
        %parallel_loop3A_465 = tpu.vector_load %arg38[%parallel_loop3A_463, %parallel_loop3A_464] {strides = array<i32>} : memref<80x128xf32, #tpu.memory_space<vmem>>, vector<1x16xf32>,
        %parallel_loop3A_466 = vector.shape_cast %parallel_loop3A_465 : vector<1x16xf32> to vector<16xf32>
        %parallel_loop3A_467 = vector.broadcast %parallel_loop3A_159 : f32 to vector<16xf32>
        %parallel_loop3A_468 = arith.mulf %parallel_loop3A_467, %parallel_loop3A_466 : vector<16xf32>
        %parallel_loop3A_469 = arith.addf %parallel_loop3A_462, %parallel_loop3A_468 : vector<16xf32>
        %parallel_loop3A_470 = arith.index_cast %parallel_loop3A_133 : i32 to index
        %parallel_loop3A_471 = arith.constant 80 : index
        %parallel_loop3A_472 = tpu.vector_load %arg39[%parallel_loop3A_470, %parallel_loop3A_471] {strides = array<i32>} : memref<80x128xf32, #tpu.memory_space<vmem>>, vector<1x16xf32>,
        %parallel_loop3A_473 = vector.shape_cast %parallel_loop3A_472 : vector<1x16xf32> to vector<16xf32>
        %parallel_loop3A_474 = vector.broadcast %parallel_loop3A_164 : f32 to vector<16xf32>
        %parallel_loop3A_475 = arith.mulf %parallel_loop3A_474, %parallel_loop3A_473 : vector<16xf32>
        %parallel_loop3A_476 = arith.addf %parallel_loop3A_469, %parallel_loop3A_475 : vector<16xf32>
        %parallel_loop3A_477 = arith.addi %multiple_of3A_37, %parallel_loop3A_133 : i32
        %parallel_loop3A_478 = arith.index_cast %parallel_loop3A_477 : i32 to index
        %parallel_loop3A_479 = arith.constant 80 : index
        %parallel_loop3A_480 = tpu.vector_load %arg40[%parallel_loop3A_478, %parallel_loop3A_479] {strides = array<i32>} : memref<160x128xf32, #tpu.memory_space<vmem>>, vector<1x16xf32>,
        %parallel_loop3A_481 = vector.shape_cast %parallel_loop3A_480 : vector<1x16xf32> to vector<16xf32>
        %parallel_loop3A_482 = vector.shape_cast %parallel_loop3A_476 : vector<16xf32> to vector<1x16xf32>
        tpu.vector_store %arg40[%parallel_loop3A_478, %parallel_loop3A_479], %parallel_loop3A_482 {strides = array<i32>} : memref<160x128xf32, #tpu.memory_space<vmem>>, vector<1x16xf32>,
        %parallel_loop3A_483 = arith.addi %multiple_of3A_37, %parallel_loop3A_133 : i32
        %parallel_loop3A_484 = arith.index_cast %parallel_loop3A_483 : i32 to index
        %parallel_loop3A_485 = arith.constant 96 : index
        %parallel_loop3A_486 = tpu.vector_load %arg40[%parallel_loop3A_484, %parallel_loop3A_485] {strides = array<i32>} : memref<160x128xf32, #tpu.memory_space<vmem>>, vector<1x16xf32>,
        %parallel_loop3A_487 = vector.shape_cast %parallel_loop3A_486 : vector<1x16xf32> to vector<16xf32>
        %parallel_loop3A_488 = arith.index_cast %parallel_loop3A_133 : i32 to index
        %parallel_loop3A_489 = arith.constant 96 : index
        %parallel_loop3A_490 = tpu.vector_load %arg34[%parallel_loop3A_488, %parallel_loop3A_489] {strides = array<i32>} : memref<80x128xf32, #tpu.memory_space<vmem>>, vector<1x16xf32>,
        %parallel_loop3A_491 = vector.shape_cast %parallel_loop3A_490 : vector<1x16xf32> to vector<16xf32>
        %parallel_loop3A_492 = vector.broadcast %parallel_loop3A_139 : f32 to vector<16xf32>
        %parallel_loop3A_493 = arith.mulf %parallel_loop3A_492, %parallel_loop3A_491 : vector<16xf32>
        %parallel_loop3A_494 = arith.addf %parallel_loop3A_487, %parallel_loop3A_493 : vector<16xf32>
        %parallel_loop3A_495 = arith.index_cast %parallel_loop3A_133 : i32 to index
        %parallel_loop3A_496 = arith.constant 96 : index
        %parallel_loop3A_497 = tpu.vector_load %arg35[%parallel_loop3A_495, %parallel_loop3A_496] {strides = array<i32>} : memref<80x128xf32, #tpu.memory_space<vmem>>, vector<1x16xf32>,
        %parallel_loop3A_498 = vector.shape_cast %parallel_loop3A_497 : vector<1x16xf32> to vector<16xf32>
        %parallel_loop3A_499 = vector.broadcast %parallel_loop3A_144 : f32 to vector<16xf32>
        %parallel_loop3A_500 = arith.mulf %parallel_loop3A_499, %parallel_loop3A_498 : vector<16xf32>
        %parallel_loop3A_501 = arith.addf %parallel_loop3A_494, %parallel_loop3A_500 : vector<16xf32>
        %parallel_loop3A_502 = arith.index_cast %parallel_loop3A_133 : i32 to index
        %parallel_loop3A_503 = arith.constant 96 : index
        %parallel_loop3A_504 = tpu.vector_load %arg36[%parallel_loop3A_502, %parallel_loop3A_503] {strides = array<i32>} : memref<80x128xf32, #tpu.memory_space<vmem>>, vector<1x16xf32>,
        %parallel_loop3A_505 = vector.shape_cast %parallel_loop3A_504 : vector<1x16xf32> to vector<16xf32>
        %parallel_loop3A_506 = vector.broadcast %parallel_loop3A_149 : f32 to vector<16xf32>
        %parallel_loop3A_507 = arith.mulf %parallel_loop3A_506, %parallel_loop3A_505 : vector<16xf32>
        %parallel_loop3A_508 = arith.addf %parallel_loop3A_501, %parallel_loop3A_507 : vector<16xf32>
        %parallel_loop3A_509 = arith.index_cast %parallel_loop3A_133 : i32 to index
        %parallel_loop3A_510 = arith.constant 96 : index
        %parallel_loop3A_511 = tpu.vector_load %arg37[%parallel_loop3A_509, %parallel_loop3A_510] {strides = array<i32>} : memref<80x128xf32, #tpu.memory_space<vmem>>, vector<1x16xf32>,
        %parallel_loop3A_512 = vector.shape_cast %parallel_loop3A_511 : vector<1x16xf32> to vector<16xf32>
        %parallel_loop3A_513 = vector.broadcast %parallel_loop3A_154 : f32 to vector<16xf32>
        %parallel_loop3A_514 = arith.mulf %parallel_loop3A_513, %parallel_loop3A_512 : vector<16xf32>
        %parallel_loop3A_515 = arith.addf %parallel_loop3A_508, %parallel_loop3A_514 : vector<16xf32>
        %parallel_loop3A_516 = arith.index_cast %parallel_loop3A_133 : i32 to index
        %parallel_loop3A_517 = arith.constant 96 : index
        %parallel_loop3A_518 = tpu.vector_load %arg38[%parallel_loop3A_516, %parallel_loop3A_517] {strides = array<i32>} : memref<80x128xf32, #tpu.memory_space<vmem>>, vector<1x16xf32>,
        %parallel_loop3A_519 = vector.shape_cast %parallel_loop3A_518 : vector<1x16xf32> to vector<16xf32>
        %parallel_loop3A_520 = vector.broadcast %parallel_loop3A_159 : f32 to vector<16xf32>
        %parallel_loop3A_521 = arith.mulf %parallel_loop3A_520, %parallel_loop3A_519 : vector<16xf32>
        %parallel_loop3A_522 = arith.addf %parallel_loop3A_515, %parallel_loop3A_521 : vector<16xf32>
        %parallel_loop3A_523 = arith.index_cast %parallel_loop3A_133 : i32 to index
        %parallel_loop3A_524 = arith.constant 96 : index
        %parallel_loop3A_525 = tpu.vector_load %arg39[%parallel_loop3A_523, %parallel_loop3A_524] {strides = array<i32>} : memref<80x128xf32, #tpu.memory_space<vmem>>, vector<1x16xf32>,
        %parallel_loop3A_526 = vector.shape_cast %parallel_loop3A_525 : vector<1x16xf32> to vector<16xf32>
        %parallel_loop3A_527 = vector.broadcast %parallel_loop3A_164 : f32 to vector<16xf32>
        %parallel_loop3A_528 = arith.mulf %parallel_loop3A_527, %parallel_loop3A_526 : vector<16xf32>
        %parallel_loop3A_529 = arith.addf %parallel_loop3A_522, %parallel_loop3A_528 : vector<16xf32>
        %parallel_loop3A_530 = arith.addi %multiple_of3A_37, %parallel_loop3A_133 : i32
        %parallel_loop3A_531 = arith.index_cast %parallel_loop3A_530 : i32 to index
        %parallel_loop3A_532 = arith.constant 96 : index
        %parallel_loop3A_533 = tpu.vector_load %arg40[%parallel_loop3A_531, %parallel_loop3A_532] {strides = array<i32>} : memref<160x128xf32, #tpu.memory_space<vmem>>, vector<1x16xf32>,
        %parallel_loop3A_534 = vector.shape_cast %parallel_loop3A_533 : vector<1x16xf32> to vector<16xf32>
        %parallel_loop3A_535 = vector.shape_cast %parallel_loop3A_529 : vector<16xf32> to vector<1x16xf32>
        tpu.vector_store %arg40[%parallel_loop3A_531, %parallel_loop3A_532], %parallel_loop3A_535 {strides = array<i32>} : memref<160x128xf32, #tpu.memory_space<vmem>>, vector<1x16xf32>,
        %parallel_loop3A_536 = arith.addi %multiple_of3A_37, %parallel_loop3A_133 : i32
        %parallel_loop3A_537 = arith.index_cast %parallel_loop3A_536 : i32 to index
        %parallel_loop3A_538 = arith.constant 112 : index
        %parallel_loop3A_539 = tpu.vector_load %arg40[%parallel_loop3A_537, %parallel_loop3A_538] {strides = array<i32>} : memref<160x128xf32, #tpu.memory_space<vmem>>, vector<1x16xf32>,
        %parallel_loop3A_540 = vector.shape_cast %parallel_loop3A_539 : vector<1x16xf32> to vector<16xf32>
        %parallel_loop3A_541 = arith.index_cast %parallel_loop3A_133 : i32 to index
        %parallel_loop3A_542 = arith.constant 112 : index
        %parallel_loop3A_543 = tpu.vector_load %arg34[%parallel_loop3A_541, %parallel_loop3A_542] {strides = array<i32>} : memref<80x128xf32, #tpu.memory_space<vmem>>, vector<1x16xf32>,
        %parallel_loop3A_544 = vector.shape_cast %parallel_loop3A_543 : vector<1x16xf32> to vector<16xf32>
        %parallel_loop3A_545 = vector.broadcast %parallel_loop3A_139 : f32 to vector<16xf32>
        %parallel_loop3A_546 = arith.mulf %parallel_loop3A_545, %parallel_loop3A_544 : vector<16xf32>
        %parallel_loop3A_547 = arith.addf %parallel_loop3A_540, %parallel_loop3A_546 : vector<16xf32>
        %parallel_loop3A_548 = arith.index_cast %parallel_loop3A_133 : i32 to index
        %parallel_loop3A_549 = arith.constant 112 : index
        %parallel_loop3A_550 = tpu.vector_load %arg35[%parallel_loop3A_548, %parallel_loop3A_549] {strides = array<i32>} : memref<80x128xf32, #tpu.memory_space<vmem>>, vector<1x16xf32>,
        %parallel_loop3A_551 = vector.shape_cast %parallel_loop3A_550 : vector<1x16xf32> to vector<16xf32>
        %parallel_loop3A_552 = vector.broadcast %parallel_loop3A_144 : f32 to vector<16xf32>
        %parallel_loop3A_553 = arith.mulf %parallel_loop3A_552, %parallel_loop3A_551 : vector<16xf32>
        %parallel_loop3A_554 = arith.addf %parallel_loop3A_547, %parallel_loop3A_553 : vector<16xf32>
        %parallel_loop3A_555 = arith.index_cast %parallel_loop3A_133 : i32 to index
        %parallel_loop3A_556 = arith.constant 112 : index
        %parallel_loop3A_557 = tpu.vector_load %arg36[%parallel_loop3A_555, %parallel_loop3A_556] {strides = array<i32>} : memref<80x128xf32, #tpu.memory_space<vmem>>, vector<1x16xf32>,
        %parallel_loop3A_558 = vector.shape_cast %parallel_loop3A_557 : vector<1x16xf32> to vector<16xf32>
        %parallel_loop3A_559 = vector.broadcast %parallel_loop3A_149 : f32 to vector<16xf32>
        %parallel_loop3A_560 = arith.mulf %parallel_loop3A_559, %parallel_loop3A_558 : vector<16xf32>
        %parallel_loop3A_561 = arith.addf %parallel_loop3A_554, %parallel_loop3A_560 : vector<16xf32>
        %parallel_loop3A_562 = arith.index_cast %parallel_loop3A_133 : i32 to index
        %parallel_loop3A_563 = arith.constant 112 : index
        %parallel_loop3A_564 = tpu.vector_load %arg37[%parallel_loop3A_562, %parallel_loop3A_563] {strides = array<i32>} : memref<80x128xf32, #tpu.memory_space<vmem>>, vector<1x16xf32>,
        %parallel_loop3A_565 = vector.shape_cast %parallel_loop3A_564 : vector<1x16xf32> to vector<16xf32>
        %parallel_loop3A_566 = vector.broadcast %parallel_loop3A_154 : f32 to vector<16xf32>
        %parallel_loop3A_567 = arith.mulf %parallel_loop3A_566, %parallel_loop3A_565 : vector<16xf32>
        %parallel_loop3A_568 = arith.addf %parallel_loop3A_561, %parallel_loop3A_567 : vector<16xf32>
        %parallel_loop3A_569 = arith.index_cast %parallel_loop3A_133 : i32 to index
        %parallel_loop3A_570 = arith.constant 112 : index
        %parallel_loop3A_571 = tpu.vector_load %arg38[%parallel_loop3A_569, %parallel_loop3A_570] {strides = array<i32>} : memref<80x128xf32, #tpu.memory_space<vmem>>, vector<1x16xf32>,
        %parallel_loop3A_572 = vector.shape_cast %parallel_loop3A_571 : vector<1x16xf32> to vector<16xf32>
        %parallel_loop3A_573 = vector.broadcast %parallel_loop3A_159 : f32 to vector<16xf32>
        %parallel_loop3A_574 = arith.mulf %parallel_loop3A_573, %parallel_loop3A_572 : vector<16xf32>
        %parallel_loop3A_575 = arith.addf %parallel_loop3A_568, %parallel_loop3A_574 : vector<16xf32>
        %parallel_loop3A_576 = arith.index_cast %parallel_loop3A_133 : i32 to index
        %parallel_loop3A_577 = arith.constant 112 : index
        %parallel_loop3A_578 = tpu.vector_load %arg39[%parallel_loop3A_576, %parallel_loop3A_577] {strides = array<i32>} : memref<80x128xf32, #tpu.memory_space<vmem>>, vector<1x16xf32>,
        %parallel_loop3A_579 = vector.shape_cast %parallel_loop3A_578 : vector<1x16xf32> to vector<16xf32>
        %parallel_loop3A_580 = vector.broadcast %parallel_loop3A_164 : f32 to vector<16xf32>
        %parallel_loop3A_581 = arith.mulf %parallel_loop3A_580, %parallel_loop3A_579 : vector<16xf32>
        %parallel_loop3A_582 = arith.addf %parallel_loop3A_575, %parallel_loop3A_581 : vector<16xf32>
        %parallel_loop3A_583 = arith.addi %multiple_of3A_37, %parallel_loop3A_133 : i32
        %parallel_loop3A_584 = arith.index_cast %parallel_loop3A_583 : i32 to index
        %parallel_loop3A_585 = arith.constant 112 : index
        %parallel_loop3A_586 = tpu.vector_load %arg40[%parallel_loop3A_584, %parallel_loop3A_585] {strides = array<i32>} : memref<160x128xf32, #tpu.memory_space<vmem>>, vector<1x16xf32>,
        %parallel_loop3A_587 = vector.shape_cast %parallel_loop3A_586 : vector<1x16xf32> to vector<16xf32>
        %parallel_loop3A_588 = vector.shape_cast %parallel_loop3A_582 : vector<16xf32> to vector<1x16xf32>
        tpu.vector_store %arg40[%parallel_loop3A_584, %parallel_loop3A_585], %parallel_loop3A_588 {strides = array<i32>} : memref<160x128xf32, #tpu.memory_space<vmem>>, vector<1x16xf32>,
      } {sc.loop_unroll_factor = 2 : i64, sc.parallel_access}
      %mul3A_114 = arith.constant 3200 : i32
      %mul3A_115 = arith.muli %add3A, %mul3A_114 : i32
      %mul3A_116 = arith.constant 80 : i32
      %mul3A_117 = arith.muli %while3A_32, %mul3A_116 : i32
      %add3A_118 = arith.addi %mul3A_115, %mul3A_117 : i32
      %multiple_of3A_119 = tpu.assume_multiple %add3A_118, 8 : i32
      %and3A_120 = arith.constant 1 : i32
      %and3A_121 = arith.andi %while3A_32, %and3A_120 : i32
      %mul3A_122 = arith.constant 80 : i32
      %mul3A_123 = arith.muli %and3A_121, %mul3A_122 : i32
      %multiple_of3A_124 = tpu.assume_multiple %mul3A_123, 8 : i32
      %dma_start3A_125 = arith.constant 0 : i32
      %dma_start3A_126 = tpu.memref_slice %arg40[%multiple_of3A_124, %dma_start3A_125] : memref<160x128xf32, #tpu.memory_space<vmem>> -> memref<80x128xf32, #tpu.memory_space<vmem>>
      %dma_start3A_127 = arith.constant 0 : i32
      %dma_start3A_128 = tpu.memref_slice %arg21[%multiple_of3A_119, %dma_start3A_127] : memref<100000x128xf32, #tpu.memory_space<hbm>> -> memref<80x128xf32, #tpu.memory_space<hbm>>
      %dma_start3A_129 = arith.constant 0 : i32
      %dma_start3A_130 = tpu.memref_slice %arg21[%multiple_of3A_119, %dma_start3A_129] : memref<100000x128xf32, #tpu.memory_space<hbm>> -> memref<80x128xf32, #tpu.memory_space<hbm>>
      %dma_start3A_131 = arith.constant 0 : i32
      %dma_start3A_132 = tpu.memref_slice %arg40[%multiple_of3A_124, %dma_start3A_131] : memref<160x128xf32, #tpu.memory_space<vmem>> -> memref<80x128xf32, #tpu.memory_space<vmem>>
      tpu.enqueue_dma source(%dma_start3A_132 : memref<80x128xf32, #tpu.memory_space<vmem>>) target(%dma_start3A_130 : memref<80x128xf32, #tpu.memory_space<hbm>>) target_semaphore(%arg43 : memref<!tpu.dma_semaphore, #tpu.memory_space<semaphore_mem>>)
    }
    %while3A_13 = arith.constant 1 : i32
    scf.for %while3A_32 = %while3A_11 to %while3A_7 step %while3A_13  : i32 {
      %and3A_33 = arith.constant 1 : i32
      %and3A_34 = arith.andi %while3A_32, %and3A_33 : i32
      %mul3A_35 = arith.constant 80 : i32
      %mul3A_36 = arith.muli %and3A_34, %mul3A_35 : i32
      %multiple_of3A_37 = tpu.assume_multiple %mul3A_36, 8 : i32
      %mul3A_38 = arith.constant 80 : i32
      %mul3A_39 = arith.muli %while3A_32, %mul3A_38 : i32
      %multiple_of3A_40 = tpu.assume_multiple %mul3A_39, 8 : i32
      %mul3A_41 = arith.constant 3200 : i32
      %mul3A_42 = arith.muli %add3A, %mul3A_41 : i32
      %mul3A_43 = arith.constant 80 : i32
      %mul3A_44 = arith.muli %while3A_32, %mul3A_43 : i32
      %add3A_45 = arith.addi %mul3A_42, %mul3A_44 : i32
      %multiple_of3A_46 = tpu.assume_multiple %add3A_45, 8 : i32
      %dma_start3A = tpu.memref_slice %arg22[%multiple_of3A_40] : memref<3200xi32, #tpu.memory_space<vmem>> -> memref<80xi32, #tpu.memory_space<vmem>>
      %dma_start3A_47 = arith.constant 0 : i32
      %dma_start3A_48 = arith.constant 0 : i32
      %dma_start3A_49 = tpu.memref_slice %arg2[%dma_start3A_47, %dma_start3A_48] : memref<100000x128xf32, #tpu.memory_space<hbm>> -> memref<100000x128xf32, #tpu.memory_space<hbm>>
      tpu.enqueue_indirect_dma source(%dma_start3A_49 : memref<100000x128xf32, #tpu.memory_space<hbm>>) target(%arg34 : memref<80x128xf32, #tpu.memory_space<vmem>>) offsets(%dma_start3A : memref<80xi32, #tpu.memory_space<vmem>>) semaphore(%arg41 : memref<!tpu.dma_semaphore, #tpu.memory_space<semaphore_mem>>)
      %dma_start3A_50 = tpu.memref_slice %arg23[%multiple_of3A_40] : memref<3200xi32, #tpu.memory_space<vmem>> -> memref<80xi32, #tpu.memory_space<vmem>>
      %dma_start3A_51 = arith.constant 0 : i32
      %dma_start3A_52 = arith.constant 0 : i32
      %dma_start3A_53 = tpu.memref_slice %arg3[%dma_start3A_51, %dma_start3A_52] : memref<100000x128xf32, #tpu.memory_space<hbm>> -> memref<100000x128xf32, #tpu.memory_space<hbm>>
      tpu.enqueue_indirect_dma source(%dma_start3A_53 : memref<100000x128xf32, #tpu.memory_space<hbm>>) target(%arg35 : memref<80x128xf32, #tpu.memory_space<vmem>>) offsets(%dma_start3A_50 : memref<80xi32, #tpu.memory_space<vmem>>) semaphore(%arg41 : memref<!tpu.dma_semaphore, #tpu.memory_space<semaphore_mem>>)
      %dma_start3A_54 = tpu.memref_slice %arg24[%multiple_of3A_40] : memref<3200xi32, #tpu.memory_space<vmem>> -> memref<80xi32, #tpu.memory_space<vmem>>
      %dma_start3A_55 = arith.constant 0 : i32
      %dma_start3A_56 = arith.constant 0 : i32
      %dma_start3A_57 = tpu.memref_slice %arg4[%dma_start3A_55, %dma_start3A_56] : memref<100000x128xf32, #tpu.memory_space<hbm>> -> memref<100000x128xf32, #tpu.memory_space<hbm>>
      tpu.enqueue_indirect_dma source(%dma_start3A_57 : memref<100000x128xf32, #tpu.memory_space<hbm>>) target(%arg36 : memref<80x128xf32, #tpu.memory_space<vmem>>) offsets(%dma_start3A_54 : memref<80xi32, #tpu.memory_space<vmem>>) semaphore(%arg41 : memref<!tpu.dma_semaphore, #tpu.memory_space<semaphore_mem>>)
      %dma_start3A_58 = tpu.memref_slice %arg25[%multiple_of3A_40] : memref<3200xi32, #tpu.memory_space<vmem>> -> memref<80xi32, #tpu.memory_space<vmem>>
      %dma_start3A_59 = arith.constant 0 : i32
      %dma_start3A_60 = arith.constant 0 : i32
      %dma_start3A_61 = tpu.memref_slice %arg5[%dma_start3A_59, %dma_start3A_60] : memref<100000x128xf32, #tpu.memory_space<hbm>> -> memref<100000x128xf32, #tpu.memory_space<hbm>>
      tpu.enqueue_indirect_dma source(%dma_start3A_61 : memref<100000x128xf32, #tpu.memory_space<hbm>>) target(%arg37 : memref<80x128xf32, #tpu.memory_space<vmem>>) offsets(%dma_start3A_58 : memref<80xi32, #tpu.memory_space<vmem>>) semaphore(%arg41 : memref<!tpu.dma_semaphore, #tpu.memory_space<semaphore_mem>>)
      %dma_start3A_62 = tpu.memref_slice %arg26[%multiple_of3A_40] : memref<3200xi32, #tpu.memory_space<vmem>> -> memref<80xi32, #tpu.memory_space<vmem>>
      %dma_start3A_63 = arith.constant 0 : i32
      %dma_start3A_64 = arith.constant 0 : i32
      %dma_start3A_65 = tpu.memref_slice %arg6[%dma_start3A_63, %dma_start3A_64] : memref<100000x128xf32, #tpu.memory_space<hbm>> -> memref<100000x128xf32, #tpu.memory_space<hbm>>
      tpu.enqueue_indirect_dma source(%dma_start3A_65 : memref<100000x128xf32, #tpu.memory_space<hbm>>) target(%arg38 : memref<80x128xf32, #tpu.memory_space<vmem>>) offsets(%dma_start3A_62 : memref<80xi32, #tpu.memory_space<vmem>>) semaphore(%arg41 : memref<!tpu.dma_semaphore, #tpu.memory_space<semaphore_mem>>)
      %dma_start3A_66 = tpu.memref_slice %arg27[%multiple_of3A_40] : memref<3200xi32, #tpu.memory_space<vmem>> -> memref<80xi32, #tpu.memory_space<vmem>>
      %dma_start3A_67 = arith.constant 0 : i32
      %dma_start3A_68 = arith.constant 0 : i32
      %dma_start3A_69 = tpu.memref_slice %arg7[%dma_start3A_67, %dma_start3A_68] : memref<100000x128xf32, #tpu.memory_space<hbm>> -> memref<100000x128xf32, #tpu.memory_space<hbm>>
      tpu.enqueue_indirect_dma source(%dma_start3A_69 : memref<100000x128xf32, #tpu.memory_space<hbm>>) target(%arg39 : memref<80x128xf32, #tpu.memory_space<vmem>>) offsets(%dma_start3A_66 : memref<80xi32, #tpu.memory_space<vmem>>) semaphore(%arg41 : memref<!tpu.dma_semaphore, #tpu.memory_space<semaphore_mem>>)
      %ge3A = arith.constant 1 : i32
      %ge3A_70 = arith.cmpi sge, %while3A_32, %ge3A : i32
      %convert_element_type3A = arith.extui %ge3A_70 : i1 to i32
      %cond3A = arith.constant 0 : i32
      %cond3A_71 = arith.cmpi ne, %convert_element_type3A, %cond3A : i32
      scf.if %cond3A_71 {
        %sub3A_133 = arith.constant 1 : i32
        %sub3A_134 = arith.subi %while3A_32, %sub3A_133 : i32
        %mul3A_135 = arith.constant 3200 : i32
        %mul3A_136 = arith.muli %add3A, %mul3A_135 : i32
        %mul3A_137 = arith.constant 80 : i32
        %mul3A_138 = arith.muli %sub3A_134, %mul3A_137 : i32
        %add3A_139 = arith.addi %mul3A_136, %mul3A_138 : i32
        %multiple_of3A_140 = tpu.assume_multiple %add3A_139, 8 : i32
        %and3A_141 = arith.constant 1 : i32
        %and3A_142 = arith.andi %sub3A_134, %and3A_141 : i32
        %mul3A_143 = arith.constant 80 : i32
        %mul3A_144 = arith.muli %and3A_142, %mul3A_143 : i32
        %multiple_of3A_145 = tpu.assume_multiple %mul3A_144, 8 : i32
        %dma_wait3A_146 = arith.constant 0 : i32
        %dma_wait3A_147 = tpu.memref_slice %arg40[%multiple_of3A_145, %dma_wait3A_146] : memref<160x128xf32, #tpu.memory_space<vmem>> -> memref<80x128xf32, #tpu.memory_space<vmem>>
        %dma_wait3A_148 = arith.constant 0 : i32
        %dma_wait3A_149 = tpu.memref_slice %arg21[%multiple_of3A_140, %dma_wait3A_148] : memref<100000x128xf32, #tpu.memory_space<hbm>> -> memref<80x128xf32, #tpu.memory_space<hbm>>
        %dma_wait3A_150 = arith.constant 0 : i32
        %dma_wait3A_151 = tpu.memref_slice %arg21[%multiple_of3A_140, %dma_wait3A_150] : memref<100000x128xf32, #tpu.memory_space<hbm>> -> memref<80x128xf32, #tpu.memory_space<hbm>>
        %dma_wait3A_152 = arith.constant 0 : i32
        %dma_wait3A_153 = tpu.memref_slice %arg40[%multiple_of3A_145, %dma_wait3A_152] : memref<160x128xf32, #tpu.memory_space<vmem>> -> memref<80x128xf32, #tpu.memory_space<vmem>>
        tpu.wait_dma2 semaphore(%arg43 : memref<!tpu.dma_semaphore, #tpu.memory_space<semaphore_mem>>) src(%dma_wait3A_153 : memref<80x128xf32, #tpu.memory_space<vmem>>) dst(%dma_wait3A_151 : memref<80x128xf32, #tpu.memory_space<hbm>>)
      } else {
      }
      %dma_start3A_72 = arith.constant 0 : i32
      %dma_start3A_73 = tpu.memref_slice %arg40[%multiple_of3A_37, %dma_start3A_72] : memref<160x128xf32, #tpu.memory_space<vmem>> -> memref<80x128xf32, #tpu.memory_space<vmem>>
      %dma_start3A_74 = arith.constant 0 : i32
      %dma_start3A_75 = tpu.memref_slice %arg8[%multiple_of3A_46, %dma_start3A_74] : memref<100000x128xf32, #tpu.memory_space<hbm>> -> memref<80x128xf32, #tpu.memory_space<hbm>>
      %dma_start3A_76 = arith.constant 0 : i32
      %dma_start3A_77 = tpu.memref_slice %arg40[%multiple_of3A_37, %dma_start3A_76] : memref<160x128xf32, #tpu.memory_space<vmem>> -> memref<80x128xf32, #tpu.memory_space<vmem>>
      %dma_start3A_78 = arith.constant 0 : i32
      %dma_start3A_79 = tpu.memref_slice %arg8[%multiple_of3A_46, %dma_start3A_78] : memref<100000x128xf32, #tpu.memory_space<hbm>> -> memref<80x128xf32, #tpu.memory_space<hbm>>
      tpu.enqueue_dma source(%dma_start3A_79 : memref<80x128xf32, #tpu.memory_space<hbm>>) target(%dma_start3A_77 : memref<80x128xf32, #tpu.memory_space<vmem>>) target_semaphore(%arg42 : memref<!tpu.dma_semaphore, #tpu.memory_space<semaphore_mem>>)
      %dma_wait3A_80 = arith.constant 0 : i32
      %dma_wait3A_81 = tpu.memref_slice %arg40[%multiple_of3A_37, %dma_wait3A_80] : memref<160x128xf32, #tpu.memory_space<vmem>> -> memref<80x128xf32, #tpu.memory_space<vmem>>
      %dma_wait3A_82 = arith.constant 0 : i32
      %dma_wait3A_83 = tpu.memref_slice %arg8[%multiple_of3A_46, %dma_wait3A_82] : memref<100000x128xf32, #tpu.memory_space<hbm>> -> memref<80x128xf32, #tpu.memory_space<hbm>>
      %dma_wait3A_84 = arith.constant 0 : i32
      %dma_wait3A_85 = tpu.memref_slice %arg40[%multiple_of3A_37, %dma_wait3A_84] : memref<160x128xf32, #tpu.memory_space<vmem>> -> memref<80x128xf32, #tpu.memory_space<vmem>>
      %dma_wait3A_86 = arith.constant 0 : i32
      %dma_wait3A_87 = tpu.memref_slice %arg8[%multiple_of3A_46, %dma_wait3A_86] : memref<100000x128xf32, #tpu.memory_space<hbm>> -> memref<80x128xf32, #tpu.memory_space<hbm>>
      tpu.wait_dma2 semaphore(%arg42 : memref<!tpu.dma_semaphore, #tpu.memory_space<semaphore_mem>>) src(%dma_wait3A_87 : memref<80x128xf32, #tpu.memory_space<hbm>>) dst(%dma_wait3A_85 : memref<80x128xf32, #tpu.memory_space<vmem>>)
      %dma_wait3A_88 = tpu.memref_slice %arg22[%multiple_of3A_40] : memref<3200xi32, #tpu.memory_space<vmem>> -> memref<80xi32, #tpu.memory_space<vmem>>
      %dma_wait3A_89 = arith.constant 0 : i32
      %dma_wait3A_90 = arith.constant 0 : i32
      %dma_wait3A_91 = tpu.memref_slice %arg2[%dma_wait3A_89, %dma_wait3A_90] : memref<100000x128xf32, #tpu.memory_space<hbm>> -> memref<100000x128xf32, #tpu.memory_space<hbm>>
      tpu.wait_indirect_dma semaphore(%arg41 : memref<!tpu.dma_semaphore, #tpu.memory_space<semaphore_mem>>) src(%dma_wait3A_91 : memref<100000x128xf32, #tpu.memory_space<hbm>>) dst(%arg34 : memref<80x128xf32, #tpu.memory_space<vmem>>)
      %dma_wait3A_92 = tpu.memref_slice %arg23[%multiple_of3A_40] : memref<3200xi32, #tpu.memory_space<vmem>> -> memref<80xi32, #tpu.memory_space<vmem>>
      %dma_wait3A_93 = arith.constant 0 : i32
      %dma_wait3A_94 = arith.constant 0 : i32
      %dma_wait3A_95 = tpu.memref_slice %arg3[%dma_wait3A_93, %dma_wait3A_94] : memref<100000x128xf32, #tpu.memory_space<hbm>> -> memref<100000x128xf32, #tpu.memory_space<hbm>>
      tpu.wait_indirect_dma semaphore(%arg41 : memref<!tpu.dma_semaphore, #tpu.memory_space<semaphore_mem>>) src(%dma_wait3A_95 : memref<100000x128xf32, #tpu.memory_space<hbm>>) dst(%arg35 : memref<80x128xf32, #tpu.memory_space<vmem>>)
      %dma_wait3A_96 = tpu.memref_slice %arg24[%multiple_of3A_40] : memref<3200xi32, #tpu.memory_space<vmem>> -> memref<80xi32, #tpu.memory_space<vmem>>
      %dma_wait3A_97 = arith.constant 0 : i32
      %dma_wait3A_98 = arith.constant 0 : i32
      %dma_wait3A_99 = tpu.memref_slice %arg4[%dma_wait3A_97, %dma_wait3A_98] : memref<100000x128xf32, #tpu.memory_space<hbm>> -> memref<100000x128xf32, #tpu.memory_space<hbm>>
      tpu.wait_indirect_dma semaphore(%arg41 : memref<!tpu.dma_semaphore, #tpu.memory_space<semaphore_mem>>) src(%dma_wait3A_99 : memref<100000x128xf32, #tpu.memory_space<hbm>>) dst(%arg36 : memref<80x128xf32, #tpu.memory_space<vmem>>)
      %dma_wait3A_100 = tpu.memref_slice %arg25[%multiple_of3A_40] : memref<3200xi32, #tpu.memory_space<vmem>> -> memref<80xi32, #tpu.memory_space<vmem>>
      %dma_wait3A_101 = arith.constant 0 : i32
      %dma_wait3A_102 = arith.constant 0 : i32
      %dma_wait3A_103 = tpu.memref_slice %arg5[%dma_wait3A_101, %dma_wait3A_102] : memref<100000x128xf32, #tpu.memory_space<hbm>> -> memref<100000x128xf32, #tpu.memory_space<hbm>>
      tpu.wait_indirect_dma semaphore(%arg41 : memref<!tpu.dma_semaphore, #tpu.memory_space<semaphore_mem>>) src(%dma_wait3A_103 : memref<100000x128xf32, #tpu.memory_space<hbm>>) dst(%arg37 : memref<80x128xf32, #tpu.memory_space<vmem>>)
      %dma_wait3A_104 = tpu.memref_slice %arg26[%multiple_of3A_40] : memref<3200xi32, #tpu.memory_space<vmem>> -> memref<80xi32, #tpu.memory_space<vmem>>
      %dma_wait3A_105 = arith.constant 0 : i32
      %dma_wait3A_106 = arith.constant 0 : i32
      %dma_wait3A_107 = tpu.memref_slice %arg6[%dma_wait3A_105, %dma_wait3A_106] : memref<100000x128xf32, #tpu.memory_space<hbm>> -> memref<100000x128xf32, #tpu.memory_space<hbm>>
      tpu.wait_indirect_dma semaphore(%arg41 : memref<!tpu.dma_semaphore, #tpu.memory_space<semaphore_mem>>) src(%dma_wait3A_107 : memref<100000x128xf32, #tpu.memory_space<hbm>>) dst(%arg38 : memref<80x128xf32, #tpu.memory_space<vmem>>)
      %dma_wait3A_108 = tpu.memref_slice %arg27[%multiple_of3A_40] : memref<3200xi32, #tpu.memory_space<vmem>> -> memref<80xi32, #tpu.memory_space<vmem>>
      %dma_wait3A_109 = arith.constant 0 : i32
      %dma_wait3A_110 = arith.constant 0 : i32
      %dma_wait3A_111 = tpu.memref_slice %arg7[%dma_wait3A_109, %dma_wait3A_110] : memref<100000x128xf32, #tpu.memory_space<hbm>> -> memref<100000x128xf32, #tpu.memory_space<hbm>>
      tpu.wait_indirect_dma semaphore(%arg41 : memref<!tpu.dma_semaphore, #tpu.memory_space<semaphore_mem>>) src(%dma_wait3A_111 : memref<100000x128xf32, #tpu.memory_space<hbm>>) dst(%arg39 : memref<80x128xf32, #tpu.memory_space<vmem>>)
      %parallel_loop3A = arith.constant 0 : i32
      %parallel_loop3A_112 = arith.constant 80 : i32
      %parallel_loop3A_113 = arith.constant 1 : i32
      scf.for %parallel_loop3A_133 = %parallel_loop3A to %parallel_loop3A_112 step %parallel_loop3A_113  : i32 {
        %parallel_loop3A_134 = arith.addi %multiple_of3A_40, %parallel_loop3A_133 : i32
        %parallel_loop3A_135 = arith.index_cast %parallel_loop3A_134 : i32 to index
        %parallel_loop3A_136 = tpu.vector_load %arg28[%parallel_loop3A_135] {strides = array<i32>} : memref<3216xf32, #tpu.memory_space<vmem>>, vector<16xf32>,
        %parallel_loop3A_137 = vector.shape_cast %parallel_loop3A_136 : vector<16xf32> to vector<16xf32>
        %parallel_loop3A_138 = vector.extract_strided_slice %parallel_loop3A_137 {offsets = [0], sizes = [1], strides = [1]} : vector<16xf32> to vector<1xf32>
        %parallel_loop3A_139 = vector.extract %parallel_loop3A_138[0] : f32 from vector<1xf32>
        %parallel_loop3A_140 = arith.index_cast %parallel_loop3A_134 : i32 to index
        %parallel_loop3A_141 = tpu.vector_load %arg29[%parallel_loop3A_140] {strides = array<i32>} : memref<3216xf32, #tpu.memory_space<vmem>>, vector<16xf32>,
        %parallel_loop3A_142 = vector.shape_cast %parallel_loop3A_141 : vector<16xf32> to vector<16xf32>
        %parallel_loop3A_143 = vector.extract_strided_slice %parallel_loop3A_142 {offsets = [0], sizes = [1], strides = [1]} : vector<16xf32> to vector<1xf32>
        %parallel_loop3A_144 = vector.extract %parallel_loop3A_143[0] : f32 from vector<1xf32>
        %parallel_loop3A_145 = arith.index_cast %parallel_loop3A_134 : i32 to index
        %parallel_loop3A_146 = tpu.vector_load %arg30[%parallel_loop3A_145] {strides = array<i32>} : memref<3216xf32, #tpu.memory_space<vmem>>, vector<16xf32>,
        %parallel_loop3A_147 = vector.shape_cast %parallel_loop3A_146 : vector<16xf32> to vector<16xf32>
        %parallel_loop3A_148 = vector.extract_strided_slice %parallel_loop3A_147 {offsets = [0], sizes = [1], strides = [1]} : vector<16xf32> to vector<1xf32>
        %parallel_loop3A_149 = vector.extract %parallel_loop3A_148[0] : f32 from vector<1xf32>
        %parallel_loop3A_150 = arith.index_cast %parallel_loop3A_134 : i32 to index
        %parallel_loop3A_151 = tpu.vector_load %arg31[%parallel_loop3A_150] {strides = array<i32>} : memref<3216xf32, #tpu.memory_space<vmem>>, vector<16xf32>,
        %parallel_loop3A_152 = vector.shape_cast %parallel_loop3A_151 : vector<16xf32> to vector<16xf32>
        %parallel_loop3A_153 = vector.extract_strided_slice %parallel_loop3A_152 {offsets = [0], sizes = [1], strides = [1]} : vector<16xf32> to vector<1xf32>
        %parallel_loop3A_154 = vector.extract %parallel_loop3A_153[0] : f32 from vector<1xf32>
        %parallel_loop3A_155 = arith.index_cast %parallel_loop3A_134 : i32 to index
        %parallel_loop3A_156 = tpu.vector_load %arg32[%parallel_loop3A_155] {strides = array<i32>} : memref<3216xf32, #tpu.memory_space<vmem>>, vector<16xf32>,
        %parallel_loop3A_157 = vector.shape_cast %parallel_loop3A_156 : vector<16xf32> to vector<16xf32>
        %parallel_loop3A_158 = vector.extract_strided_slice %parallel_loop3A_157 {offsets = [0], sizes = [1], strides = [1]} : vector<16xf32> to vector<1xf32>
        %parallel_loop3A_159 = vector.extract %parallel_loop3A_158[0] : f32 from vector<1xf32>
        %parallel_loop3A_160 = arith.index_cast %parallel_loop3A_134 : i32 to index
        %parallel_loop3A_161 = tpu.vector_load %arg33[%parallel_loop3A_160] {strides = array<i32>} : memref<3216xf32, #tpu.memory_space<vmem>>, vector<16xf32>,
        %parallel_loop3A_162 = vector.shape_cast %parallel_loop3A_161 : vector<16xf32> to vector<16xf32>
        %parallel_loop3A_163 = vector.extract_strided_slice %parallel_loop3A_162 {offsets = [0], sizes = [1], strides = [1]} : vector<16xf32> to vector<1xf32>
        %parallel_loop3A_164 = vector.extract %parallel_loop3A_163[0] : f32 from vector<1xf32>
        %parallel_loop3A_165 = arith.addi %multiple_of3A_37, %parallel_loop3A_133 : i32
        %parallel_loop3A_166 = arith.index_cast %parallel_loop3A_165 : i32 to index
        %parallel_loop3A_167 = arith.constant 0 : index
        %parallel_loop3A_168 = tpu.vector_load %arg40[%parallel_loop3A_166, %parallel_loop3A_167] {strides = array<i32>} : memref<160x128xf32, #tpu.memory_space<vmem>>, vector<1x16xf32>,
        %parallel_loop3A_169 = vector.shape_cast %parallel_loop3A_168 : vector<1x16xf32> to vector<16xf32>
        %parallel_loop3A_170 = arith.index_cast %parallel_loop3A_133 : i32 to index
        %parallel_loop3A_171 = arith.constant 0 : index
        %parallel_loop3A_172 = tpu.vector_load %arg34[%parallel_loop3A_170, %parallel_loop3A_171] {strides = array<i32>} : memref<80x128xf32, #tpu.memory_space<vmem>>, vector<1x16xf32>,
        %parallel_loop3A_173 = vector.shape_cast %parallel_loop3A_172 : vector<1x16xf32> to vector<16xf32>
        %parallel_loop3A_174 = vector.broadcast %parallel_loop3A_139 : f32 to vector<16xf32>
        %parallel_loop3A_175 = arith.mulf %parallel_loop3A_174, %parallel_loop3A_173 : vector<16xf32>
        %parallel_loop3A_176 = arith.addf %parallel_loop3A_169, %parallel_loop3A_175 : vector<16xf32>
        %parallel_loop3A_177 = arith.index_cast %parallel_loop3A_133 : i32 to index
        %parallel_loop3A_178 = arith.constant 0 : index
        %parallel_loop3A_179 = tpu.vector_load %arg35[%parallel_loop3A_177, %parallel_loop3A_178] {strides = array<i32>} : memref<80x128xf32, #tpu.memory_space<vmem>>, vector<1x16xf32>,
        %parallel_loop3A_180 = vector.shape_cast %parallel_loop3A_179 : vector<1x16xf32> to vector<16xf32>
        %parallel_loop3A_181 = vector.broadcast %parallel_loop3A_144 : f32 to vector<16xf32>
        %parallel_loop3A_182 = arith.mulf %parallel_loop3A_181, %parallel_loop3A_180 : vector<16xf32>
        %parallel_loop3A_183 = arith.addf %parallel_loop3A_176, %parallel_loop3A_182 : vector<16xf32>
        %parallel_loop3A_184 = arith.index_cast %parallel_loop3A_133 : i32 to index
        %parallel_loop3A_185 = arith.constant 0 : index
        %parallel_loop3A_186 = tpu.vector_load %arg36[%parallel_loop3A_184, %parallel_loop3A_185] {strides = array<i32>} : memref<80x128xf32, #tpu.memory_space<vmem>>, vector<1x16xf32>,
        %parallel_loop3A_187 = vector.shape_cast %parallel_loop3A_186 : vector<1x16xf32> to vector<16xf32>
        %parallel_loop3A_188 = vector.broadcast %parallel_loop3A_149 : f32 to vector<16xf32>
        %parallel_loop3A_189 = arith.mulf %parallel_loop3A_188, %parallel_loop3A_187 : vector<16xf32>
        %parallel_loop3A_190 = arith.addf %parallel_loop3A_183, %parallel_loop3A_189 : vector<16xf32>
        %parallel_loop3A_191 = arith.index_cast %parallel_loop3A_133 : i32 to index
        %parallel_loop3A_192 = arith.constant 0 : index
        %parallel_loop3A_193 = tpu.vector_load %arg37[%parallel_loop3A_191, %parallel_loop3A_192] {strides = array<i32>} : memref<80x128xf32, #tpu.memory_space<vmem>>, vector<1x16xf32>,
        %parallel_loop3A_194 = vector.shape_cast %parallel_loop3A_193 : vector<1x16xf32> to vector<16xf32>
        %parallel_loop3A_195 = vector.broadcast %parallel_loop3A_154 : f32 to vector<16xf32>
        %parallel_loop3A_196 = arith.mulf %parallel_loop3A_195, %parallel_loop3A_194 : vector<16xf32>
        %parallel_loop3A_197 = arith.addf %parallel_loop3A_190, %parallel_loop3A_196 : vector<16xf32>
        %parallel_loop3A_198 = arith.index_cast %parallel_loop3A_133 : i32 to index
        %parallel_loop3A_199 = arith.constant 0 : index
        %parallel_loop3A_200 = tpu.vector_load %arg38[%parallel_loop3A_198, %parallel_loop3A_199] {strides = array<i32>} : memref<80x128xf32, #tpu.memory_space<vmem>>, vector<1x16xf32>,
        %parallel_loop3A_201 = vector.shape_cast %parallel_loop3A_200 : vector<1x16xf32> to vector<16xf32>
        %parallel_loop3A_202 = vector.broadcast %parallel_loop3A_159 : f32 to vector<16xf32>
        %parallel_loop3A_203 = arith.mulf %parallel_loop3A_202, %parallel_loop3A_201 : vector<16xf32>
        %parallel_loop3A_204 = arith.addf %parallel_loop3A_197, %parallel_loop3A_203 : vector<16xf32>
        %parallel_loop3A_205 = arith.index_cast %parallel_loop3A_133 : i32 to index
        %parallel_loop3A_206 = arith.constant 0 : index
        %parallel_loop3A_207 = tpu.vector_load %arg39[%parallel_loop3A_205, %parallel_loop3A_206] {strides = array<i32>} : memref<80x128xf32, #tpu.memory_space<vmem>>, vector<1x16xf32>,
        %parallel_loop3A_208 = vector.shape_cast %parallel_loop3A_207 : vector<1x16xf32> to vector<16xf32>
        %parallel_loop3A_209 = vector.broadcast %parallel_loop3A_164 : f32 to vector<16xf32>
        %parallel_loop3A_210 = arith.mulf %parallel_loop3A_209, %parallel_loop3A_208 : vector<16xf32>
        %parallel_loop3A_211 = arith.addf %parallel_loop3A_204, %parallel_loop3A_210 : vector<16xf32>
        %parallel_loop3A_212 = arith.addi %multiple_of3A_37, %parallel_loop3A_133 : i32
        %parallel_loop3A_213 = arith.index_cast %parallel_loop3A_212 : i32 to index
        %parallel_loop3A_214 = arith.constant 0 : index
        %parallel_loop3A_215 = tpu.vector_load %arg40[%parallel_loop3A_213, %parallel_loop3A_214] {strides = array<i32>} : memref<160x128xf32, #tpu.memory_space<vmem>>, vector<1x16xf32>,
        %parallel_loop3A_216 = vector.shape_cast %parallel_loop3A_215 : vector<1x16xf32> to vector<16xf32>
        %parallel_loop3A_217 = vector.shape_cast %parallel_loop3A_211 : vector<16xf32> to vector<1x16xf32>
        tpu.vector_store %arg40[%parallel_loop3A_213, %parallel_loop3A_214], %parallel_loop3A_217 {strides = array<i32>} : memref<160x128xf32, #tpu.memory_space<vmem>>, vector<1x16xf32>,
        %parallel_loop3A_218 = arith.addi %multiple_of3A_37, %parallel_loop3A_133 : i32
        %parallel_loop3A_219 = arith.index_cast %parallel_loop3A_218 : i32 to index
        %parallel_loop3A_220 = arith.constant 16 : index
        %parallel_loop3A_221 = tpu.vector_load %arg40[%parallel_loop3A_219, %parallel_loop3A_220] {strides = array<i32>} : memref<160x128xf32, #tpu.memory_space<vmem>>, vector<1x16xf32>,
        %parallel_loop3A_222 = vector.shape_cast %parallel_loop3A_221 : vector<1x16xf32> to vector<16xf32>
        %parallel_loop3A_223 = arith.index_cast %parallel_loop3A_133 : i32 to index
        %parallel_loop3A_224 = arith.constant 16 : index
        %parallel_loop3A_225 = tpu.vector_load %arg34[%parallel_loop3A_223, %parallel_loop3A_224] {strides = array<i32>} : memref<80x128xf32, #tpu.memory_space<vmem>>, vector<1x16xf32>,
        %parallel_loop3A_226 = vector.shape_cast %parallel_loop3A_225 : vector<1x16xf32> to vector<16xf32>
        %parallel_loop3A_227 = vector.broadcast %parallel_loop3A_139 : f32 to vector<16xf32>
        %parallel_loop3A_228 = arith.mulf %parallel_loop3A_227, %parallel_loop3A_226 : vector<16xf32>
        %parallel_loop3A_229 = arith.addf %parallel_loop3A_222, %parallel_loop3A_228 : vector<16xf32>
        %parallel_loop3A_230 = arith.index_cast %parallel_loop3A_133 : i32 to index
        %parallel_loop3A_231 = arith.constant 16 : index
        %parallel_loop3A_232 = tpu.vector_load %arg35[%parallel_loop3A_230, %parallel_loop3A_231] {strides = array<i32>} : memref<80x128xf32, #tpu.memory_space<vmem>>, vector<1x16xf32>,
        %parallel_loop3A_233 = vector.shape_cast %parallel_loop3A_232 : vector<1x16xf32> to vector<16xf32>
        %parallel_loop3A_234 = vector.broadcast %parallel_loop3A_144 : f32 to vector<16xf32>
        %parallel_loop3A_235 = arith.mulf %parallel_loop3A_234, %parallel_loop3A_233 : vector<16xf32>
        %parallel_loop3A_236 = arith.addf %parallel_loop3A_229, %parallel_loop3A_235 : vector<16xf32>
        %parallel_loop3A_237 = arith.index_cast %parallel_loop3A_133 : i32 to index
        %parallel_loop3A_238 = arith.constant 16 : index
        %parallel_loop3A_239 = tpu.vector_load %arg36[%parallel_loop3A_237, %parallel_loop3A_238] {strides = array<i32>} : memref<80x128xf32, #tpu.memory_space<vmem>>, vector<1x16xf32>,
        %parallel_loop3A_240 = vector.shape_cast %parallel_loop3A_239 : vector<1x16xf32> to vector<16xf32>
        %parallel_loop3A_241 = vector.broadcast %parallel_loop3A_149 : f32 to vector<16xf32>
        %parallel_loop3A_242 = arith.mulf %parallel_loop3A_241, %parallel_loop3A_240 : vector<16xf32>
        %parallel_loop3A_243 = arith.addf %parallel_loop3A_236, %parallel_loop3A_242 : vector<16xf32>
        %parallel_loop3A_244 = arith.index_cast %parallel_loop3A_133 : i32 to index
        %parallel_loop3A_245 = arith.constant 16 : index
        %parallel_loop3A_246 = tpu.vector_load %arg37[%parallel_loop3A_244, %parallel_loop3A_245] {strides = array<i32>} : memref<80x128xf32, #tpu.memory_space<vmem>>, vector<1x16xf32>,
        %parallel_loop3A_247 = vector.shape_cast %parallel_loop3A_246 : vector<1x16xf32> to vector<16xf32>
        %parallel_loop3A_248 = vector.broadcast %parallel_loop3A_154 : f32 to vector<16xf32>
        %parallel_loop3A_249 = arith.mulf %parallel_loop3A_248, %parallel_loop3A_247 : vector<16xf32>
        %parallel_loop3A_250 = arith.addf %parallel_loop3A_243, %parallel_loop3A_249 : vector<16xf32>
        %parallel_loop3A_251 = arith.index_cast %parallel_loop3A_133 : i32 to index
        %parallel_loop3A_252 = arith.constant 16 : index
        %parallel_loop3A_253 = tpu.vector_load %arg38[%parallel_loop3A_251, %parallel_loop3A_252] {strides = array<i32>} : memref<80x128xf32, #tpu.memory_space<vmem>>, vector<1x16xf32>,
        %parallel_loop3A_254 = vector.shape_cast %parallel_loop3A_253 : vector<1x16xf32> to vector<16xf32>
        %parallel_loop3A_255 = vector.broadcast %parallel_loop3A_159 : f32 to vector<16xf32>
        %parallel_loop3A_256 = arith.mulf %parallel_loop3A_255, %parallel_loop3A_254 : vector<16xf32>
        %parallel_loop3A_257 = arith.addf %parallel_loop3A_250, %parallel_loop3A_256 : vector<16xf32>
        %parallel_loop3A_258 = arith.index_cast %parallel_loop3A_133 : i32 to index
        %parallel_loop3A_259 = arith.constant 16 : index
        %parallel_loop3A_260 = tpu.vector_load %arg39[%parallel_loop3A_258, %parallel_loop3A_259] {strides = array<i32>} : memref<80x128xf32, #tpu.memory_space<vmem>>, vector<1x16xf32>,
        %parallel_loop3A_261 = vector.shape_cast %parallel_loop3A_260 : vector<1x16xf32> to vector<16xf32>
        %parallel_loop3A_262 = vector.broadcast %parallel_loop3A_164 : f32 to vector<16xf32>
        %parallel_loop3A_263 = arith.mulf %parallel_loop3A_262, %parallel_loop3A_261 : vector<16xf32>
        %parallel_loop3A_264 = arith.addf %parallel_loop3A_257, %parallel_loop3A_263 : vector<16xf32>
        %parallel_loop3A_265 = arith.addi %multiple_of3A_37, %parallel_loop3A_133 : i32
        %parallel_loop3A_266 = arith.index_cast %parallel_loop3A_265 : i32 to index
        %parallel_loop3A_267 = arith.constant 16 : index
        %parallel_loop3A_268 = tpu.vector_load %arg40[%parallel_loop3A_266, %parallel_loop3A_267] {strides = array<i32>} : memref<160x128xf32, #tpu.memory_space<vmem>>, vector<1x16xf32>,
        %parallel_loop3A_269 = vector.shape_cast %parallel_loop3A_268 : vector<1x16xf32> to vector<16xf32>
        %parallel_loop3A_270 = vector.shape_cast %parallel_loop3A_264 : vector<16xf32> to vector<1x16xf32>
        tpu.vector_store %arg40[%parallel_loop3A_266, %parallel_loop3A_267], %parallel_loop3A_270 {strides = array<i32>} : memref<160x128xf32, #tpu.memory_space<vmem>>, vector<1x16xf32>,
        %parallel_loop3A_271 = arith.addi %multiple_of3A_37, %parallel_loop3A_133 : i32
        %parallel_loop3A_272 = arith.index_cast %parallel_loop3A_271 : i32 to index
        %parallel_loop3A_273 = arith.constant 32 : index
        %parallel_loop3A_274 = tpu.vector_load %arg40[%parallel_loop3A_272, %parallel_loop3A_273] {strides = array<i32>} : memref<160x128xf32, #tpu.memory_space<vmem>>, vector<1x16xf32>,
        %parallel_loop3A_275 = vector.shape_cast %parallel_loop3A_274 : vector<1x16xf32> to vector<16xf32>
        %parallel_loop3A_276 = arith.index_cast %parallel_loop3A_133 : i32 to index
        %parallel_loop3A_277 = arith.constant 32 : index
        %parallel_loop3A_278 = tpu.vector_load %arg34[%parallel_loop3A_276, %parallel_loop3A_277] {strides = array<i32>} : memref<80x128xf32, #tpu.memory_space<vmem>>, vector<1x16xf32>,
        %parallel_loop3A_279 = vector.shape_cast %parallel_loop3A_278 : vector<1x16xf32> to vector<16xf32>
        %parallel_loop3A_280 = vector.broadcast %parallel_loop3A_139 : f32 to vector<16xf32>
        %parallel_loop3A_281 = arith.mulf %parallel_loop3A_280, %parallel_loop3A_279 : vector<16xf32>
        %parallel_loop3A_282 = arith.addf %parallel_loop3A_275, %parallel_loop3A_281 : vector<16xf32>
        %parallel_loop3A_283 = arith.index_cast %parallel_loop3A_133 : i32 to index
        %parallel_loop3A_284 = arith.constant 32 : index
        %parallel_loop3A_285 = tpu.vector_load %arg35[%parallel_loop3A_283, %parallel_loop3A_284] {strides = array<i32>} : memref<80x128xf32, #tpu.memory_space<vmem>>, vector<1x16xf32>,
        %parallel_loop3A_286 = vector.shape_cast %parallel_loop3A_285 : vector<1x16xf32> to vector<16xf32>
        %parallel_loop3A_287 = vector.broadcast %parallel_loop3A_144 : f32 to vector<16xf32>
        %parallel_loop3A_288 = arith.mulf %parallel_loop3A_287, %parallel_loop3A_286 : vector<16xf32>
        %parallel_loop3A_289 = arith.addf %parallel_loop3A_282, %parallel_loop3A_288 : vector<16xf32>
        %parallel_loop3A_290 = arith.index_cast %parallel_loop3A_133 : i32 to index
        %parallel_loop3A_291 = arith.constant 32 : index
        %parallel_loop3A_292 = tpu.vector_load %arg36[%parallel_loop3A_290, %parallel_loop3A_291] {strides = array<i32>} : memref<80x128xf32, #tpu.memory_space<vmem>>, vector<1x16xf32>,
        %parallel_loop3A_293 = vector.shape_cast %parallel_loop3A_292 : vector<1x16xf32> to vector<16xf32>
        %parallel_loop3A_294 = vector.broadcast %parallel_loop3A_149 : f32 to vector<16xf32>
        %parallel_loop3A_295 = arith.mulf %parallel_loop3A_294, %parallel_loop3A_293 : vector<16xf32>
        %parallel_loop3A_296 = arith.addf %parallel_loop3A_289, %parallel_loop3A_295 : vector<16xf32>
        %parallel_loop3A_297 = arith.index_cast %parallel_loop3A_133 : i32 to index
        %parallel_loop3A_298 = arith.constant 32 : index
        %parallel_loop3A_299 = tpu.vector_load %arg37[%parallel_loop3A_297, %parallel_loop3A_298] {strides = array<i32>} : memref<80x128xf32, #tpu.memory_space<vmem>>, vector<1x16xf32>,
        %parallel_loop3A_300 = vector.shape_cast %parallel_loop3A_299 : vector<1x16xf32> to vector<16xf32>
        %parallel_loop3A_301 = vector.broadcast %parallel_loop3A_154 : f32 to vector<16xf32>
        %parallel_loop3A_302 = arith.mulf %parallel_loop3A_301, %parallel_loop3A_300 : vector<16xf32>
        %parallel_loop3A_303 = arith.addf %parallel_loop3A_296, %parallel_loop3A_302 : vector<16xf32>
        %parallel_loop3A_304 = arith.index_cast %parallel_loop3A_133 : i32 to index
        %parallel_loop3A_305 = arith.constant 32 : index
        %parallel_loop3A_306 = tpu.vector_load %arg38[%parallel_loop3A_304, %parallel_loop3A_305] {strides = array<i32>} : memref<80x128xf32, #tpu.memory_space<vmem>>, vector<1x16xf32>,
        %parallel_loop3A_307 = vector.shape_cast %parallel_loop3A_306 : vector<1x16xf32> to vector<16xf32>
        %parallel_loop3A_308 = vector.broadcast %parallel_loop3A_159 : f32 to vector<16xf32>
        %parallel_loop3A_309 = arith.mulf %parallel_loop3A_308, %parallel_loop3A_307 : vector<16xf32>
        %parallel_loop3A_310 = arith.addf %parallel_loop3A_303, %parallel_loop3A_309 : vector<16xf32>
        %parallel_loop3A_311 = arith.index_cast %parallel_loop3A_133 : i32 to index
        %parallel_loop3A_312 = arith.constant 32 : index
        %parallel_loop3A_313 = tpu.vector_load %arg39[%parallel_loop3A_311, %parallel_loop3A_312] {strides = array<i32>} : memref<80x128xf32, #tpu.memory_space<vmem>>, vector<1x16xf32>,
        %parallel_loop3A_314 = vector.shape_cast %parallel_loop3A_313 : vector<1x16xf32> to vector<16xf32>
        %parallel_loop3A_315 = vector.broadcast %parallel_loop3A_164 : f32 to vector<16xf32>
        %parallel_loop3A_316 = arith.mulf %parallel_loop3A_315, %parallel_loop3A_314 : vector<16xf32>
        %parallel_loop3A_317 = arith.addf %parallel_loop3A_310, %parallel_loop3A_316 : vector<16xf32>
        %parallel_loop3A_318 = arith.addi %multiple_of3A_37, %parallel_loop3A_133 : i32
        %parallel_loop3A_319 = arith.index_cast %parallel_loop3A_318 : i32 to index
        %parallel_loop3A_320 = arith.constant 32 : index
        %parallel_loop3A_321 = tpu.vector_load %arg40[%parallel_loop3A_319, %parallel_loop3A_320] {strides = array<i32>} : memref<160x128xf32, #tpu.memory_space<vmem>>, vector<1x16xf32>,
        %parallel_loop3A_322 = vector.shape_cast %parallel_loop3A_321 : vector<1x16xf32> to vector<16xf32>
        %parallel_loop3A_323 = vector.shape_cast %parallel_loop3A_317 : vector<16xf32> to vector<1x16xf32>
        tpu.vector_store %arg40[%parallel_loop3A_319, %parallel_loop3A_320], %parallel_loop3A_323 {strides = array<i32>} : memref<160x128xf32, #tpu.memory_space<vmem>>, vector<1x16xf32>,
        %parallel_loop3A_324 = arith.addi %multiple_of3A_37, %parallel_loop3A_133 : i32
        %parallel_loop3A_325 = arith.index_cast %parallel_loop3A_324 : i32 to index
        %parallel_loop3A_326 = arith.constant 48 : index
        %parallel_loop3A_327 = tpu.vector_load %arg40[%parallel_loop3A_325, %parallel_loop3A_326] {strides = array<i32>} : memref<160x128xf32, #tpu.memory_space<vmem>>, vector<1x16xf32>,
        %parallel_loop3A_328 = vector.shape_cast %parallel_loop3A_327 : vector<1x16xf32> to vector<16xf32>
        %parallel_loop3A_329 = arith.index_cast %parallel_loop3A_133 : i32 to index
        %parallel_loop3A_330 = arith.constant 48 : index
        %parallel_loop3A_331 = tpu.vector_load %arg34[%parallel_loop3A_329, %parallel_loop3A_330] {strides = array<i32>} : memref<80x128xf32, #tpu.memory_space<vmem>>, vector<1x16xf32>,
        %parallel_loop3A_332 = vector.shape_cast %parallel_loop3A_331 : vector<1x16xf32> to vector<16xf32>
        %parallel_loop3A_333 = vector.broadcast %parallel_loop3A_139 : f32 to vector<16xf32>
        %parallel_loop3A_334 = arith.mulf %parallel_loop3A_333, %parallel_loop3A_332 : vector<16xf32>
        %parallel_loop3A_335 = arith.addf %parallel_loop3A_328, %parallel_loop3A_334 : vector<16xf32>
        %parallel_loop3A_336 = arith.index_cast %parallel_loop3A_133 : i32 to index
        %parallel_loop3A_337 = arith.constant 48 : index
        %parallel_loop3A_338 = tpu.vector_load %arg35[%parallel_loop3A_336, %parallel_loop3A_337] {strides = array<i32>} : memref<80x128xf32, #tpu.memory_space<vmem>>, vector<1x16xf32>,
        %parallel_loop3A_339 = vector.shape_cast %parallel_loop3A_338 : vector<1x16xf32> to vector<16xf32>
        %parallel_loop3A_340 = vector.broadcast %parallel_loop3A_144 : f32 to vector<16xf32>
        %parallel_loop3A_341 = arith.mulf %parallel_loop3A_340, %parallel_loop3A_339 : vector<16xf32>
        %parallel_loop3A_342 = arith.addf %parallel_loop3A_335, %parallel_loop3A_341 : vector<16xf32>
        %parallel_loop3A_343 = arith.index_cast %parallel_loop3A_133 : i32 to index
        %parallel_loop3A_344 = arith.constant 48 : index
        %parallel_loop3A_345 = tpu.vector_load %arg36[%parallel_loop3A_343, %parallel_loop3A_344] {strides = array<i32>} : memref<80x128xf32, #tpu.memory_space<vmem>>, vector<1x16xf32>,
        %parallel_loop3A_346 = vector.shape_cast %parallel_loop3A_345 : vector<1x16xf32> to vector<16xf32>
        %parallel_loop3A_347 = vector.broadcast %parallel_loop3A_149 : f32 to vector<16xf32>
        %parallel_loop3A_348 = arith.mulf %parallel_loop3A_347, %parallel_loop3A_346 : vector<16xf32>
        %parallel_loop3A_349 = arith.addf %parallel_loop3A_342, %parallel_loop3A_348 : vector<16xf32>
        %parallel_loop3A_350 = arith.index_cast %parallel_loop3A_133 : i32 to index
        %parallel_loop3A_351 = arith.constant 48 : index
        %parallel_loop3A_352 = tpu.vector_load %arg37[%parallel_loop3A_350, %parallel_loop3A_351] {strides = array<i32>} : memref<80x128xf32, #tpu.memory_space<vmem>>, vector<1x16xf32>,
        %parallel_loop3A_353 = vector.shape_cast %parallel_loop3A_352 : vector<1x16xf32> to vector<16xf32>
        %parallel_loop3A_354 = vector.broadcast %parallel_loop3A_154 : f32 to vector<16xf32>
        %parallel_loop3A_355 = arith.mulf %parallel_loop3A_354, %parallel_loop3A_353 : vector<16xf32>
        %parallel_loop3A_356 = arith.addf %parallel_loop3A_349, %parallel_loop3A_355 : vector<16xf32>
        %parallel_loop3A_357 = arith.index_cast %parallel_loop3A_133 : i32 to index
        %parallel_loop3A_358 = arith.constant 48 : index
        %parallel_loop3A_359 = tpu.vector_load %arg38[%parallel_loop3A_357, %parallel_loop3A_358] {strides = array<i32>} : memref<80x128xf32, #tpu.memory_space<vmem>>, vector<1x16xf32>,
        %parallel_loop3A_360 = vector.shape_cast %parallel_loop3A_359 : vector<1x16xf32> to vector<16xf32>
        %parallel_loop3A_361 = vector.broadcast %parallel_loop3A_159 : f32 to vector<16xf32>
        %parallel_loop3A_362 = arith.mulf %parallel_loop3A_361, %parallel_loop3A_360 : vector<16xf32>
        %parallel_loop3A_363 = arith.addf %parallel_loop3A_356, %parallel_loop3A_362 : vector<16xf32>
        %parallel_loop3A_364 = arith.index_cast %parallel_loop3A_133 : i32 to index
        %parallel_loop3A_365 = arith.constant 48 : index
        %parallel_loop3A_366 = tpu.vector_load %arg39[%parallel_loop3A_364, %parallel_loop3A_365] {strides = array<i32>} : memref<80x128xf32, #tpu.memory_space<vmem>>, vector<1x16xf32>,
        %parallel_loop3A_367 = vector.shape_cast %parallel_loop3A_366 : vector<1x16xf32> to vector<16xf32>
        %parallel_loop3A_368 = vector.broadcast %parallel_loop3A_164 : f32 to vector<16xf32>
        %parallel_loop3A_369 = arith.mulf %parallel_loop3A_368, %parallel_loop3A_367 : vector<16xf32>
        %parallel_loop3A_370 = arith.addf %parallel_loop3A_363, %parallel_loop3A_369 : vector<16xf32>
        %parallel_loop3A_371 = arith.addi %multiple_of3A_37, %parallel_loop3A_133 : i32
        %parallel_loop3A_372 = arith.index_cast %parallel_loop3A_371 : i32 to index
        %parallel_loop3A_373 = arith.constant 48 : index
        %parallel_loop3A_374 = tpu.vector_load %arg40[%parallel_loop3A_372, %parallel_loop3A_373] {strides = array<i32>} : memref<160x128xf32, #tpu.memory_space<vmem>>, vector<1x16xf32>,
        %parallel_loop3A_375 = vector.shape_cast %parallel_loop3A_374 : vector<1x16xf32> to vector<16xf32>
        %parallel_loop3A_376 = vector.shape_cast %parallel_loop3A_370 : vector<16xf32> to vector<1x16xf32>
        tpu.vector_store %arg40[%parallel_loop3A_372, %parallel_loop3A_373], %parallel_loop3A_376 {strides = array<i32>} : memref<160x128xf32, #tpu.memory_space<vmem>>, vector<1x16xf32>,
        %parallel_loop3A_377 = arith.addi %multiple_of3A_37, %parallel_loop3A_133 : i32
        %parallel_loop3A_378 = arith.index_cast %parallel_loop3A_377 : i32 to index
        %parallel_loop3A_379 = arith.constant 64 : index
        %parallel_loop3A_380 = tpu.vector_load %arg40[%parallel_loop3A_378, %parallel_loop3A_379] {strides = array<i32>} : memref<160x128xf32, #tpu.memory_space<vmem>>, vector<1x16xf32>,
        %parallel_loop3A_381 = vector.shape_cast %parallel_loop3A_380 : vector<1x16xf32> to vector<16xf32>
        %parallel_loop3A_382 = arith.index_cast %parallel_loop3A_133 : i32 to index
        %parallel_loop3A_383 = arith.constant 64 : index
        %parallel_loop3A_384 = tpu.vector_load %arg34[%parallel_loop3A_382, %parallel_loop3A_383] {strides = array<i32>} : memref<80x128xf32, #tpu.memory_space<vmem>>, vector<1x16xf32>,
        %parallel_loop3A_385 = vector.shape_cast %parallel_loop3A_384 : vector<1x16xf32> to vector<16xf32>
        %parallel_loop3A_386 = vector.broadcast %parallel_loop3A_139 : f32 to vector<16xf32>
        %parallel_loop3A_387 = arith.mulf %parallel_loop3A_386, %parallel_loop3A_385 : vector<16xf32>
        %parallel_loop3A_388 = arith.addf %parallel_loop3A_381, %parallel_loop3A_387 : vector<16xf32>
        %parallel_loop3A_389 = arith.index_cast %parallel_loop3A_133 : i32 to index
        %parallel_loop3A_390 = arith.constant 64 : index
        %parallel_loop3A_391 = tpu.vector_load %arg35[%parallel_loop3A_389, %parallel_loop3A_390] {strides = array<i32>} : memref<80x128xf32, #tpu.memory_space<vmem>>, vector<1x16xf32>,
        %parallel_loop3A_392 = vector.shape_cast %parallel_loop3A_391 : vector<1x16xf32> to vector<16xf32>
        %parallel_loop3A_393 = vector.broadcast %parallel_loop3A_144 : f32 to vector<16xf32>
        %parallel_loop3A_394 = arith.mulf %parallel_loop3A_393, %parallel_loop3A_392 : vector<16xf32>
        %parallel_loop3A_395 = arith.addf %parallel_loop3A_388, %parallel_loop3A_394 : vector<16xf32>
        %parallel_loop3A_396 = arith.index_cast %parallel_loop3A_133 : i32 to index
        %parallel_loop3A_397 = arith.constant 64 : index
        %parallel_loop3A_398 = tpu.vector_load %arg36[%parallel_loop3A_396, %parallel_loop3A_397] {strides = array<i32>} : memref<80x128xf32, #tpu.memory_space<vmem>>, vector<1x16xf32>,
        %parallel_loop3A_399 = vector.shape_cast %parallel_loop3A_398 : vector<1x16xf32> to vector<16xf32>
        %parallel_loop3A_400 = vector.broadcast %parallel_loop3A_149 : f32 to vector<16xf32>
        %parallel_loop3A_401 = arith.mulf %parallel_loop3A_400, %parallel_loop3A_399 : vector<16xf32>
        %parallel_loop3A_402 = arith.addf %parallel_loop3A_395, %parallel_loop3A_401 : vector<16xf32>
        %parallel_loop3A_403 = arith.index_cast %parallel_loop3A_133 : i32 to index
        %parallel_loop3A_404 = arith.constant 64 : index
        %parallel_loop3A_405 = tpu.vector_load %arg37[%parallel_loop3A_403, %parallel_loop3A_404] {strides = array<i32>} : memref<80x128xf32, #tpu.memory_space<vmem>>, vector<1x16xf32>,
        %parallel_loop3A_406 = vector.shape_cast %parallel_loop3A_405 : vector<1x16xf32> to vector<16xf32>
        %parallel_loop3A_407 = vector.broadcast %parallel_loop3A_154 : f32 to vector<16xf32>
        %parallel_loop3A_408 = arith.mulf %parallel_loop3A_407, %parallel_loop3A_406 : vector<16xf32>
        %parallel_loop3A_409 = arith.addf %parallel_loop3A_402, %parallel_loop3A_408 : vector<16xf32>
        %parallel_loop3A_410 = arith.index_cast %parallel_loop3A_133 : i32 to index
        %parallel_loop3A_411 = arith.constant 64 : index
        %parallel_loop3A_412 = tpu.vector_load %arg38[%parallel_loop3A_410, %parallel_loop3A_411] {strides = array<i32>} : memref<80x128xf32, #tpu.memory_space<vmem>>, vector<1x16xf32>,
        %parallel_loop3A_413 = vector.shape_cast %parallel_loop3A_412 : vector<1x16xf32> to vector<16xf32>
        %parallel_loop3A_414 = vector.broadcast %parallel_loop3A_159 : f32 to vector<16xf32>
        %parallel_loop3A_415 = arith.mulf %parallel_loop3A_414, %parallel_loop3A_413 : vector<16xf32>
        %parallel_loop3A_416 = arith.addf %parallel_loop3A_409, %parallel_loop3A_415 : vector<16xf32>
        %parallel_loop3A_417 = arith.index_cast %parallel_loop3A_133 : i32 to index
        %parallel_loop3A_418 = arith.constant 64 : index
        %parallel_loop3A_419 = tpu.vector_load %arg39[%parallel_loop3A_417, %parallel_loop3A_418] {strides = array<i32>} : memref<80x128xf32, #tpu.memory_space<vmem>>, vector<1x16xf32>,
        %parallel_loop3A_420 = vector.shape_cast %parallel_loop3A_419 : vector<1x16xf32> to vector<16xf32>
        %parallel_loop3A_421 = vector.broadcast %parallel_loop3A_164 : f32 to vector<16xf32>
        %parallel_loop3A_422 = arith.mulf %parallel_loop3A_421, %parallel_loop3A_420 : vector<16xf32>
        %parallel_loop3A_423 = arith.addf %parallel_loop3A_416, %parallel_loop3A_422 : vector<16xf32>
        %parallel_loop3A_424 = arith.addi %multiple_of3A_37, %parallel_loop3A_133 : i32
        %parallel_loop3A_425 = arith.index_cast %parallel_loop3A_424 : i32 to index
        %parallel_loop3A_426 = arith.constant 64 : index
        %parallel_loop3A_427 = tpu.vector_load %arg40[%parallel_loop3A_425, %parallel_loop3A_426] {strides = array<i32>} : memref<160x128xf32, #tpu.memory_space<vmem>>, vector<1x16xf32>,
        %parallel_loop3A_428 = vector.shape_cast %parallel_loop3A_427 : vector<1x16xf32> to vector<16xf32>
        %parallel_loop3A_429 = vector.shape_cast %parallel_loop3A_423 : vector<16xf32> to vector<1x16xf32>
        tpu.vector_store %arg40[%parallel_loop3A_425, %parallel_loop3A_426], %parallel_loop3A_429 {strides = array<i32>} : memref<160x128xf32, #tpu.memory_space<vmem>>, vector<1x16xf32>,
        %parallel_loop3A_430 = arith.addi %multiple_of3A_37, %parallel_loop3A_133 : i32
        %parallel_loop3A_431 = arith.index_cast %parallel_loop3A_430 : i32 to index
        %parallel_loop3A_432 = arith.constant 80 : index
        %parallel_loop3A_433 = tpu.vector_load %arg40[%parallel_loop3A_431, %parallel_loop3A_432] {strides = array<i32>} : memref<160x128xf32, #tpu.memory_space<vmem>>, vector<1x16xf32>,
        %parallel_loop3A_434 = vector.shape_cast %parallel_loop3A_433 : vector<1x16xf32> to vector<16xf32>
        %parallel_loop3A_435 = arith.index_cast %parallel_loop3A_133 : i32 to index
        %parallel_loop3A_436 = arith.constant 80 : index
        %parallel_loop3A_437 = tpu.vector_load %arg34[%parallel_loop3A_435, %parallel_loop3A_436] {strides = array<i32>} : memref<80x128xf32, #tpu.memory_space<vmem>>, vector<1x16xf32>,
        %parallel_loop3A_438 = vector.shape_cast %parallel_loop3A_437 : vector<1x16xf32> to vector<16xf32>
        %parallel_loop3A_439 = vector.broadcast %parallel_loop3A_139 : f32 to vector<16xf32>
        %parallel_loop3A_440 = arith.mulf %parallel_loop3A_439, %parallel_loop3A_438 : vector<16xf32>
        %parallel_loop3A_441 = arith.addf %parallel_loop3A_434, %parallel_loop3A_440 : vector<16xf32>
        %parallel_loop3A_442 = arith.index_cast %parallel_loop3A_133 : i32 to index
        %parallel_loop3A_443 = arith.constant 80 : index
        %parallel_loop3A_444 = tpu.vector_load %arg35[%parallel_loop3A_442, %parallel_loop3A_443] {strides = array<i32>} : memref<80x128xf32, #tpu.memory_space<vmem>>, vector<1x16xf32>,
        %parallel_loop3A_445 = vector.shape_cast %parallel_loop3A_444 : vector<1x16xf32> to vector<16xf32>
        %parallel_loop3A_446 = vector.broadcast %parallel_loop3A_144 : f32 to vector<16xf32>
        %parallel_loop3A_447 = arith.mulf %parallel_loop3A_446, %parallel_loop3A_445 : vector<16xf32>
        %parallel_loop3A_448 = arith.addf %parallel_loop3A_441, %parallel_loop3A_447 : vector<16xf32>
        %parallel_loop3A_449 = arith.index_cast %parallel_loop3A_133 : i32 to index
        %parallel_loop3A_450 = arith.constant 80 : index
        %parallel_loop3A_451 = tpu.vector_load %arg36[%parallel_loop3A_449, %parallel_loop3A_450] {strides = array<i32>} : memref<80x128xf32, #tpu.memory_space<vmem>>, vector<1x16xf32>,
        %parallel_loop3A_452 = vector.shape_cast %parallel_loop3A_451 : vector<1x16xf32> to vector<16xf32>
        %parallel_loop3A_453 = vector.broadcast %parallel_loop3A_149 : f32 to vector<16xf32>
        %parallel_loop3A_454 = arith.mulf %parallel_loop3A_453, %parallel_loop3A_452 : vector<16xf32>
        %parallel_loop3A_455 = arith.addf %parallel_loop3A_448, %parallel_loop3A_454 : vector<16xf32>
        %parallel_loop3A_456 = arith.index_cast %parallel_loop3A_133 : i32 to index
        %parallel_loop3A_457 = arith.constant 80 : index
        %parallel_loop3A_458 = tpu.vector_load %arg37[%parallel_loop3A_456, %parallel_loop3A_457] {strides = array<i32>} : memref<80x128xf32, #tpu.memory_space<vmem>>, vector<1x16xf32>,
        %parallel_loop3A_459 = vector.shape_cast %parallel_loop3A_458 : vector<1x16xf32> to vector<16xf32>
        %parallel_loop3A_460 = vector.broadcast %parallel_loop3A_154 : f32 to vector<16xf32>
        %parallel_loop3A_461 = arith.mulf %parallel_loop3A_460, %parallel_loop3A_459 : vector<16xf32>
        %parallel_loop3A_462 = arith.addf %parallel_loop3A_455, %parallel_loop3A_461 : vector<16xf32>
        %parallel_loop3A_463 = arith.index_cast %parallel_loop3A_133 : i32 to index
        %parallel_loop3A_464 = arith.constant 80 : index
        %parallel_loop3A_465 = tpu.vector_load %arg38[%parallel_loop3A_463, %parallel_loop3A_464] {strides = array<i32>} : memref<80x128xf32, #tpu.memory_space<vmem>>, vector<1x16xf32>,
        %parallel_loop3A_466 = vector.shape_cast %parallel_loop3A_465 : vector<1x16xf32> to vector<16xf32>
        %parallel_loop3A_467 = vector.broadcast %parallel_loop3A_159 : f32 to vector<16xf32>
        %parallel_loop3A_468 = arith.mulf %parallel_loop3A_467, %parallel_loop3A_466 : vector<16xf32>
        %parallel_loop3A_469 = arith.addf %parallel_loop3A_462, %parallel_loop3A_468 : vector<16xf32>
        %parallel_loop3A_470 = arith.index_cast %parallel_loop3A_133 : i32 to index
        %parallel_loop3A_471 = arith.constant 80 : index
        %parallel_loop3A_472 = tpu.vector_load %arg39[%parallel_loop3A_470, %parallel_loop3A_471] {strides = array<i32>} : memref<80x128xf32, #tpu.memory_space<vmem>>, vector<1x16xf32>,
        %parallel_loop3A_473 = vector.shape_cast %parallel_loop3A_472 : vector<1x16xf32> to vector<16xf32>
        %parallel_loop3A_474 = vector.broadcast %parallel_loop3A_164 : f32 to vector<16xf32>
        %parallel_loop3A_475 = arith.mulf %parallel_loop3A_474, %parallel_loop3A_473 : vector<16xf32>
        %parallel_loop3A_476 = arith.addf %parallel_loop3A_469, %parallel_loop3A_475 : vector<16xf32>
        %parallel_loop3A_477 = arith.addi %multiple_of3A_37, %parallel_loop3A_133 : i32
        %parallel_loop3A_478 = arith.index_cast %parallel_loop3A_477 : i32 to index
        %parallel_loop3A_479 = arith.constant 80 : index
        %parallel_loop3A_480 = tpu.vector_load %arg40[%parallel_loop3A_478, %parallel_loop3A_479] {strides = array<i32>} : memref<160x128xf32, #tpu.memory_space<vmem>>, vector<1x16xf32>,
        %parallel_loop3A_481 = vector.shape_cast %parallel_loop3A_480 : vector<1x16xf32> to vector<16xf32>
        %parallel_loop3A_482 = vector.shape_cast %parallel_loop3A_476 : vector<16xf32> to vector<1x16xf32>
        tpu.vector_store %arg40[%parallel_loop3A_478, %parallel_loop3A_479], %parallel_loop3A_482 {strides = array<i32>} : memref<160x128xf32, #tpu.memory_space<vmem>>, vector<1x16xf32>,
        %parallel_loop3A_483 = arith.addi %multiple_of3A_37, %parallel_loop3A_133 : i32
        %parallel_loop3A_484 = arith.index_cast %parallel_loop3A_483 : i32 to index
        %parallel_loop3A_485 = arith.constant 96 : index
        %parallel_loop3A_486 = tpu.vector_load %arg40[%parallel_loop3A_484, %parallel_loop3A_485] {strides = array<i32>} : memref<160x128xf32, #tpu.memory_space<vmem>>, vector<1x16xf32>,
        %parallel_loop3A_487 = vector.shape_cast %parallel_loop3A_486 : vector<1x16xf32> to vector<16xf32>
        %parallel_loop3A_488 = arith.index_cast %parallel_loop3A_133 : i32 to index
        %parallel_loop3A_489 = arith.constant 96 : index
        %parallel_loop3A_490 = tpu.vector_load %arg34[%parallel_loop3A_488, %parallel_loop3A_489] {strides = array<i32>} : memref<80x128xf32, #tpu.memory_space<vmem>>, vector<1x16xf32>,
        %parallel_loop3A_491 = vector.shape_cast %parallel_loop3A_490 : vector<1x16xf32> to vector<16xf32>
        %parallel_loop3A_492 = vector.broadcast %parallel_loop3A_139 : f32 to vector<16xf32>
        %parallel_loop3A_493 = arith.mulf %parallel_loop3A_492, %parallel_loop3A_491 : vector<16xf32>
        %parallel_loop3A_494 = arith.addf %parallel_loop3A_487, %parallel_loop3A_493 : vector<16xf32>
        %parallel_loop3A_495 = arith.index_cast %parallel_loop3A_133 : i32 to index
        %parallel_loop3A_496 = arith.constant 96 : index
        %parallel_loop3A_497 = tpu.vector_load %arg35[%parallel_loop3A_495, %parallel_loop3A_496] {strides = array<i32>} : memref<80x128xf32, #tpu.memory_space<vmem>>, vector<1x16xf32>,
        %parallel_loop3A_498 = vector.shape_cast %parallel_loop3A_497 : vector<1x16xf32> to vector<16xf32>
        %parallel_loop3A_499 = vector.broadcast %parallel_loop3A_144 : f32 to vector<16xf32>
        %parallel_loop3A_500 = arith.mulf %parallel_loop3A_499, %parallel_loop3A_498 : vector<16xf32>
        %parallel_loop3A_501 = arith.addf %parallel_loop3A_494, %parallel_loop3A_500 : vector<16xf32>
        %parallel_loop3A_502 = arith.index_cast %parallel_loop3A_133 : i32 to index
        %parallel_loop3A_503 = arith.constant 96 : index
        %parallel_loop3A_504 = tpu.vector_load %arg36[%parallel_loop3A_502, %parallel_loop3A_503] {strides = array<i32>} : memref<80x128xf32, #tpu.memory_space<vmem>>, vector<1x16xf32>,
        %parallel_loop3A_505 = vector.shape_cast %parallel_loop3A_504 : vector<1x16xf32> to vector<16xf32>
        %parallel_loop3A_506 = vector.broadcast %parallel_loop3A_149 : f32 to vector<16xf32>
        %parallel_loop3A_507 = arith.mulf %parallel_loop3A_506, %parallel_loop3A_505 : vector<16xf32>
        %parallel_loop3A_508 = arith.addf %parallel_loop3A_501, %parallel_loop3A_507 : vector<16xf32>
        %parallel_loop3A_509 = arith.index_cast %parallel_loop3A_133 : i32 to index
        %parallel_loop3A_510 = arith.constant 96 : index
        %parallel_loop3A_511 = tpu.vector_load %arg37[%parallel_loop3A_509, %parallel_loop3A_510] {strides = array<i32>} : memref<80x128xf32, #tpu.memory_space<vmem>>, vector<1x16xf32>,
        %parallel_loop3A_512 = vector.shape_cast %parallel_loop3A_511 : vector<1x16xf32> to vector<16xf32>
        %parallel_loop3A_513 = vector.broadcast %parallel_loop3A_154 : f32 to vector<16xf32>
        %parallel_loop3A_514 = arith.mulf %parallel_loop3A_513, %parallel_loop3A_512 : vector<16xf32>
        %parallel_loop3A_515 = arith.addf %parallel_loop3A_508, %parallel_loop3A_514 : vector<16xf32>
        %parallel_loop3A_516 = arith.index_cast %parallel_loop3A_133 : i32 to index
        %parallel_loop3A_517 = arith.constant 96 : index
        %parallel_loop3A_518 = tpu.vector_load %arg38[%parallel_loop3A_516, %parallel_loop3A_517] {strides = array<i32>} : memref<80x128xf32, #tpu.memory_space<vmem>>, vector<1x16xf32>,
        %parallel_loop3A_519 = vector.shape_cast %parallel_loop3A_518 : vector<1x16xf32> to vector<16xf32>
        %parallel_loop3A_520 = vector.broadcast %parallel_loop3A_159 : f32 to vector<16xf32>
        %parallel_loop3A_521 = arith.mulf %parallel_loop3A_520, %parallel_loop3A_519 : vector<16xf32>
        %parallel_loop3A_522 = arith.addf %parallel_loop3A_515, %parallel_loop3A_521 : vector<16xf32>
        %parallel_loop3A_523 = arith.index_cast %parallel_loop3A_133 : i32 to index
        %parallel_loop3A_524 = arith.constant 96 : index
        %parallel_loop3A_525 = tpu.vector_load %arg39[%parallel_loop3A_523, %parallel_loop3A_524] {strides = array<i32>} : memref<80x128xf32, #tpu.memory_space<vmem>>, vector<1x16xf32>,
        %parallel_loop3A_526 = vector.shape_cast %parallel_loop3A_525 : vector<1x16xf32> to vector<16xf32>
        %parallel_loop3A_527 = vector.broadcast %parallel_loop3A_164 : f32 to vector<16xf32>
        %parallel_loop3A_528 = arith.mulf %parallel_loop3A_527, %parallel_loop3A_526 : vector<16xf32>
        %parallel_loop3A_529 = arith.addf %parallel_loop3A_522, %parallel_loop3A_528 : vector<16xf32>
        %parallel_loop3A_530 = arith.addi %multiple_of3A_37, %parallel_loop3A_133 : i32
        %parallel_loop3A_531 = arith.index_cast %parallel_loop3A_530 : i32 to index
        %parallel_loop3A_532 = arith.constant 96 : index
        %parallel_loop3A_533 = tpu.vector_load %arg40[%parallel_loop3A_531, %parallel_loop3A_532] {strides = array<i32>} : memref<160x128xf32, #tpu.memory_space<vmem>>, vector<1x16xf32>,
        %parallel_loop3A_534 = vector.shape_cast %parallel_loop3A_533 : vector<1x16xf32> to vector<16xf32>
        %parallel_loop3A_535 = vector.shape_cast %parallel_loop3A_529 : vector<16xf32> to vector<1x16xf32>
        tpu.vector_store %arg40[%parallel_loop3A_531, %parallel_loop3A_532], %parallel_loop3A_535 {strides = array<i32>} : memref<160x128xf32, #tpu.memory_space<vmem>>, vector<1x16xf32>,
        %parallel_loop3A_536 = arith.addi %multiple_of3A_37, %parallel_loop3A_133 : i32
        %parallel_loop3A_537 = arith.index_cast %parallel_loop3A_536 : i32 to index
        %parallel_loop3A_538 = arith.constant 112 : index
        %parallel_loop3A_539 = tpu.vector_load %arg40[%parallel_loop3A_537, %parallel_loop3A_538] {strides = array<i32>} : memref<160x128xf32, #tpu.memory_space<vmem>>, vector<1x16xf32>,
        %parallel_loop3A_540 = vector.shape_cast %parallel_loop3A_539 : vector<1x16xf32> to vector<16xf32>
        %parallel_loop3A_541 = arith.index_cast %parallel_loop3A_133 : i32 to index
        %parallel_loop3A_542 = arith.constant 112 : index
        %parallel_loop3A_543 = tpu.vector_load %arg34[%parallel_loop3A_541, %parallel_loop3A_542] {strides = array<i32>} : memref<80x128xf32, #tpu.memory_space<vmem>>, vector<1x16xf32>,
        %parallel_loop3A_544 = vector.shape_cast %parallel_loop3A_543 : vector<1x16xf32> to vector<16xf32>
        %parallel_loop3A_545 = vector.broadcast %parallel_loop3A_139 : f32 to vector<16xf32>
        %parallel_loop3A_546 = arith.mulf %parallel_loop3A_545, %parallel_loop3A_544 : vector<16xf32>
        %parallel_loop3A_547 = arith.addf %parallel_loop3A_540, %parallel_loop3A_546 : vector<16xf32>
        %parallel_loop3A_548 = arith.index_cast %parallel_loop3A_133 : i32 to index
        %parallel_loop3A_549 = arith.constant 112 : index
        %parallel_loop3A_550 = tpu.vector_load %arg35[%parallel_loop3A_548, %parallel_loop3A_549] {strides = array<i32>} : memref<80x128xf32, #tpu.memory_space<vmem>>, vector<1x16xf32>,
        %parallel_loop3A_551 = vector.shape_cast %parallel_loop3A_550 : vector<1x16xf32> to vector<16xf32>
        %parallel_loop3A_552 = vector.broadcast %parallel_loop3A_144 : f32 to vector<16xf32>
        %parallel_loop3A_553 = arith.mulf %parallel_loop3A_552, %parallel_loop3A_551 : vector<16xf32>
        %parallel_loop3A_554 = arith.addf %parallel_loop3A_547, %parallel_loop3A_553 : vector<16xf32>
        %parallel_loop3A_555 = arith.index_cast %parallel_loop3A_133 : i32 to index
        %parallel_loop3A_556 = arith.constant 112 : index
        %parallel_loop3A_557 = tpu.vector_load %arg36[%parallel_loop3A_555, %parallel_loop3A_556] {strides = array<i32>} : memref<80x128xf32, #tpu.memory_space<vmem>>, vector<1x16xf32>,
        %parallel_loop3A_558 = vector.shape_cast %parallel_loop3A_557 : vector<1x16xf32> to vector<16xf32>
        %parallel_loop3A_559 = vector.broadcast %parallel_loop3A_149 : f32 to vector<16xf32>
        %parallel_loop3A_560 = arith.mulf %parallel_loop3A_559, %parallel_loop3A_558 : vector<16xf32>
        %parallel_loop3A_561 = arith.addf %parallel_loop3A_554, %parallel_loop3A_560 : vector<16xf32>
        %parallel_loop3A_562 = arith.index_cast %parallel_loop3A_133 : i32 to index
        %parallel_loop3A_563 = arith.constant 112 : index
        %parallel_loop3A_564 = tpu.vector_load %arg37[%parallel_loop3A_562, %parallel_loop3A_563] {strides = array<i32>} : memref<80x128xf32, #tpu.memory_space<vmem>>, vector<1x16xf32>,
        %parallel_loop3A_565 = vector.shape_cast %parallel_loop3A_564 : vector<1x16xf32> to vector<16xf32>
        %parallel_loop3A_566 = vector.broadcast %parallel_loop3A_154 : f32 to vector<16xf32>
        %parallel_loop3A_567 = arith.mulf %parallel_loop3A_566, %parallel_loop3A_565 : vector<16xf32>
        %parallel_loop3A_568 = arith.addf %parallel_loop3A_561, %parallel_loop3A_567 : vector<16xf32>
        %parallel_loop3A_569 = arith.index_cast %parallel_loop3A_133 : i32 to index
        %parallel_loop3A_570 = arith.constant 112 : index
        %parallel_loop3A_571 = tpu.vector_load %arg38[%parallel_loop3A_569, %parallel_loop3A_570] {strides = array<i32>} : memref<80x128xf32, #tpu.memory_space<vmem>>, vector<1x16xf32>,
        %parallel_loop3A_572 = vector.shape_cast %parallel_loop3A_571 : vector<1x16xf32> to vector<16xf32>
        %parallel_loop3A_573 = vector.broadcast %parallel_loop3A_159 : f32 to vector<16xf32>
        %parallel_loop3A_574 = arith.mulf %parallel_loop3A_573, %parallel_loop3A_572 : vector<16xf32>
        %parallel_loop3A_575 = arith.addf %parallel_loop3A_568, %parallel_loop3A_574 : vector<16xf32>
        %parallel_loop3A_576 = arith.index_cast %parallel_loop3A_133 : i32 to index
        %parallel_loop3A_577 = arith.constant 112 : index
        %parallel_loop3A_578 = tpu.vector_load %arg39[%parallel_loop3A_576, %parallel_loop3A_577] {strides = array<i32>} : memref<80x128xf32, #tpu.memory_space<vmem>>, vector<1x16xf32>,
        %parallel_loop3A_579 = vector.shape_cast %parallel_loop3A_578 : vector<1x16xf32> to vector<16xf32>
        %parallel_loop3A_580 = vector.broadcast %parallel_loop3A_164 : f32 to vector<16xf32>
        %parallel_loop3A_581 = arith.mulf %parallel_loop3A_580, %parallel_loop3A_579 : vector<16xf32>
        %parallel_loop3A_582 = arith.addf %parallel_loop3A_575, %parallel_loop3A_581 : vector<16xf32>
        %parallel_loop3A_583 = arith.addi %multiple_of3A_37, %parallel_loop3A_133 : i32
        %parallel_loop3A_584 = arith.index_cast %parallel_loop3A_583 : i32 to index
        %parallel_loop3A_585 = arith.constant 112 : index
        %parallel_loop3A_586 = tpu.vector_load %arg40[%parallel_loop3A_584, %parallel_loop3A_585] {strides = array<i32>} : memref<160x128xf32, #tpu.memory_space<vmem>>, vector<1x16xf32>,
        %parallel_loop3A_587 = vector.shape_cast %parallel_loop3A_586 : vector<1x16xf32> to vector<16xf32>
        %parallel_loop3A_588 = vector.shape_cast %parallel_loop3A_582 : vector<16xf32> to vector<1x16xf32>
        tpu.vector_store %arg40[%parallel_loop3A_584, %parallel_loop3A_585], %parallel_loop3A_588 {strides = array<i32>} : memref<160x128xf32, #tpu.memory_space<vmem>>, vector<1x16xf32>,
      } {sc.loop_unroll_factor = 2 : i64, sc.parallel_access}
      %mul3A_114 = arith.constant 3200 : i32
      %mul3A_115 = arith.muli %add3A, %mul3A_114 : i32
      %mul3A_116 = arith.constant 80 : i32
      %mul3A_117 = arith.muli %while3A_32, %mul3A_116 : i32
      %add3A_118 = arith.addi %mul3A_115, %mul3A_117 : i32
      %multiple_of3A_119 = tpu.assume_multiple %add3A_118, 8 : i32
      %and3A_120 = arith.constant 1 : i32
      %and3A_121 = arith.andi %while3A_32, %and3A_120 : i32
      %mul3A_122 = arith.constant 80 : i32
      %mul3A_123 = arith.muli %and3A_121, %mul3A_122 : i32
      %multiple_of3A_124 = tpu.assume_multiple %mul3A_123, 8 : i32
      %dma_start3A_125 = arith.constant 0 : i32
      %dma_start3A_126 = tpu.memref_slice %arg40[%multiple_of3A_124, %dma_start3A_125] : memref<160x128xf32, #tpu.memory_space<vmem>> -> memref<80x128xf32, #tpu.memory_space<vmem>>
      %dma_start3A_127 = arith.constant 0 : i32
      %dma_start3A_128 = tpu.memref_slice %arg21[%multiple_of3A_119, %dma_start3A_127] : memref<100000x128xf32, #tpu.memory_space<hbm>> -> memref<80x128xf32, #tpu.memory_space<hbm>>
      %dma_start3A_129 = arith.constant 0 : i32
      %dma_start3A_130 = tpu.memref_slice %arg21[%multiple_of3A_119, %dma_start3A_129] : memref<100000x128xf32, #tpu.memory_space<hbm>> -> memref<80x128xf32, #tpu.memory_space<hbm>>
      %dma_start3A_131 = arith.constant 0 : i32
      %dma_start3A_132 = tpu.memref_slice %arg40[%multiple_of3A_124, %dma_start3A_131] : memref<160x128xf32, #tpu.memory_space<vmem>> -> memref<80x128xf32, #tpu.memory_space<vmem>>
      tpu.enqueue_dma source(%dma_start3A_132 : memref<80x128xf32, #tpu.memory_space<vmem>>) target(%dma_start3A_130 : memref<80x128xf32, #tpu.memory_space<hbm>>) target_semaphore(%arg43 : memref<!tpu.dma_semaphore, #tpu.memory_space<semaphore_mem>>)
    }
    %sub3A = arith.constant 1 : i32
    %sub3A_14 = arith.subi %select_n3A, %sub3A : i32
    %mul3A_15 = arith.constant 3200 : i32
    %mul3A_16 = arith.muli %add3A, %mul3A_15 : i32
    %mul3A_17 = arith.constant 80 : i32
    %mul3A_18 = arith.muli %sub3A_14, %mul3A_17 : i32
    %add3A_19 = arith.addi %mul3A_16, %mul3A_18 : i32
    %multiple_of3A_20 = tpu.assume_multiple %add3A_19, 8 : i32
    %and3A = arith.constant 1 : i32
    %and3A_21 = arith.andi %sub3A_14, %and3A : i32
    %mul3A_22 = arith.constant 80 : i32
    %mul3A_23 = arith.muli %and3A_21, %mul3A_22 : i32
    %multiple_of3A_24 = tpu.assume_multiple %mul3A_23, 8 : i32
    %dma_wait3A = arith.constant 0 : i32
    %dma_wait3A_25 = tpu.memref_slice %arg40[%multiple_of3A_24, %dma_wait3A] : memref<160x128xf32, #tpu.memory_space<vmem>> -> memref<80x128xf32, #tpu.memory_space<vmem>>
    %dma_wait3A_26 = arith.constant 0 : i32
    %dma_wait3A_27 = tpu.memref_slice %arg21[%multiple_of3A_20, %dma_wait3A_26] : memref<100000x128xf32, #tpu.memory_space<hbm>> -> memref<80x128xf32, #tpu.memory_space<hbm>>
    %dma_wait3A_28 = arith.constant 0 : i32
    %dma_wait3A_29 = tpu.memref_slice %arg21[%multiple_of3A_20, %dma_wait3A_28] : memref<100000x128xf32, #tpu.memory_space<hbm>> -> memref<80x128xf32, #tpu.memory_space<hbm>>
    %dma_wait3A_30 = arith.constant 0 : i32
    %dma_wait3A_31 = tpu.memref_slice %arg40[%multiple_of3A_24, %dma_wait3A_30] : memref<160x128xf32, #tpu.memory_space<vmem>> -> memref<80x128xf32, #tpu.memory_space<vmem>>
    tpu.wait_dma2 semaphore(%arg43 : memref<!tpu.dma_semaphore, #tpu.memory_space<semaphore_mem>>) src(%dma_wait3A_31 : memref<80x128xf32, #tpu.memory_space<vmem>>) dst(%dma_wait3A_29 : memref<80x128xf32, #tpu.memory_space<hbm>>)
    return
  }
}

module attributes {stable_mosaic.version = 14 : i64} {
  func.func @_mm_body(%arg0: i32, %arg1: memref<1000x128xf32, #tpu.memory_space<vmem>>, %arg2: memref<128x896xf32, #tpu.memory_space<vmem>>, %arg3: memref<1x128xf32, #tpu.memory_space<vmem>>, %arg4: memref<1000x128xf32, #tpu.memory_space<vmem>>, %arg5: memref<1000x128xf32, #tpu.memory_space<vmem>>, %arg6: memref<1000x128xf32, #tpu.memory_space<vmem>>, %arg7: memref<1000x128xf32, #tpu.memory_space<vmem>>, %arg8: memref<1000x128xf32, #tpu.memory_space<vmem>>, %arg9: memref<1000x128xf32, #tpu.memory_space<vmem>>, %arg10: memref<1000x128xf32, #tpu.memory_space<vmem>>) attributes {dimension_semantics = [#tpu.dimension_semantics<arbitrary>], iteration_bounds = array<i64: 100>, scalar_prefetch = 0 : i64, scratch_operands = 0 : i64, tpu.core_type = #tpu.core_type<tc>, window_params = [{transform_indices = @transform_0, window_bounds = array<i64: 1000, 128>}, {pipeline_mode = #tpu.pipeline_mode<synchronous>, transform_indices = @transform_1, window_bounds = array<i64: 128, 896>}, {pipeline_mode = #tpu.pipeline_mode<synchronous>, transform_indices = @transform_2, window_bounds = array<i64: 1, 128>}, {transform_indices = @transform_3, window_bounds = array<i64: 1000, 128>}, {transform_indices = @transform_4, window_bounds = array<i64: 1000, 128>}, {transform_indices = @transform_5, window_bounds = array<i64: 1000, 128>}, {transform_indices = @transform_6, window_bounds = array<i64: 1000, 128>}, {transform_indices = @transform_7, window_bounds = array<i64: 1000, 128>}, {transform_indices = @transform_8, window_bounds = array<i64: 1000, 128>}, {transform_indices = @transform_9, window_bounds = array<i64: 1000, 128>}]} {
    %get3A = arith.constant 0 : index
    %get3A_0 = arith.constant 0 : index
    %get3A_1 = vector.load %arg1[%get3A, %get3A_0] : memref<1000x128xf32, #tpu.memory_space<vmem>>, vector<1000x128xf32>
    %get3A_2 = arith.constant 0 : index
    %get3A_3 = arith.constant 0 : index
    %get3A_4 = vector.load %arg2[%get3A_2, %get3A_3] : memref<128x896xf32, #tpu.memory_space<vmem>>, vector<128x896xf32>
    %dot_general3A = arith.constant dense<0.000000e+00> : vector<1000x896xf32>
    %dot_general3A_5 = tpu.matmul %get3A_1, %get3A_4, %dot_general3A {dimension_numbers = #tpu.dot_dimension_numbers<[1], [0], [0], [1], [0, 0, 1, 1], [], []>, transpose_lhs_hint = false} : vector<1000x128xf32>, vector<128x896xf32>, vector<1000x896xf32> -> vector<1000x896xf32>
    %slice3A = vector.extract_strided_slice %dot_general3A_5 {offsets = [0, 0], sizes = [1000, 128], strides = [1, 1]} : vector<1000x896xf32> to vector<1000x128xf32>
    %get3A_6 = arith.constant 0 : index
    %get3A_7 = arith.constant 0 : index
    %get3A_8 = vector.load %arg3[%get3A_6, %get3A_7] : memref<1x128xf32, #tpu.memory_space<vmem>>, vector<1x128xf32>
    %add3A = vector.broadcast %get3A_8 : vector<1x128xf32> to vector<1000x128xf32>
    %add3A_9 = arith.addf %slice3A, %add3A : vector<1000x128xf32>
    %swap3A = arith.constant 0 : index
    %swap3A_10 = arith.constant 0 : index
    %swap3A_11 = vector.load %arg4[%swap3A, %swap3A_10] : memref<1000x128xf32, #tpu.memory_space<vmem>>, vector<1000x128xf32>
    tpu.vector_store %arg4[%swap3A, %swap3A_10], %add3A_9 {strides = array<i32>} : memref<1000x128xf32, #tpu.memory_space<vmem>>, vector<1000x128xf32>,
    %slice3A_12 = vector.extract_strided_slice %dot_general3A_5 {offsets = [0, 128], sizes = [1000, 128], strides = [1, 1]} : vector<1000x896xf32> to vector<1000x128xf32>
    %swap3A_13 = arith.constant 0 : index
    %swap3A_14 = arith.constant 0 : index
    %swap3A_15 = vector.load %arg5[%swap3A_13, %swap3A_14] : memref<1000x128xf32, #tpu.memory_space<vmem>>, vector<1000x128xf32>
    tpu.vector_store %arg5[%swap3A_13, %swap3A_14], %slice3A_12 {strides = array<i32>} : memref<1000x128xf32, #tpu.memory_space<vmem>>, vector<1000x128xf32>,
    %slice3A_16 = vector.extract_strided_slice %dot_general3A_5 {offsets = [0, 256], sizes = [1000, 128], strides = [1, 1]} : vector<1000x896xf32> to vector<1000x128xf32>
    %swap3A_17 = arith.constant 0 : index
    %swap3A_18 = arith.constant 0 : index
    %swap3A_19 = vector.load %arg6[%swap3A_17, %swap3A_18] : memref<1000x128xf32, #tpu.memory_space<vmem>>, vector<1000x128xf32>
    tpu.vector_store %arg6[%swap3A_17, %swap3A_18], %slice3A_16 {strides = array<i32>} : memref<1000x128xf32, #tpu.memory_space<vmem>>, vector<1000x128xf32>,
    %slice3A_20 = vector.extract_strided_slice %dot_general3A_5 {offsets = [0, 384], sizes = [1000, 128], strides = [1, 1]} : vector<1000x896xf32> to vector<1000x128xf32>
    %swap3A_21 = arith.constant 0 : index
    %swap3A_22 = arith.constant 0 : index
    %swap3A_23 = vector.load %arg7[%swap3A_21, %swap3A_22] : memref<1000x128xf32, #tpu.memory_space<vmem>>, vector<1000x128xf32>
    tpu.vector_store %arg7[%swap3A_21, %swap3A_22], %slice3A_20 {strides = array<i32>} : memref<1000x128xf32, #tpu.memory_space<vmem>>, vector<1000x128xf32>,
    %slice3A_24 = vector.extract_strided_slice %dot_general3A_5 {offsets = [0, 512], sizes = [1000, 128], strides = [1, 1]} : vector<1000x896xf32> to vector<1000x128xf32>
    %swap3A_25 = arith.constant 0 : index
    %swap3A_26 = arith.constant 0 : index
    %swap3A_27 = vector.load %arg8[%swap3A_25, %swap3A_26] : memref<1000x128xf32, #tpu.memory_space<vmem>>, vector<1000x128xf32>
    tpu.vector_store %arg8[%swap3A_25, %swap3A_26], %slice3A_24 {strides = array<i32>} : memref<1000x128xf32, #tpu.memory_space<vmem>>, vector<1000x128xf32>,
    %slice3A_28 = vector.extract_strided_slice %dot_general3A_5 {offsets = [0, 640], sizes = [1000, 128], strides = [1, 1]} : vector<1000x896xf32> to vector<1000x128xf32>
    %swap3A_29 = arith.constant 0 : index
    %swap3A_30 = arith.constant 0 : index
    %swap3A_31 = vector.load %arg9[%swap3A_29, %swap3A_30] : memref<1000x128xf32, #tpu.memory_space<vmem>>, vector<1000x128xf32>
    tpu.vector_store %arg9[%swap3A_29, %swap3A_30], %slice3A_28 {strides = array<i32>} : memref<1000x128xf32, #tpu.memory_space<vmem>>, vector<1000x128xf32>,
    %slice3A_32 = vector.extract_strided_slice %dot_general3A_5 {offsets = [0, 768], sizes = [1000, 128], strides = [1, 1]} : vector<1000x896xf32> to vector<1000x128xf32>
    %swap3A_33 = arith.constant 0 : index
    %swap3A_34 = arith.constant 0 : index
    %swap3A_35 = vector.load %arg10[%swap3A_33, %swap3A_34] : memref<1000x128xf32, #tpu.memory_space<vmem>>, vector<1000x128xf32>
    tpu.vector_store %arg10[%swap3A_33, %swap3A_34], %slice3A_32 {strides = array<i32>} : memref<1000x128xf32, #tpu.memory_space<vmem>>, vector<1000x128xf32>,
    return
  }
  func.func @transform_0(%arg0: i32) -> (i32, i32) {
    %c0_i32 = arith.constant 0 : i32
    %c0_i32_0 = arith.constant 0 : i32
    return %arg0, %c0_i32 : i32, i32
  }
  func.func @transform_1(%arg0: i32) -> (i32, i32) {
    %c0_i32 = arith.constant 0 : i32
    %c0_i32_0 = arith.constant 0 : i32
    %c0_i32_1 = arith.constant 0 : i32
    return %c0_i32, %c0_i32_0 : i32, i32
  }
  func.func @transform_2(%arg0: i32) -> (i32, i32) {
    %c0_i32 = arith.constant 0 : i32
    %c0_i32_0 = arith.constant 0 : i32
    %c0_i32_1 = arith.constant 0 : i32
    return %c0_i32, %c0_i32_0 : i32, i32
  }
  func.func @transform_3(%arg0: i32) -> (i32, i32) {
    %c0_i32 = arith.constant 0 : i32
    %c0_i32_0 = arith.constant 0 : i32
    return %arg0, %c0_i32 : i32, i32
  }
  func.func @transform_4(%arg0: i32) -> (i32, i32) {
    %c0_i32 = arith.constant 0 : i32
    %c0_i32_0 = arith.constant 0 : i32
    return %arg0, %c0_i32 : i32, i32
  }
  func.func @transform_5(%arg0: i32) -> (i32, i32) {
    %c0_i32 = arith.constant 0 : i32
    %c0_i32_0 = arith.constant 0 : i32
    return %arg0, %c0_i32 : i32, i32
  }
  func.func @transform_6(%arg0: i32) -> (i32, i32) {
    %c0_i32 = arith.constant 0 : i32
    %c0_i32_0 = arith.constant 0 : i32
    return %arg0, %c0_i32 : i32, i32
  }
  func.func @transform_7(%arg0: i32) -> (i32, i32) {
    %c0_i32 = arith.constant 0 : i32
    %c0_i32_0 = arith.constant 0 : i32
    return %arg0, %c0_i32 : i32, i32
  }
  func.func @transform_8(%arg0: i32) -> (i32, i32) {
    %c0_i32 = arith.constant 0 : i32
    %c0_i32_0 = arith.constant 0 : i32
    return %arg0, %c0_i32 : i32, i32
  }
  func.func @transform_9(%arg0: i32) -> (i32, i32) {
    %c0_i32 = arith.constant 0 : i32
    %c0_i32_0 = arith.constant 0 : i32
    return %arg0, %c0_i32 : i32, i32
  }
}

</mosaic_0001>

<sc_bundles>
// kernel: kernel.4.cloned.1.call-start
scs
__scs_entry_jumppad:
0x0: {  	(pc) =	sbr.rel $0x88, $3  }
0x1: {  	(tag) =	ssettag $0x0;
	lr =	simm.s32 $0x1  }
0x2: {  	[smem:$0x3F9C] =	sst lr;
	_ =	strace $0xD0000000  }
0x3: {  	_ = 	snop  }
0x4: {  	_ = 	snop  }
0x5: {  	_ = 	snop  }
0x6: {  	_ = 	snop  }
0x7: {  	_ = 	snop  }
__scs_overlays_trampoline_lowered:
0x8: {  	[smem:$0x3FAB] =	sst s0  }
0x9: {  	[smem:$0x3FAC] =	sst s1  }
0xa: {  	[smem:$0x3FAD] =	sst s2  }
0xb: {  	[smem:$0x3FAE] =	sst s3  }
0xc: {  	[smem:$0x3FAF] =	sst s4  }
0xd: {  	[smem:$0x3FB0] =	sst s5  }
0xe: {  	[smem:$0x3FB1] =	sst s6  }
0xf: {  	[smem:$0x3FB2] =	sst s7  }
0x10: {  	[smem:$0x3FB3] =	sst s8  }
0x11: {  	[smem:$0x3FB4] =	sst s9;
	s0 =	simm.s32 @!p0 $0x0  }
0x12: {  	s1 =	sld [smem:$0x3F9A];
	s0 =	simm.s32 @p0 $0x1  }
0x13: {  	[smem:$0x3FB5] =	sst s0;
	s0 =	simm.s32 @!p1 $0x0  }
0x14: {  	s2 =	sld [smem:$0x3F99];
	s0 =	simm.s32 @p1 $0x1  }
0x15: {  	[smem:$0x3FB6] =	sst s0;
	s0 =	simm.s32 @!p2 $0x0  }
0x16: {  	s3 =	sld [smem:$0x3FDB];
	s0 =	simm.s32 @p2 $0x1  }
0x17: {  	s4 =	simm.s32 $0x1BF5;
	[smem:$0x3FB8] =	sst s0  }
0x18: {  	s0 =	sld [smem:$0x3F9B];
	_ =	swait.ge [sflag:s4], $0x0  }
0x19: {  	s7 =	sld [smem:$0x3F9C]  }
0x1a: {  	s8 =	sadd.s32 $0xFFFFE003, lr  }
0x1b: {  	s9 =	sadd.s32 $0xFFFFFEF7, lr;
	s5 =	simm.s32 $0xFFFFFFFF;
	p2 =	slt.u32 s8, $0xFFFFF086  }
0x1c: {  	p1 =	slt.u32 s9, $0xF7A;
	s5 =	simm.s32 @!p2 $0x0  }
0x1d: {  	s5 =	simm.s32 @p1 $0x1;
	p0 =	seq.s32 s7, s2  }
0x1e: {  	s7 =	smul.u32 @!p0 $0xF7A, s2;
	p2 =	seq.s32 @!p0 s5, $0x0  }
0x1f: {  	s9 =	smul.u32 $0xF7A, s1;
	s8 =	simm.s32 @!p0 $0x1BF5;
	p2 =	por !p2, p0  }
0x20: {  	[sflag:s8] =	ssyncset.s32 @!p0 $0xFFFFF086;
	s6 =	sadd.s32 @!p0 s3, s7;
	s7 =	simm.s32 @!p0 $0x108  }
0x21: {  	s3 =	sadd.s32 s3, s9;
	s6 =	sadd.s32 @!p0 $0x88, s6;
	s7 =	simm.s32 @p2 $0x1082  }
0x22: {  	[simem:s7], [sflag:s8] =	dma.local @!p0 [hbm:s6], $0xF7A  }
0x23: {  	s9 =	sor.u32 $0xD0000000, s2;
	s6 =	simm.s32 $0x108;
	_ =	swait.ge @!p0 [sflag:s8], $0x0  }
0x24: {  	s3 =	sadd.s32 $0x88, s3;
	s6 =	simm.s32 @!p1 $0x1082;
	[sflag:s4] =	ssyncset.s32 $0xFFFFF086  }
0x25: {  	[simem:s6], [sflag:s4] =	dma.local [hbm:s3], $0xF7A  }
0x26: {  	[smem:$0x3F9C] =	sst s1;
	(tag) =	ssettag s2;
	_ =	strace s9  }
0x27: {  	s1 =	sld [smem:$0x3FAC]  }
0x28: {  	s2 =	sld [smem:$0x3FAD]  }
0x29: {  	s4 =	sld [smem:$0x3FAF]  }
0x2a: {  	p0 =	seq.s32 s5, $0x0;
	s5 =	sld [smem:$0x3FB0]  }
0x2b: {  	s6 =	sld [smem:$0x3FB1]  }
0x2c: {  	s7 =	sld [smem:$0x3FB2]  }
0x2d: {  	s3 =	simm.s32 $0x108;
	s8 =	sld [smem:$0x3FB3]  }
0x2e: {  	s3 =	simm.s32 @!p0 $0x1082;
	s9 =	sld [smem:$0x3FB4]  }
0x2f: {  	lr =	sadd.s32 s0, s3;
	s0 =	sld [smem:$0x3FAB]  }
0x30: {  	s3 =	sld [smem:$0x3FAE]  }
0x31: {  	[smem:$0x3FB7] =	sst s10  }
0x32: {  	s10 =	sld [smem:$0x3FB5];
	_ =	sdelay $0x3  }
0x33: {  	p0 =	seq.s32 s10, $0x1;
	s10 =	sld [smem:$0x3FB7];
	_ =	sdelay $0x3  }
0x34: {  	[smem:$0x3FB7] =	sst s10  }
0x35: {  	s10 =	sld [smem:$0x3FB6];
	_ =	sdelay $0x3  }
0x36: {  	p1 =	seq.s32 s10, $0x1;
	s10 =	sld [smem:$0x3FB7];
	_ =	sdelay $0x3  }
0x37: {  	[smem:$0x3FB7] =	sst s10  }
0x38: {  	s10 =	sld [smem:$0x3FB8]  }
0x39: {  	_ = 	snop;
	(pc) =	sbr.ind lr, $3  }
0x3a: {  	_ = 	snop  }
0x3b: {  	_ = 	snop  }
0x3c: {  	p2 =	seq.s32 s10, $0x1;
	s10 =	sld [smem:$0x3FB7]  }
0x3d: {  	_ =	shalt  }
0x3e: {  	_ =	shalt  }
0x3f: {  	_ =	shalt  }
0x40: {  	_ =	shalt  }
0x41: {  	_ =	shalt  }
0x42: {  	_ =	shalt  }
0x43: {  	_ =	shalt  }
0x44: {  	_ =	shalt  }
0x45: {  	_ =	shalt  }
0x46: {  	_ =	shalt  }
0x47: {  	_ =	shalt  }
0x48: {  	_ =	shalt  }
0x49: {  	_ =	shalt  }
0x4a: {  	_ =	shalt  }
0x4b: {  	_ =	shalt  }
0x4c: {  	_ =	shalt  }
0x4d: {  	_ =	shalt  }
0x4e: {  	_ =	shalt  }
0x4f: {  	_ =	shalt  }
0x50: {  	_ =	shalt  }
0x51: {  	_ =	shalt  }
0x52: {  	_ =	shalt  }
0x53: {  	_ =	shalt  }
0x54: {  	_ =	shalt  }
0x55: {  	_ =	shalt  }
0x56: {  	_ =	shalt  }
0x57: {  	_ =	shalt  }
0x58: {  	_ =	shalt  }
0x59: {  	_ =	shalt  }
0x5a: {  	_ =	shalt  }
0x5b: {  	_ =	shalt  }
0x5c: {  	_ =	shalt  }
0x5d: {  	_ =	shalt  }
0x5e: {  	_ =	shalt  }
0x5f: {  	_ =	shalt  }
0x60: {  	_ =	shalt  }
0x61: {  	_ =	shalt  }
0x62: {  	_ =	shalt  }
0x63: {  	_ =	shalt  }
0x64: {  	_ =	shalt  }
0x65: {  	_ =	shalt  }
0x66: {  	_ =	shalt  }
0x67: {  	_ =	shalt  }
0x68: {  	_ =	shalt  }
0x69: {  	_ =	shalt  }
0x6a: {  	_ =	shalt  }
0x6b: {  	_ =	shalt  }
0x6c: {  	_ =	shalt  }
0x6d: {  	_ =	shalt  }
0x6e: {  	_ =	shalt  }
0x6f: {  	_ =	shalt  }
0x70: {  	_ =	shalt  }
0x71: {  	_ =	shalt  }
0x72: {  	_ =	shalt  }
0x73: {  	_ =	shalt  }
0x74: {  	_ =	shalt  }
0x75: {  	_ =	shalt  }
0x76: {  	_ =	shalt  }
0x77: {  	_ =	shalt  }
0x78: {  	_ =	shalt  }
0x79: {  	_ =	shalt  }
0x7a: {  	_ =	shalt  }
0x7b: {  	_ =	shalt  }
0x7c: {  	_ =	shalt  }
0x7d: {  	_ =	shalt  }
0x7e: {  	_ =	shalt  }
0x7f: {  	_ =	shalt  }
0x80: {  	_ =	shalt  }
0x81: {  	_ =	shalt  }
0x82: {  	_ =	shalt  }
0x83: {  	_ =	shalt  }
0x84: {  	_ =	shalt  }
0x85: {  	_ =	shalt  }
0x86: {  	_ =	shalt  }
0x87: {  	_ =	shalt  }
.Lfunc_end0:
.L_simem_size_0:
called_computation_lowered:
.L_overlay_start_0:
0x88: {  	s2 =	sld [smem:$0x3FD9]  }
0x89: {  	s3 =	sld [smem:$0x3FFE];
	_ =	sdelay $0x1  }
0x8a: {  	s1 =	srdreg.scid  }
0x8b: {  	s0 =	sand.u32 $0x1, s1  }
0x8c: {  	s17 =	sshll.u32 s0, $0xA;
	s2 =	sadd.s32 s3, s2  }
0x8d: {  	s2 =	sadd.s32 s2, s17  }
0x8e: {  	[smem:$0x3FC3] =	sst s2  }
0x8f: {  	_ = 	snop  }
0x90: {  	s2 =	sld [smem:$0x3FD0];
	(tm) =	ssettm $0x1  }
0x91: {  	s18 =	sld [smem:$0x3FFB];
	_ =	sdelay $0x3  }
0x92: {  	_ =	strace s18  }
0x93: {  	s3 =	sld [smem:$0x3FFC];
	_ =	sdelay $0x3  }
0x94: {  	_ =	strace s3  }
0x95: {  	s3 =	sld [smem:$0x3FFD];
	_ =	sdelay $0x3  }
0x96: {  	_ =	strace s3  }
0x97: {  	_ =	strace $0x8FFFFFFF  }
0x98: {  	s19 =	sld [smem:$0x3FDB];
	_ =	sdelay $0x1  }
0x99: {  	s4 =	simm.s32 $_scs_section_size  }
0x9a: {  	s5 =	simm.s32 $_size__tile_overlayer_lowered;
	s6 =	simm.s32 $_tile_overlayer_lowered  }
0x9b: {  	s22 =	simm.s32 $0x1BFF;
	s21 =	sshll.u32 s6, $0x1;
	s3 =	sadd.s32 s4, s19  }
0x9c: {  	s7 =	simm.s32 $0x0;
	s20 =	sshll.u32 s5, $0x1;
	s5 =	sadd.s32 s21, s3  }
0x9d: {  	[timem:s7], [sflag:s22] =	dma.local [hbm:s5], s20  }
0x9e: {  	_ =	swait.ge [sflag:s22], s20  }
0x9f: {  	s4 =	ssub.s32 $0x0, s20;
	[sflag:s22] =	ssyncset.done $0x0  }
0xa0: {  	[sflag:s22] =	ssyncadd.s32 s4;
	_ =	sdelay $0x1  }
0xa1: {  	s23 =	simm.s32 $0x1B8B  }
0xa2: {  	_ =	swait.ge [sflag:s23], $0x1  }
0xa3: {  	[sflag:s23] =	ssyncset.done $0x0  }
0xa4: {  	s25 =	simm.s32 $0x1B8E;
	s24 =	sld [smem:$0x3FFE];
	[sflag:s23] =	ssyncadd.s32 $0xFFFFFFFF  }
0xa5: {  	s26 =	simm.s32 $execute0_lowered;
	[smem:$0x3FD2] =	sst s25  }
0xa6: {  	s5 =	sshll.u32 s26, $0x1;
	_ =	strace $0x80000046;
	[dreg:$0x1] =	wrdreg $0xFFFFFFFF  }
0xa7: {  	s28 =	simm.s32 $_size_execute0_lowered;
	s3 =	sadd.s32 s3, s5;
	[dreg:$0x0] =	wrdreg $0x0  }
0xa8: {  	s5 =	sshll.u32 s28, $0x1;
	[dreg:$0x2] =	wrdreg s3  }
0xa9: {  	[dreg:$0x3] =	wrdreg s5  }
0xaa: {  	[dreg:$0x4] =	wrdreg $0xC0  }
0xab: {  	_ =	task [dreg:s7], $0x5FFFF  }
0xac: {  	[dreg:$0x1] =	wrdreg $0xFFFFFFFF  }
0xad: {  	[dreg:$0x0] =	wrdreg $0x60  }
0xae: {  	[dreg:$0x2] =	wrdreg s24  }
0xaf: {  	[dreg:$0x3] =	wrdreg s2  }
0xb0: {  	[dreg:$0x4] =	wrdreg $0x9  }
0xb1: {  	_ =	task.clear_ibuf [dreg:s7], $0x5FFFF;
	_ =	strace $0x90000046  }
0xb2: {  	s29 =	simm.s32 $0x9;
	_ =	strace $0x80000048  }
0xb3: {  	_ =	swait.ge [sflag:s29], $0x1  }
0xb4: {  	[sflag:s29] =	ssyncadd.s32 $0xFFFFFFFF  }
0xb5: {  	_ =	strace $0x90000048  }
0xb6: {  	_ =	sfence  }
0xb7: {  	s30 =	sld [smem:$0x0];
	_ =	sdelay $0x2  }
0xb8: {  	s31 =	sshll.u32 s1, $0xD;
	s1 =	sshrl.u32 s1, $0x2  }
0xb9: {  	s3 =	sand.u32 $0x4000, s31;
	s1 =	sadd.s32 s1, s30  }
0xba: {  	s0 =	sor.u32 s3, s0;
	s1 =	sshll.u32 s1, $0x11  }
0xbb: {  	s0 =	sor.u32 s1, s0  }
0xbc: {  	s0 =	sadd.s32 $0x8F2B, s0  }
0xbd: {  	[sflag:s0] =	ssyncadd.remote.s32 $0x1  }
0xbe: {  	_ =	sfence.sel $0xFFFF  }
0xbf: {  	[dreg:$0x0] =	wrdreg $0xFFFFFFFF;
	(pc) =	sbr.abs _section_cstart, $3  }
0xc0: {  	[dreg:$0x1] =	wrdreg $0xFFFFFFFF  }
0xc1: {  	_ =	task.clear_ibuf [dreg:s7], $0x2FFFF;
	_ =	strace $0x9FFFFFFF  }
0xc2: {  	(tm) =	ssettm $0x7FFFFFFF  }
0xc3: {  	_ =	shalt  }
tec
execute0_lowered:
.L_overlay_start_1:
0x0: {  	(tag) =	ssettag $0x1  }
0x1: {  	s0 =	rddreg [dreg:$0x0]  }
0x2: {  	s2 =	rddreg [dreg:$0x1]  }
0x3: {  	s1 =	srdreg.scid;
	s4 =	stileid.u32  }
0x4: {  	s3 =	simm.s32 $0x0;
	s1 =	sand.u32 $0x1, s1;
	s5 =	sshll.u32 s4, $0x1  }
0x5: {  	[smem:$0x7FF] =	sst s3;
	s4 =	sadd.s32 $0x1AC200, s0;
	s11 =	sor.u32 s1, s5  }
0x6: {  	s7 =	sadd.s32 $0x4B9600, s0;
	s8 =	sadd.s32 $0x640000, s0;
	s6 =	smul.u32 $0xC80, s11  }
0x7: {  	s9 =	sadd.s32 $0x7C6A00, s0;
	s10 =	sadd.s32 $0x94D400, s0;
	s1 =	ssub.s32 $0x2, s1  }
0x8: {  	_ =	strace $0x80000047;
	s13 =	sshrl.u32 s1, $0x1;
	s12 =	sshrl.u32 s6, $0x3  }
0x9: {  	s5 =	sadd.s32 $0x332C00, s0;
	s15 =	ssub.s32 s1, s13;
	s14 =	sadd.s32 s0, s12  }
0xa: {  	s12 =	sadd.s32 $0x25800, s0;
	s0 =	smax.u32 s15, $0x1;
	[dreg:$0x3] =	wrdreg s14  }
0xb: {  	s16 =	sadd.s32 $0xFA00, s14;
	[dreg:$0xf] =	wrdreg s0  }
0xc: {  	s17 =	sadd.s32 $0x22600, s14;
	[dreg:$0x4] =	wrdreg s16  }
0xd: {  	s18 =	sadd.s32 $0xC800, s14;
	[dreg:$0x5] =	wrdreg s17  }
0xe: {  	s31 =	simm.s32 $0x50;
	s19 =	sadd.s32 $0x1F400, s14;
	[dreg:$0x6] =	wrdreg s18  }
0xf: {  	s28 =	simm.s32 $0x11100;
	s20 =	sadd.s32 $0x9600, s14;
	[dreg:$0x7] =	wrdreg s19  }
0x10: {  	s29 =	simm.s32 $0x13900;
	s21 =	sadd.s32 $0x1C200, s14;
	[dreg:$0x8] =	wrdreg s20  }
0x11: {  	s30 =	simm.s32 $0x16100;
	s22 =	sadd.s32 $0x6400, s14;
	[dreg:$0x9] =	wrdreg s21  }
0x12: {  	p0 =	seq.s32 s11, $0x1F;
	s23 =	sadd.s32 $0x19000, s14;
	[dreg:$0xa] =	wrdreg s22  }
0x13: {  	s1 =	simm.s32 $0xC100;
	s24 =	sadd.s32 $0x3200, s14;
	[dreg:$0xb] =	wrdreg s23  }
0x14: {  	s13 =	simm.s32 $0x2;
	s25 =	sadd.s32 $0x15E00, s14;
	[dreg:$0xc] =	wrdreg s24  }
0x15: {  	s26 =	sadd.s32 $0x12C00, s14;
	s0 =	simm.s32 $0x9900;
	[dreg:$0xd] =	wrdreg s25  }
0x16: {  	s14 =	simm.s32 $0x1;
	[dreg:$0xe] =	wrdreg s26;
	s24 =	simm.s32 $0xA  }
0x17: {  	s26 =	simm.s32 $0xE900;
	s16 =	simm.s32 $0x0;
	s24 =	simm.s32 @!p0 $0x28  }
.LBB2_1:
0x18: {  	[dreg:$0x10] =	wrdreg s16  }
0x19: {  	s11 =	rddreg [dreg:$0x4];
	s17 =	simm.s32 $0x4  }
0x1a: {  	[tilespmem:s3], [sflag:$0x4] =	stream.linear.gather [hbm4b:s11+s3], $0xC80, $0x38;
	[tilespmem:$0x1D900] =	vst v63  }
0x1b: {  	_ =	swait.ge [sflag:s17], $0xC80  }
0x1c: {  	[sflag:s17] =	ssyncset.done $0x0  }
0x1d: {  	s15 =	simm.s32 $0x4B00;
	s20 =	rddreg [dreg:$0x5];
	[sflag:s17] =	ssyncadd.s32 $0xFFFFF380  }
0x1e: {  	[tilespmem:s15], [sflag:$0x4] =	stream.linear.gather [hbm4b:s20+s3], $0xC80, $0x38;
	[tilespmem:$0x1D900] =	vst v63  }
0x1f: {  	_ =	swait.ge [sflag:s17], $0xC80  }
0x20: {  	[sflag:s17] =	ssyncset.done $0x0  }
0x21: {  	s22 =	simm.s32 $0xC80;
	s21 =	rddreg [dreg:$0x6];
	[sflag:s17] =	ssyncadd.s32 $0xFFFFF380  }
0x22: {  	[tilespmem:s22], [sflag:$0x4] =	stream.linear.gather [hbm4b:s21+s3], $0xC80, $0x38;
	[tilespmem:$0x1D900] =	vst v63  }
0x23: {  	_ =	swait.ge [sflag:s17], $0xC80  }
0x24: {  	[sflag:s17] =	ssyncset.done $0x0  }
0x25: {  	s25 =	simm.s32 $0x5800;
	s23 =	rddreg [dreg:$0x7];
	[sflag:s17] =	ssyncadd.s32 $0xFFFFF380  }
0x26: {  	[tilespmem:s25], [sflag:$0x4] =	stream.linear.gather [hbm4b:s23+s3], $0xC80, $0x38;
	[tilespmem:$0x1D900] =	vst v63  }
0x27: {  	_ =	swait.ge [sflag:s17], $0xC80  }
0x28: {  	[sflag:s17] =	ssyncset.done $0x0  }
0x29: {  	s18 =	simm.s32 $0x1900;
	s16 =	rddreg [dreg:$0x8];
	[sflag:s17] =	ssyncadd.s32 $0xFFFFF380  }
0x2a: {  	[tilespmem:s18], [sflag:$0x4] =	stream.linear.gather [hbm4b:s16+s3], $0xC80, $0x38;
	[tilespmem:$0x1D900] =	vst v63  }
0x2b: {  	_ =	swait.ge [sflag:s17], $0xC80  }
0x2c: {  	[sflag:s17] =	ssyncset.done $0x0  }
0x2d: {  	s20 =	simm.s32 $0x6500;
	s19 =	rddreg [dreg:$0x9];
	[sflag:s17] =	ssyncadd.s32 $0xFFFFF380  }
0x2e: {  	[tilespmem:s20], [sflag:$0x4] =	stream.linear.gather [hbm4b:s19+s3], $0xC80, $0x38;
	[tilespmem:$0x1D900] =	vst v63  }
0x2f: {  	_ =	swait.ge [sflag:s17], $0xC80  }
0x30: {  	[sflag:s17] =	ssyncset.done $0x0  }
0x31: {  	s22 =	simm.s32 $0x2580;
	s21 =	rddreg [dreg:$0xa];
	[sflag:s17] =	ssyncadd.s32 $0xFFFFF380  }
0x32: {  	[tilespmem:s22], [sflag:$0x4] =	stream.linear.gather [hbm4b:s21+s3], $0xC80, $0x38;
	[tilespmem:$0x1D900] =	vst v63  }
0x33: {  	_ =	swait.ge [sflag:s17], $0xC80  }
0x34: {  	[sflag:s17] =	ssyncset.done $0x0  }
0x35: {  	s25 =	simm.s32 $0x7200;
	s23 =	rddreg [dreg:$0xb];
	[sflag:s17] =	ssyncadd.s32 $0xFFFFF380  }
0x36: {  	[tilespmem:s25], [sflag:$0x4] =	stream.linear.gather [hbm4b:s23+s3], $0xC80, $0x38;
	[tilespmem:$0x1D900] =	vst v63  }
0x37: {  	_ =	swait.ge [sflag:s17], $0xC80  }
0x38: {  	[sflag:s17] =	ssyncset.done $0x0  }
0x39: {  	s18 =	simm.s32 $0x3200;
	s16 =	rddreg [dreg:$0xc];
	[sflag:s17] =	ssyncadd.s32 $0xFFFFF380  }
0x3a: {  	[tilespmem:s18], [sflag:$0x4] =	stream.linear.gather [hbm4b:s16+s3], $0xC80, $0x38;
	[tilespmem:$0x1D900] =	vst v63  }
0x3b: {  	_ =	swait.ge [sflag:s17], $0xC80  }
0x3c: {  	[sflag:s17] =	ssyncset.done $0x0  }
0x3d: {  	s20 =	simm.s32 $0x7F00;
	s19 =	rddreg [dreg:$0xd];
	[sflag:s17] =	ssyncadd.s32 $0xFFFFF380  }
0x3e: {  	[tilespmem:s20], [sflag:$0x4] =	stream.linear.gather [hbm4b:s19+s3], $0xC80, $0x38;
	[tilespmem:$0x1D900] =	vst v63  }
0x3f: {  	_ =	swait.ge [sflag:s17], $0xC80  }
0x40: {  	[sflag:s17] =	ssyncset.done $0x0  }
0x41: {  	s22 =	simm.s32 $0x3E80;
	s21 =	rddreg [dreg:$0x3];
	[sflag:s17] =	ssyncadd.s32 $0xFFFFF380  }
0x42: {  	[tilespmem:s22], [sflag:$0x4] =	stream.linear.gather [hbm4b:s21+s3], $0xC80, $0x38;
	[tilespmem:$0x1D900] =	vst v63  }
0x43: {  	_ =	swait.ge [sflag:s17], $0xC80  }
0x44: {  	[sflag:s17] =	ssyncset.done $0x0  }
0x45: {  	s25 =	simm.s32 $0x8C00;
	s23 =	rddreg [dreg:$0xe];
	[sflag:s17] =	ssyncadd.s32 $0xFFFFF380  }
0x46: {  	[tilespmem:s25], [sflag:$0x4] =	stream.linear.gather [hbm4b:s23+s3], $0xC80, $0x38;
	[tilespmem:$0x1D900] =	vst v63  }
0x47: {  	_ =	swait.ge [sflag:s17], $0xC80  }
0x48: {  	[sflag:s17] =	ssyncset.done $0x0  }
0x49: {  	s18 =	simm.s32 $0x0;
	[sflag:s17] =	ssyncadd.s32 $0xFFFFF380  }
.LBB2_2:
0x4a: {  	s11 =	smul.u32 $0x50, s18;
	_ =	sdelay $0x1  }
0x4b: {  	[tilespmem:s0], [sflag:$0x1] =	stream.indirect.gather [hbm4b:s4+s31], $0x80, s11, s31, $0xb8;
	[tilespmem:$0x1D900] =	vst v63  }
0x4c: {  	s15 =	sadd.s32 $0xC80, s11  }
0x4d: {  	[tilespmem:s1], [sflag:$0x1] =	stream.indirect.gather [hbm4b:s5+s31], $0x80, s15, s31, $0xb8;
	[tilespmem:$0x1D900] =	vst v63  }
0x4e: {  	s19 =	sadd.s32 $0x1900, s11  }
0x4f: {  	[tilespmem:s26], [sflag:$0x1] =	stream.indirect.gather [hbm4b:s7+s31], $0x80, s19, s31, $0xb8;
	[tilespmem:$0x1D900] =	vst v63  }
0x50: {  	p0 =	seq.s32 s18, $0x0;
	s23 =	sand.u32 $0x1, s18;
	s20 =	sadd.s32 $0x2580, s11  }
0x51: {  	[tilespmem:s28], [sflag:$0x1] =	stream.indirect.gather [hbm4b:s8+s31], $0x80, s20, s31, $0xb8;
	[tilespmem:$0x1D900] =	vst v63  }
0x52: {  	p1 =	seq.s32 s23, $0x1;
	s21 =	sadd.s32 $0x3200, s11;
	s22 =	sadd.s32 $0x3E80, s11  }
0x53: {  	[tilespmem:s29], [sflag:$0x1] =	stream.indirect.gather [hbm4b:s9+s31], $0x80, s21, s31, $0xb8;
	[tilespmem:$0x1D900] =	vst v63  }
0x54: {  	s11 =	sadd.s32 s6, s11;
	s15 =	simm.s32 $0x50;
	s19 =	simm.s32 @!p0 $0x3  }
0x55: {  	[tilespmem:s30], [sflag:$0x1] =	stream.indirect.gather [hbm4b:s10+s31], $0x80, s22, s31, $0xb8;
	[tilespmem:$0x1D900] =	vst v63  }
0x56: {  	s15 =	simm.s32 @!p1 $0x0;
	s20 =	sshll.u32 s11, $0x4;
	_ =	swait.ge @!p0 [sflag:s19], $0x2800  }
0x57: {  	s15 =	sshll.u32 s15, $0x7;
	s11 =	sadd.s32 s12, s20;
	[sflag:s19] =	ssyncset.done @!p0 $0x0  }
0x58: {  	s21 =	simm.s32 $0x0;
	[sflag:s19] =	ssyncadd.s32 @!p0 $0xFFFFD800;
	s19 =	sadd.s32 $0x18900, s15  }
0x59: {  	[tilespmem:s19], [sflag:$0x2] =	stream.linear.gather [hbm4b:s11+s21], $0x2800, $0x38;
	[tilespmem:$0x1D900] =	vst v63  }
0x5a: {  	_ =	swait.ge [sflag:s13], $0x2800  }
0x5b: {  	[sflag:s13] =	ssyncset.done $0x0  }
0x5c: {  	[sflag:s13] =	ssyncadd.s32 $0xFFFFD800  }
0x5d: {  	_ =	swait.ge [sflag:s14], $0x2800  }
0x5e: {  	[sflag:s14] =	ssyncset.done $0x0  }
0x5f: {  	[sflag:s14] =	ssyncadd.s32 $0xFFFFD800  }
0x60: {  	_ =	swait.ge [sflag:s14], $0x2800  }
0x61: {  	[sflag:s14] =	ssyncset.done $0x0  }
0x62: {  	[sflag:s14] =	ssyncadd.s32 $0xFFFFD800  }
0x63: {  	_ =	swait.ge [sflag:s14], $0x2800  }
0x64: {  	[sflag:s14] =	ssyncset.done $0x0  }
0x65: {  	[sflag:s14] =	ssyncadd.s32 $0xFFFFD800  }
0x66: {  	_ =	swait.ge [sflag:s14], $0x2800  }
0x67: {  	[sflag:s14] =	ssyncset.done $0x0  }
0x68: {  	[sflag:s14] =	ssyncadd.s32 $0xFFFFD800  }
0x69: {  	_ =	swait.ge [sflag:s14], $0x2800  }
0x6a: {  	[sflag:s14] =	ssyncset.done $0x0  }
0x6b: {  	[sflag:s14] =	ssyncadd.s32 $0xFFFFD800  }
0x6c: {  	s25 =	sadd.s32 $0x18980, s15;
	_ =	swait.ge [sflag:s14], $0x2800  }
0x6d: {  	v0 =	vmov s25;
	[sflag:s14] =	ssyncset.done $0x0  }
0x6e: {  	s21 =	simm.s32 $0x0;
	[sflag:s14] =	ssyncadd.s32 $0xFFFFD800  }
0x6f: {  	s15 =	sshra.s32 s17, $0x2;
	v1 =	vld [tilespmem:s21+$0xC180]  }
0x70: {  	v24 =	vld.msk [tilespmem:s15+$0x4B00 ss:$0x0], $0xffff  }
0x71: {  	v2 =	vld [tilespmem:s21+$0x9980]  }
0x72: {  	v3 =	vld.idx.msk [tilespmem:v0+s21+$0x0 ss:$0x1], $0xffff  }
0x73: {  	v23 =	vld.msk [tilespmem:s15+$0x5800 ss:$0x0], $0xffff  }
0x74: {  	v21 =	vld.msk [tilespmem:s15+$0x6500 ss:$0x0], $0xffff  }
0x75: {  	v4 =	vld [tilespmem:s21+$0xE980]  }
0x76: {  	v19 =	vld.msk [tilespmem:s15+$0x7200 ss:$0x0], $0xffff;
	v2 =	vmul.f32 v2, v24  }
0x77: {  	v5 =	vld [tilespmem:s21+$0x11180]  }
0x78: {  	v17 =	vld.msk [tilespmem:s15+$0x7F00 ss:$0x0], $0xffff;
	v1 =	vmul.f32 v1, v23;
	v2 =	vadd.f32 v2, v3  }
0x79: {  	v3 =	vld [tilespmem:s21+$0x13980]  }
0x7a: {  	v15 =	vld.msk [tilespmem:s15+$0x8C00 ss:$0x0], $0xffff;
	v1 =	vadd.f32 v1, v2;
	v2 =	vmul.f32 v4, v21  }
0x7b: {  	v4 =	vld [tilespmem:s21+$0x16180]  }
0x7c: {  	v1 =	vadd.f32 v2, v1;
	v2 =	vmul.f32 v5, v19;
	_ =	sdelay $0x1  }
0x7d: {  	v1 =	vadd.f32 v2, v1;
	v2 =	vmul.f32 v3, v17  }
0x7e: {  	v22 =	vld.msk [tilespmem:s15+$0x4AFF ss:$0x0], $0xffff  }
0x7f: {  	v20 =	vld.msk [tilespmem:s15+$0x57FF ss:$0x0], $0xffff;
	v1 =	vadd.f32 v2, v1;
	v2 =	vmul.f32 v4, v15  }
0x80: {  	v18 =	vld.msk [tilespmem:s15+$0x64FF ss:$0x0], $0xffff  }
0x81: {  	v7 =	vld [tilespmem:s21+$0xE900];
	v1 =	vadd.f32 v2, v1  }
0x82: {  	v16 =	vld.msk [tilespmem:s15+$0x71FF ss:$0x0], $0xffff  }
0x83: {  	v3 =	vld [tilespmem:s21+$0x9900];
	[tilespmem:v0+s21+$0x0 ss:$0x1] =	vst.idx.msk $0xffff, v1  }
0x84: {  	v1 =	vld [tilespmem:s21+$0x9990]  }
0x85: {  	v5 =	vld [tilespmem:s21+$0xC190]  }
0x86: {  	v6 =	vld.idx.msk [tilespmem:v0+s21+$0x10 ss:$0x1], $0xffff  }
0x87: {  	v4 =	vld.idx.msk [tilespmem:v0+s21+$0xFFFFFF80 ss:$0x1], $0xffff  }
0x88: {  	v8 =	vld [tilespmem:s21+$0xE990]  }
0x89: {  	v2 =	vld [tilespmem:s21+$0xC100];
	v1 =	vmul.f32 v1, v24  }
0x8a: {  	v9 =	vld [tilespmem:s21+$0x11190]  }
0x8b: {  	v10 =	vld [tilespmem:s21+$0x11100];
	v3 =	vmul.f32 v3, v22;
	v5 =	vmul.f32 v5, v23;
	v6 =	vadd.f32 v1, v6  }
0x8c: {  	v11 =	vld [tilespmem:s21+$0x13990]  }
0x8d: {  	v3 =	vadd.f32 v3, v4;
	v4 =	vld [tilespmem:s21+$0x16190];
	v8 =	vmul.f32 v8, v21;
	v5 =	vadd.f32 v5, v6  }
0x8e: {  	v2 =	vmul.f32 v2, v20;
	v1 =	vld.msk [tilespmem:s15+$0x7EFF ss:$0x0], $0xffff  }
0x8f: {  	v6 =	vmul.f32 v9, v19;
	v9 =	vld [tilespmem:s21+$0x13900];
	v5 =	vadd.f32 v8, v5  }
0x90: {  	v7 =	vmul.f32 v7, v18;
	v3 =	vadd.f32 v2, v3;
	v2 =	vld.msk [tilespmem:s15+$0x8BFF ss:$0x0], $0xffff  }
0x91: {  	v8 =	vld [tilespmem:s21+$0x16100];
	v5 =	vadd.f32 v6, v5;
	v6 =	vmul.f32 v11, v17  }
0x92: {  	v3 =	vadd.f32 v7, v3;
	v7 =	vmul.f32 v10, v16  }
0x93: {  	v4 =	vmul.f32 v4, v15;
	v5 =	vadd.f32 v6, v5  }
0x94: {  	v3 =	vadd.f32 v7, v3;
	v6 =	vmul.f32 v9, v1  }
0x95: {  	v4 =	vadd.f32 v4, v5  }
0x96: {  	v3 =	vadd.f32 v6, v3;
	v5 =	vmul.f32 v8, v2  }
0x97: {  	[tilespmem:v0+s21+$0x10 ss:$0x1] =	vst.idx.msk $0xffff, v4  }
0x98: {  	v3 =	vadd.f32 v5, v3;
	v4 =	vld [tilespmem:s21+$0x99A0]  }
0x99: {  	v5 =	vld.idx.msk [tilespmem:v0+s21+$0x20 ss:$0x1], $0xffff  }
0x9a: {  	[tilespmem:v0+s21+$0xFFFFFF80 ss:$0x1] =	vst.idx.msk $0xffff, v3;
	v3 =	vld [tilespmem:s21+$0xC1A0]  }
0x9b: {  	v7 =	vld [tilespmem:s21+$0xE9A0]  }
0x9c: {  	v9 =	vld [tilespmem:s21+$0x111A0]  }
0x9d: {  	v6 =	vld [tilespmem:s21+$0x9910];
	v4 =	vmul.f32 v4, v24  }
0x9e: {  	v8 =	vld.idx.msk [tilespmem:v0+s21+$0xFFFFFF90 ss:$0x1], $0xffff  }
0x9f: {  	v10 =	vld [tilespmem:s21+$0xC110];
	v3 =	vmul.f32 v3, v23;
	v4 =	vadd.f32 v4, v5  }
0xa0: {  	v5 =	vld [tilespmem:s21+$0x139A0]  }
0xa1: {  	v11 =	vld [tilespmem:s21+$0xE910];
	v3 =	vadd.f32 v3, v4;
	v4 =	vmul.f32 v7, v21  }
0xa2: {  	v6 =	vmul.f32 v6, v22;
	v7 =	vld [tilespmem:s21+$0x161A0]  }
0xa3: {  	v12 =	vld [tilespmem:s21+$0x11110];
	v3 =	vadd.f32 v4, v3;
	v4 =	vmul.f32 v9, v19  }
0xa4: {  	v6 =	vadd.f32 v6, v8;
	v8 =	vmul.f32 v10, v20  }
0xa5: {  	v9 =	vld [tilespmem:s21+$0x13910];
	v3 =	vadd.f32 v4, v3;
	v4 =	vmul.f32 v5, v17  }
0xa6: {  	v5 =	vadd.f32 v8, v6;
	v6 =	vmul.f32 v11, v18  }
0xa7: {  	v8 =	vld [tilespmem:s21+$0x16110];
	v3 =	vadd.f32 v4, v3;
	v4 =	vmul.f32 v7, v15  }
0xa8: {  	v5 =	vadd.f32 v6, v5;
	v6 =	vmul.f32 v12, v16  }
0xa9: {  	v3 =	vadd.f32 v4, v3  }
0xaa: {  	v4 =	vmul.f32 v9, v1;
	v5 =	vadd.f32 v6, v5  }
0xab: {  	[tilespmem:v0+s21+$0x20 ss:$0x1] =	vst.idx.msk $0xffff, v3  }
0xac: {  	v3 =	vmul.f32 v8, v2;
	v4 =	vadd.f32 v4, v5;
	v5 =	vld [tilespmem:s21+$0x99B0]  }
0xad: {  	v6 =	vld.idx.msk [tilespmem:v0+s21+$0x30 ss:$0x1], $0xffff  }
0xae: {  	v3 =	vadd.f32 v3, v4;
	v4 =	vld [tilespmem:s21+$0xC1B0];
	_ =	sdelay $0x1  }
0xaf: {  	[tilespmem:v0+s21+$0xFFFFFF90 ss:$0x1] =	vst.idx.msk $0xffff, v3;
	v3 =	vld [tilespmem:s21+$0xE9B0]  }
0xb0: {  	v8 =	vld [tilespmem:s21+$0x111B0];
	v5 =	vmul.f32 v5, v24  }
0xb1: {  	v7 =	vld [tilespmem:s21+$0x9920]  }
0xb2: {  	v9 =	vld.idx.msk [tilespmem:v0+s21+$0xFFFFFFA0 ss:$0x1], $0xffff;
	v4 =	vmul.f32 v4, v23;
	v5 =	vadd.f32 v5, v6  }
0xb3: {  	v6 =	vld [tilespmem:s21+$0x139B0]  }
0xb4: {  	v10 =	vld [tilespmem:s21+$0xC120];
	v3 =	vmul.f32 v3, v21;
	v4 =	vadd.f32 v4, v5  }
0xb5: {  	v5 =	vld [tilespmem:s21+$0x161B0]  }
0xb6: {  	v11 =	vld [tilespmem:s21+$0xE920];
	v3 =	vadd.f32 v3, v4;
	v4 =	vmul.f32 v8, v19  }
0xb7: {  	v7 =	vmul.f32 v7, v22  }
0xb8: {  	v8 =	vld [tilespmem:s21+$0x11120];
	v3 =	vadd.f32 v4, v3;
	v4 =	vmul.f32 v6, v17  }
0xb9: {  	v6 =	vadd.f32 v7, v9;
	v7 =	vmul.f32 v10, v20  }
0xba: {  	v9 =	vld [tilespmem:s21+$0x13920];
	v3 =	vadd.f32 v4, v3;
	v4 =	vmul.f32 v5, v15  }
0xbb: {  	v5 =	vadd.f32 v7, v6;
	v6 =	vmul.f32 v11, v18  }
0xbc: {  	v7 =	vld [tilespmem:s21+$0x16120];
	v3 =	vadd.f32 v4, v3  }
0xbd: {  	v4 =	vmul.f32 v8, v16;
	v5 =	vadd.f32 v6, v5  }
0xbe: {  	[tilespmem:v0+s21+$0x30 ss:$0x1] =	vst.idx.msk $0xffff, v3  }
0xbf: {  	v3 =	vmul.f32 v9, v1;
	v4 =	vadd.f32 v4, v5;
	v5 =	vld [tilespmem:s21+$0x99C0]  }
0xc0: {  	v6 =	vld.idx.msk [tilespmem:v0+s21+$0x40 ss:$0x1], $0xffff  }
0xc1: {  	v7 =	vmul.f32 v7, v2;
	v3 =	vadd.f32 v3, v4;
	v4 =	vld [tilespmem:s21+$0xC1C0];
	_ =	sdelay $0x1  }
0xc2: {  	v3 =	vadd.f32 v7, v3;
	v7 =	vld [tilespmem:s21+$0xE9C0]  }
0xc3: {  	v5 =	vmul.f32 v5, v24  }
0xc4: {  	[tilespmem:v0+s21+$0xFFFFFFA0 ss:$0x1] =	vst.idx.msk $0xffff, v3;
	v3 =	vld [tilespmem:s21+$0x111C0]  }
0xc5: {  	v8 =	vld [tilespmem:s21+$0x9930];
	v4 =	vmul.f32 v4, v23;
	v5 =	vadd.f32 v5, v6  }
0xc6: {  	v6 =	vld [tilespmem:s21+$0x139C0]  }
0xc7: {  	v9 =	vld.idx.msk [tilespmem:v0+s21+$0xFFFFFFB0 ss:$0x1], $0xffff;
	v4 =	vadd.f32 v4, v5;
	v5 =	vmul.f32 v7, v21  }
0xc8: {  	v7 =	vld [tilespmem:s21+$0x161C0]  }
0xc9: {  	v10 =	vld [tilespmem:s21+$0xC130];
	v3 =	vmul.f32 v3, v19;
	v4 =	vadd.f32 v5, v4;
	_ =	sdelay $0x1  }
0xca: {  	v5 =	vld [tilespmem:s21+$0xE930];
	v3 =	vadd.f32 v3, v4;
	v4 =	vmul.f32 v6, v17  }
0xcb: {  	v6 =	vmul.f32 v8, v22  }
0xcc: {  	s22 =	simm.s32 $0x100;
	v8 =	vld [tilespmem:s21+$0x11130];
	v3 =	vadd.f32 v4, v3;
	v4 =	vmul.f32 v7, v15  }
0xcd: {  	v25 =	vld [tilespmem:s22+$0xE980];
	v6 =	vadd.f32 v6, v9;
	v7 =	vmul.f32 v10, v20  }
0xce: {  	v9 =	vld [tilespmem:s21+$0x13930];
	v3 =	vadd.f32 v4, v3  }
0xcf: {  	v27 =	vld [tilespmem:s22+$0x11180];
	v4 =	vmul.f32 v5, v18;
	v5 =	vadd.f32 v7, v6  }
0xd0: {  	v6 =	vld [tilespmem:s21+$0x16130];
	[tilespmem:v0+s21+$0x40 ss:$0x1] =	vst.idx.msk $0xffff, v3  }
0xd1: {  	v3 =	vmul.f32 v8, v16;
	v4 =	vadd.f32 v4, v5;
	v5 =	vld [tilespmem:s21+$0x99D0]  }
0xd2: {  	v7 =	vld.idx.msk [tilespmem:v0+s21+$0x50 ss:$0x1], $0xffff  }
0xd3: {  	v8 =	vmul.f32 v9, v1;
	v3 =	vadd.f32 v3, v4;
	v4 =	vld [tilespmem:s21+$0xC1D0]  }
0xd4: {  	v28 =	vld [tilespmem:s22+$0x13980]  }
0xd5: {  	v6 =	vmul.f32 v6, v2;
	v3 =	vadd.f32 v8, v3;
	v8 =	vld [tilespmem:s21+$0xE9D0]  }
0xd6: {  	v33 =	vld.idx.msk [tilespmem:v0+s22+$0xFFFFFF80 ss:$0x1], $0xffff;
	v5 =	vmul.f32 v5, v24  }
0xd7: {  	v3 =	vadd.f32 v6, v3;
	v6 =	vld [tilespmem:s21+$0x111D0]  }
0xd8: {  	v34 =	vld [tilespmem:s22+$0xC100];
	v4 =	vmul.f32 v4, v23;
	v5 =	vadd.f32 v5, v7  }
0xd9: {  	v7 =	vld [tilespmem:s21+$0x139D0]  }
0xda: {  	v35 =	vld [tilespmem:s22+$0xE900];
	v4 =	vadd.f32 v4, v5;
	v5 =	vmul.f32 v8, v21  }
0xdb: {  	v8 =	vld [tilespmem:s21+$0x161D0]  }
0xdc: {  	v40 =	vld [tilespmem:s22+$0x11100];
	v6 =	vmul.f32 v6, v19;
	v9 =	vadd.f32 v5, v4  }
0xdd: {  	v58 =	vld [tilespmem:s22+$0x13900]  }
0xde: {  	v60 =	vld [tilespmem:s22+$0x16100];
	v7 =	vmul.f32 v7, v17;
	v9 =	vadd.f32 v6, v9  }
0xdf: {  	v12 =	vld [tilespmem:s22+$0x9980]  }
0xe0: {  	s16 =	sadd.s32 $0x8, s17;
	v11 =	vld.idx.msk [tilespmem:v0+s22+$0x0 ss:$0x1], $0xffff;
	v8 =	vmul.f32 v8, v15;
	v9 =	vadd.f32 v7, v9  }
0xe1: {  	s25 =	sshra.s32 s16, $0x2;
	v10 =	vld [tilespmem:s22+$0xC180]  }
0xe2: {  	[tilespmem:v0+s21+$0xFFFFFFB0 ss:$0x1] =	vst.idx.msk $0xffff, v3;
	v3 =	vld.msk [tilespmem:s25+$0x8C00 ss:$0x0], $0xffff;
	v9 =	vadd.f32 v8, v9  }
0xe3: {  	v7 =	vld.msk [tilespmem:s25+$0x5800 ss:$0x0], $0xffff  }
0xe4: {  	v8 =	vld.msk [tilespmem:s25+$0x4B00 ss:$0x0], $0xffff;
	[tilespmem:v0+s21+$0x50 ss:$0x1] =	vst.idx.msk $0xffff, v9  }
0xe5: {  	v9 =	vld [tilespmem:s21+$0x99E0]  }
0xe6: {  	v13 =	vld.idx.msk [tilespmem:v0+s21+$0x60 ss:$0x1], $0xffff  }
0xe7: {  	v14 =	vld [tilespmem:s21+$0xC1E0]  }
0xe8: {  	v6 =	vld.msk [tilespmem:s25+$0x6500 ss:$0x0], $0xffff  }
0xe9: {  	v26 =	vld [tilespmem:s21+$0xE9E0];
	v12 =	vmul.f32 v12, v8  }
0xea: {  	v5 =	vld.msk [tilespmem:s25+$0x7200 ss:$0x0], $0xffff;
	v9 =	vmul.f32 v9, v24  }
0xeb: {  	v10 =	vmul.f32 v10, v7;
	v11 =	vadd.f32 v12, v11;
	v12 =	vld [tilespmem:s21+$0x111E0]  }
0xec: {  	v4 =	vld.msk [tilespmem:s25+$0x7F00 ss:$0x0], $0xffff;
	v9 =	vadd.f32 v9, v13;
	v13 =	vmul.f32 v14, v23  }
0xed: {  	v10 =	vadd.f32 v10, v11;
	v11 =	vmul.f32 v25, v6;
	v14 =	vld [tilespmem:s21+$0x139E0]  }
0xee: {  	v25 =	vld [tilespmem:s22+$0x16180];
	v9 =	vadd.f32 v13, v9;
	v13 =	vmul.f32 v26, v21  }
0xef: {  	v11 =	vadd.f32 v11, v10;
	v26 =	vmul.f32 v27, v5;
	v27 =	vld [tilespmem:s21+$0x161E0]  }
0xf0: {  	v32 =	vld [tilespmem:s21+$0x9940];
	v12 =	vmul.f32 v12, v19;
	v9 =	vadd.f32 v13, v9  }
0xf1: {  	v63 =	vld.idx.msk [tilespmem:v0+s21+$0xFFFFFFC0 ss:$0x1], $0xffff;
	v11 =	vadd.f32 v26, v11;
	v26 =	vmul.f32 v28, v4  }
0xf2: {  	v43 =	vld [tilespmem:s21+$0xC140];
	v14 =	vmul.f32 v14, v17;
	v9 =	vadd.f32 v12, v9  }
0xf3: {  	v45 =	vld [tilespmem:s21+$0xE940];
	v25 =	vmul.f32 v25, v3;
	v26 =	vadd.f32 v26, v11  }
0xf4: {  	v46 =	vld [tilespmem:s21+$0x11140];
	v9 =	vadd.f32 v14, v9;
	v14 =	vmul.f32 v27, v15  }
0xf5: {  	v48 =	vld [tilespmem:s21+$0x13940];
	v25 =	vadd.f32 v25, v26  }
0xf6: {  	v49 =	vld [tilespmem:s21+$0x16140];
	v14 =	vadd.f32 v14, v9  }
0xf7: {  	v10 =	vld.msk [tilespmem:s25+$0x4AFF ss:$0x0], $0xffff;
	[tilespmem:v0+s22+$0x0 ss:$0x1] =	vst.idx.msk $0xffff, v25  }
0xf8: {  	[tilespmem:v0+s21+$0x60 ss:$0x1] =	vst.idx.msk $0xffff, v14;
	v14 =	vld [tilespmem:s22+$0x9990]  }
0xf9: {  	v36 =	vld [tilespmem:s22+$0xC190]  }
0xfa: {  	v37 =	vld.idx.msk [tilespmem:v0+s22+$0x10 ss:$0x1], $0xffff  }
0xfb: {  	v13 =	vld [tilespmem:s22+$0x9900]  }
0xfc: {  	v38 =	vld [tilespmem:s22+$0xE990]  }
0xfd: {  	v12 =	vld.msk [tilespmem:s25+$0x57FF ss:$0x0], $0xffff;
	v14 =	vmul.f32 v14, v8  }
0xfe: {  	v39 =	vld [tilespmem:s22+$0x11190]  }
0xff: {  	v11 =	vld.msk [tilespmem:s25+$0x64FF ss:$0x0], $0xffff;
	v36 =	vmul.f32 v36, v7;
	v14 =	vadd.f32 v14, v37  }
0x100: {  	v41 =	vld [tilespmem:s22+$0x13990]  }
0x101: {  	v55 =	vmul.f32 v13, v10;
	v13 =	vld.msk [tilespmem:s25+$0x7EFF ss:$0x0], $0xffff;
	v38 =	vmul.f32 v38, v6;
	v14 =	vadd.f32 v36, v14  }
0x102: {  	v56 =	vld [tilespmem:s22+$0x16190]  }
0x103: {  	v9 =	vld.msk [tilespmem:s25+$0x71FF ss:$0x0], $0xffff;
	v57 =	vmul.f32 v39, v5;
	v38 =	vadd.f32 v38, v14  }
0x104: {  	v31 =	vld [tilespmem:s21+$0x99F0]  }
0x105: {  	v29 =	vld.idx.msk [tilespmem:v0+s21+$0x70 ss:$0x1], $0xffff;
	v61 =	vmul.f32 v41, v4;
	v37 =	vadd.f32 v57, v38  }
0x106: {  	v33 =	vadd.f32 v55, v33;
	v34 =	vmul.f32 v34, v12;
	v30 =	vld [tilespmem:s21+$0xC1F0]  }
0x107: {  	v28 =	vld [tilespmem:s21+$0xE9F0];
	v36 =	vmul.f32 v56, v3;
	v37 =	vadd.f32 v61, v37  }
0x108: {  	v59 =	vmul.f32 v35, v11;
	v27 =	vld [tilespmem:s21+$0x111F0];
	v33 =	vadd.f32 v34, v33  }
0x109: {  	v32 =	vmul.f32 v32, v22;
	v14 =	vld.msk [tilespmem:s25+$0x8BFF ss:$0x0], $0xffff;
	v36 =	vadd.f32 v36, v37  }
0x10a: {  	v26 =	vld [tilespmem:s21+$0x139F0];
	v33 =	vadd.f32 v59, v33;
	v62 =	vmul.f32 v40, v9  }
0x10b: {  	v32 =	vadd.f32 v32, v63;
	v25 =	vld [tilespmem:s21+$0x161F0];
	[tilespmem:v0+s22+$0x10 ss:$0x1] =	vst.idx.msk $0xffff, v36  }
0x10c: {  	v44 =	vmul.f32 v58, v13;
	v33 =	vadd.f32 v62, v33;
	v38 =	vmul.f32 v43, v20;
	v50 =	vld [tilespmem:s22+$0x99A0]  }
0x10d: {  	v39 =	vmul.f32 v45, v18;
	v51 =	vld.idx.msk [tilespmem:v0+s22+$0x20 ss:$0x1], $0xffff  }
0x10e: {  	v33 =	vadd.f32 v44, v33;
	v32 =	vadd.f32 v38, v32;
	v47 =	vmul.f32 v60, v14;
	v52 =	vld [tilespmem:s22+$0xC1A0]  }
0x10f: {  	v54 =	vld [tilespmem:s22+$0xE9A0]  }
0x110: {  	v37 =	vmul.f32 v46, v16;
	v32 =	vadd.f32 v39, v32;
	v33 =	vadd.f32 v47, v33;
	v42 =	vld [tilespmem:s22+$0x111A0]  }
0x111: {  	v57 =	vld [tilespmem:s22+$0x139A0];
	v34 =	vmul.f32 v50, v8  }
0x112: {  	v35 =	vmul.f32 v48, v1;
	v32 =	vadd.f32 v37, v32;
	[tilespmem:v0+s22+$0xFFFFFF80 ss:$0x1] =	vst.idx.msk $0xffff, v33;
	v60 =	vld [tilespmem:s22+$0x161A0]  }
0x113: {  	v53 =	vld [tilespmem:s22+$0x9910];
	v33 =	vmul.f32 v52, v7;
	v34 =	vadd.f32 v34, v51  }
0x114: {  	v36 =	vmul.f32 v49, v2;
	v55 =	vld.idx.msk [tilespmem:v0+s22+$0xFFFFFF90 ss:$0x1], $0xffff;
	v32 =	vadd.f32 v35, v32  }
0x115: {  	v56 =	vld [tilespmem:s22+$0xC110];
	v59 =	vmul.f32 v54, v6;
	v33 =	vadd.f32 v33, v34  }
0x116: {  	v58 =	vld [tilespmem:s22+$0xE910];
	v32 =	vadd.f32 v36, v32  }
0x117: {  	v61 =	vld [tilespmem:s22+$0x11110];
	v62 =	vmul.f32 v42, v5;
	v33 =	vadd.f32 v59, v33  }
0x118: {  	v63 =	vld [tilespmem:s22+$0x13910];
	[tilespmem:v0+s21+$0xFFFFFFC0 ss:$0x1] =	vst.idx.msk $0xffff, v32  }
0x119: {  	v44 =	vld [tilespmem:s22+$0x16110];
	v45 =	vmul.f32 v57, v4;
	v38 =	vmul.f32 v53, v10;
	v33 =	vadd.f32 v62, v33  }
0x11a: {  	v47 =	vmul.f32 v60, v3;
	v46 =	vld [tilespmem:s21+$0x9950]  }
0x11b: {  	v37 =	vmul.f32 v56, v12;
	v48 =	vld.idx.msk [tilespmem:v0+s21+$0xFFFFFFD0 ss:$0x1], $0xffff;
	v38 =	vadd.f32 v38, v55;
	v33 =	vadd.f32 v45, v33  }
0x11c: {  	v49 =	vld [tilespmem:s21+$0xC150]  }
0x11d: {  	v35 =	vmul.f32 v58, v11;
	v50 =	vld [tilespmem:s21+$0xE950];
	v37 =	vadd.f32 v37, v38;
	v33 =	vadd.f32 v47, v33  }
0x11e: {  	v52 =	vld [tilespmem:s21+$0x13950]  }
0x11f: {  	v51 =	vld [tilespmem:s21+$0x11150];
	v34 =	vmul.f32 v61, v9;
	v35 =	vadd.f32 v35, v37;
	[tilespmem:v0+s22+$0x20 ss:$0x1] =	vst.idx.msk $0xffff, v33  }
0x120: {  	v38 =	vmul.f32 v46, v22;
	v53 =	vld [tilespmem:s22+$0x99B0]  }
0x121: {  	v39 =	vmul.f32 v63, v13;
	v34 =	vadd.f32 v34, v35;
	v54 =	vld.idx.msk [tilespmem:v0+s22+$0x30 ss:$0x1], $0xffff  }
0x122: {  	v37 =	vmul.f32 v49, v20;
	v38 =	vadd.f32 v38, v48;
	v55 =	vld [tilespmem:s22+$0xC1B0]  }
0x123: {  	v32 =	vmul.f32 v44, v14;
	v56 =	vld [tilespmem:s21+$0x16150];
	v34 =	vadd.f32 v39, v34  }
0x124: {  	v36 =	vmul.f32 v50, v18;
	v37 =	vadd.f32 v37, v38;
	v57 =	vld [tilespmem:s22+$0xE9B0]  }
0x125: {  	v32 =	vadd.f32 v32, v34;
	v59 =	vld [tilespmem:s22+$0x111B0];
	v39 =	vmul.f32 v53, v8  }
0x126: {  	v35 =	vmul.f32 v51, v16;
	v36 =	vadd.f32 v36, v37;
	v61 =	vld [tilespmem:s22+$0x139B0]  }
0x127: {  	[tilespmem:v0+s22+$0xFFFFFF90 ss:$0x1] =	vst.idx.msk $0xffff, v32;
	v63 =	vld [tilespmem:s22+$0x161B0];
	v34 =	vmul.f32 v55, v7;
	v39 =	vadd.f32 v39, v54  }
0x128: {  	v33 =	vmul.f32 v52, v1;
	v35 =	vadd.f32 v35, v36;
	v58 =	vld [tilespmem:s22+$0x9920]  }
0x129: {  	v60 =	vld.idx.msk [tilespmem:v0+s22+$0xFFFFFFA0 ss:$0x1], $0xffff;
	v32 =	vmul.f32 v57, v6;
	v34 =	vadd.f32 v34, v39  }
0x12a: {  	v40 =	vmul.f32 v56, v2;
	v62 =	vld [tilespmem:s22+$0xC120];
	v33 =	vadd.f32 v33, v35  }
0x12b: {  	v44 =	vld [tilespmem:s22+$0xE920];
	v37 =	vmul.f32 v59, v5;
	v32 =	vadd.f32 v32, v34  }
0x12c: {  	v45 =	vld [tilespmem:s22+$0x11120];
	v33 =	vadd.f32 v40, v33  }
0x12d: {  	v46 =	vld [tilespmem:s22+$0x13920];
	v36 =	vmul.f32 v61, v4;
	v32 =	vadd.f32 v37, v32  }
0x12e: {  	v47 =	vld [tilespmem:s22+$0x16120];
	[tilespmem:v0+s21+$0xFFFFFFD0 ss:$0x1] =	vst.idx.msk $0xffff, v33;
	v38 =	vmul.f32 v58, v10  }
0x12f: {  	v48 =	vmul.f32 v63, v3;
	v49 =	vld [tilespmem:s21+$0x9960];
	v32 =	vadd.f32 v36, v32  }
0x130: {  	v52 =	vld [tilespmem:s21+$0xC160];
	v38 =	vadd.f32 v38, v60;
	v39 =	vmul.f32 v62, v12  }
0x131: {  	v51 =	vld.idx.msk [tilespmem:v0+s21+$0xFFFFFFE0 ss:$0x1], $0xffff;
	v32 =	vadd.f32 v48, v32  }
0x132: {  	v55 =	vld [tilespmem:s21+$0x11160];
	v50 =	vadd.f32 v39, v38;
	v34 =	vmul.f32 v44, v11  }
0x133: {  	v54 =	vld [tilespmem:s21+$0xE960];
	[tilespmem:v0+s22+$0x30 ss:$0x1] =	vst.idx.msk $0xffff, v32  }
0x134: {  	v53 =	vmul.f32 v45, v9;
	v35 =	vmul.f32 v49, v22;
	v34 =	vadd.f32 v34, v50;
	v56 =	vld [tilespmem:s22+$0x99C0]  }
0x135: {  	v33 =	vmul.f32 v52, v20;
	v58 =	vld.idx.msk [tilespmem:v0+s22+$0x40 ss:$0x1], $0xffff  }
0x136: {  	v37 =	vmul.f32 v46, v13;
	v35 =	vadd.f32 v35, v51;
	v34 =	vadd.f32 v53, v34;
	v59 =	vld [tilespmem:s22+$0xC1C0]  }
0x137: {  	v57 =	vmul.f32 v47, v14;
	v60 =	vld [tilespmem:s21+$0x13960]  }
0x138: {  	v36 =	vmul.f32 v54, v18;
	v33 =	vadd.f32 v33, v35;
	v34 =	vadd.f32 v37, v34;
	v61 =	vld [tilespmem:s22+$0xE9C0]  }
0x139: {  	v63 =	vld [tilespmem:s21+$0x16160];
	v62 =	vmul.f32 v56, v8  }
0x13a: {  	v33 =	vadd.f32 v36, v33;
	v34 =	vadd.f32 v57, v34;
	v44 =	vld [tilespmem:s22+$0x111C0]  }
0x13b: {  	v32 =	vmul.f32 v55, v16;
	v46 =	vld [tilespmem:s22+$0x139C0];
	v37 =	vmul.f32 v59, v7;
	v35 =	vadd.f32 v62, v58  }
0x13c: {  	v38 =	vmul.f32 v60, v1;
	v48 =	vld [tilespmem:s22+$0x161C0];
	[tilespmem:v0+s22+$0xFFFFFFA0 ss:$0x1] =	vst.idx.msk $0xffff, v34  }
0x13d: {  	v32 =	vadd.f32 v32, v33;
	v45 =	vld [tilespmem:s22+$0x9930];
	v40 =	vmul.f32 v61, v6;
	v35 =	vadd.f32 v37, v35  }
0x13e: {  	v39 =	vmul.f32 v63, v2;
	v47 =	vld.idx.msk [tilespmem:v0+s22+$0xFFFFFFB0 ss:$0x1], $0xffff  }
0x13f: {  	v49 =	vld [tilespmem:s22+$0xC130];
	v32 =	vadd.f32 v38, v32;
	v34 =	vmul.f32 v44, v5;
	v35 =	vadd.f32 v40, v35  }
0x140: {  	v24 =	vmul.f32 v31, v24;
	v50 =	vld [tilespmem:s22+$0xE930]  }
0x141: {  	v51 =	vld [tilespmem:s22+$0x11130];
	v32 =	vadd.f32 v39, v32;
	v33 =	vmul.f32 v46, v4;
	v34 =	vadd.f32 v34, v35  }
0x142: {  	v23 =	vmul.f32 v30, v23;
	v24 =	vadd.f32 v24, v29;
	v53 =	vld [tilespmem:s22+$0x13930];
	v52 =	vmul.f32 v45, v10  }
0x143: {  	v55 =	vld [tilespmem:s22+$0x16130];
	v56 =	vmul.f32 v48, v3;
	[tilespmem:v0+s21+$0xFFFFFFE0 ss:$0x1] =	vst.idx.msk $0xffff, v32;
	v54 =	vadd.f32 v33, v34  }
0x144: {  	v57 =	vmul.f32 v49, v12;
	v58 =	vld [tilespmem:s21+$0x9970];
	v29 =	vadd.f32 v52, v47  }
0x145: {  	v21 =	vmul.f32 v28, v21;
	v23 =	vadd.f32 v23, v24;
	v59 =	vld.idx.msk [tilespmem:v0+s21+$0xFFFFFFF0 ss:$0x1], $0xffff;
	v24 =	vadd.f32 v56, v54  }
0x146: {  	v31 =	vmul.f32 v50, v11;
	v60 =	vld [tilespmem:s21+$0xC170];
	v29 =	vadd.f32 v57, v29  }
0x147: {  	v19 =	vmul.f32 v27, v19;
	v21 =	vadd.f32 v21, v23;
	v23 =	vld [tilespmem:s21+$0xE970];
	[tilespmem:v0+s22+$0x40 ss:$0x1] =	vst.idx.msk $0xffff, v24  }
0x148: {  	v27 =	vadd.f32 v31, v29;
	v24 =	vmul.f32 v51, v9;
	v61 =	vld [tilespmem:s22+$0x99D0]  }
0x149: {  	v17 =	vmul.f32 v26, v17;
	v19 =	vadd.f32 v19, v21;
	v26 =	vld.idx.msk [tilespmem:v0+s22+$0x50 ss:$0x1], $0xffff  }
0x14a: {  	v21 =	vmul.f32 v53, v13;
	v22 =	vmul.f32 v58, v22;
	v24 =	vadd.f32 v24, v27;
	v27 =	vld [tilespmem:s22+$0xC1D0]  }
0x14b: {  	v15 =	vmul.f32 v25, v15;
	v17 =	vadd.f32 v17, v19;
	v25 =	vmul.f32 v55, v14;
	v62 =	vld [tilespmem:s21+$0x11170]  }
0x14c: {  	v20 =	vmul.f32 v60, v20;
	v22 =	vadd.f32 v22, v59;
	v63 =	vld [tilespmem:s22+$0xE9D0];
	v21 =	vadd.f32 v21, v24  }
0x14d: {  	v15 =	vadd.f32 v15, v17;
	v19 =	vld [tilespmem:s21+$0x13970];
	v17 =	vmul.f32 v61, v8  }
0x14e: {  	v18 =	vmul.f32 v23, v18;
	v20 =	vadd.f32 v20, v22;
	v22 =	vadd.f32 v25, v21;
	v21 =	vld [tilespmem:s22+$0x111D0]  }
0x14f: {  	[tilespmem:v0+s21+$0x70 ss:$0x1] =	vst.idx.msk $0xffff, v15;
	v23 =	vmul.f32 v27, v7;
	v15 =	vadd.f32 v17, v26;
	v17 =	vld [tilespmem:s21+$0x16170]  }
0x150: {  	v16 =	vmul.f32 v62, v16;
	v18 =	vadd.f32 v18, v20;
	[tilespmem:v0+s22+$0xFFFFFFB0 ss:$0x1] =	vst.idx.msk $0xffff, v22;
	v22 =	vld [tilespmem:s22+$0x139D0]  }
0x151: {  	s23 =	simm.s32 $0x400;
	s11 =	sadd.s32 $0x8, s16;
	s25 =	simm.s32 $0x2;
	v24 =	vld [tilespmem:s22+$0x9940];
	v15 =	vadd.f32 v23, v15;
	v23 =	vmul.f32 v63, v6  }
.LBB2_3:
0x152: {  	s15 =	sshra.s32 s11, $0x2;
	v25 =	vld [tilespmem:s22+$0x161D0];
	v16 =	vadd.f32 v16, v18;
	v18 =	vmul.f32 v19, v1;
	v1 =	vmov v13  }
0x153: {  	v20 =	vld.msk [tilespmem:s15+$0x8C00 ss:$0x0], $0xffff;
	v15 =	vadd.f32 v23, v15;
	v19 =	vmul.f32 v21, v5  }
0x154: {  	v21 =	vld.msk [tilespmem:s15+$0x7F00 ss:$0x0], $0xffff;
	v16 =	vadd.f32 v18, v16;
	v17 =	vmul.f32 v17, v2;
	v2 =	vmov v14  }
0x155: {  	s23 =	sadd.s32 $0x400, s23;
	v13 =	vld.msk [tilespmem:s15+$0x7200 ss:$0x0], $0xffff;
	v14 =	vadd.f32 v19, v15;
	v15 =	vmul.f32 v22, v4  }
0x156: {  	s16 =	sshra.s32 s23, $0x2;
	v22 =	vld.msk [tilespmem:s15+$0x6500 ss:$0x0], $0xffff;
	v19 =	vmul.f32 v24, v10;
	v16 =	vadd.f32 v17, v16  }
0x157: {  	v17 =	vld [tilespmem:s16+$0xC180];
	v14 =	vadd.f32 v15, v14;
	v15 =	vmul.f32 v25, v3  }
0x158: {  	v18 =	vld.idx.msk [tilespmem:v0+s16+$0x0 ss:$0x1], $0xffff;
	[tilespmem:v0+s21+$0xFFFFFFF0 ss:$0x1] =	vst.idx.msk $0xffff, v16;
	s21 =	smov.u32 s22;
	s22 =	smov.u32 s16  }
0x159: {  	v23 =	vld.msk [tilespmem:s15+$0x5800 ss:$0x0], $0xffff;
	v14 =	vadd.f32 v15, v14  }
0x15a: {  	v24 =	vld.msk [tilespmem:s15+$0x4B00 ss:$0x0], $0xffff  }
0x15b: {  	v15 =	vld [tilespmem:s22+$0x9980];
	[tilespmem:v0+s21+$0x50 ss:$0x1] =	vst.idx.msk $0xffff, v14  }
0x15c: {  	v14 =	vld [tilespmem:s21+$0x99E0]  }
0x15d: {  	v16 =	vld.idx.msk [tilespmem:v0+s21+$0x60 ss:$0x1], $0xffff  }
0x15e: {  	s25 =	sadd.s32 $0x2, s25;
	v25 =	vld [tilespmem:s21+$0xC1E0]  }
0x15f: {  	p0 =	slt.u32 s25, $0x4E;
	v26 =	vld [tilespmem:s22+$0xE980]  }
0x160: {  	v15 =	vmul.f32 v15, v24;
	v27 =	vld [tilespmem:s21+$0xE9E0]  }
0x161: {  	v28 =	vld [tilespmem:s22+$0x11180];
	v14 =	vmul.f32 v14, v8  }
0x162: {  	v17 =	vmul.f32 v17, v23;
	v15 =	vadd.f32 v15, v18;
	v18 =	vld [tilespmem:s21+$0x111E0]  }
0x163: {  	v29 =	vld [tilespmem:s22+$0x13980];
	v14 =	vadd.f32 v14, v16;
	v16 =	vmul.f32 v25, v7  }
0x164: {  	v15 =	vadd.f32 v17, v15;
	v17 =	vmul.f32 v26, v22;
	v25 =	vld [tilespmem:s21+$0x139E0]  }
0x165: {  	v26 =	vld [tilespmem:s22+$0x16180];
	v14 =	vadd.f32 v16, v14;
	v27 =	vmul.f32 v27, v6  }
0x166: {  	v15 =	vadd.f32 v17, v15;
	v17 =	vmul.f32 v28, v13;
	v28 =	vld [tilespmem:s21+$0x161E0]  }
0x167: {  	v16 =	vld.msk [tilespmem:s15+$0x4AFF ss:$0x0], $0xffff;
	v14 =	vadd.f32 v27, v14;
	v18 =	vmul.f32 v18, v5  }
0x168: {  	v27 =	vld [tilespmem:s22+$0x9900];
	v15 =	vadd.f32 v17, v15;
	v29 =	vmul.f32 v29, v21  }
0x169: {  	v30 =	vld.idx.msk [tilespmem:v0+s22+$0xFFFFFF80 ss:$0x1], $0xffff;
	v14 =	vadd.f32 v18, v14;
	v18 =	vmul.f32 v25, v4  }
0x16a: {  	v17 =	vld.msk [tilespmem:s15+$0x57FF ss:$0x0], $0xffff;
	v15 =	vadd.f32 v29, v15;
	v25 =	vmul.f32 v26, v20  }
0x16b: {  	v26 =	vld [tilespmem:s22+$0xC100];
	v14 =	vadd.f32 v18, v14;
	v28 =	vmul.f32 v28, v3  }
0x16c: {  	v18 =	vld.msk [tilespmem:s15+$0x64FF ss:$0x0], $0xffff;
	v25 =	vadd.f32 v25, v15  }
0x16d: {  	v27 =	vmul.f32 v27, v16;
	v29 =	vld [tilespmem:s22+$0xE900];
	v14 =	vadd.f32 v28, v14  }
0x16e: {  	v15 =	vld.msk [tilespmem:s15+$0x71FF ss:$0x0], $0xffff;
	[tilespmem:v0+s22+$0x0 ss:$0x1] =	vst.idx.msk $0xffff, v25  }
0x16f: {  	v25 =	vadd.f32 v27, v30;
	v27 =	vld [tilespmem:s22+$0xC190];
	[tilespmem:v0+s21+$0x60 ss:$0x1] =	vst.idx.msk $0xffff, v14  }
0x170: {  	v14 =	vmul.f32 v26, v17;
	v26 =	vld [tilespmem:s21+$0x99F0]  }
0x171: {  	v28 =	vld.idx.msk [tilespmem:v0+s21+$0x70 ss:$0x1], $0xffff  }
0x172: {  	v14 =	vadd.f32 v14, v25;
	v25 =	vmul.f32 v29, v18;
	v29 =	vld [tilespmem:s21+$0xC1F0]  }
0x173: {  	v30 =	vld [tilespmem:s22+$0x9990]  }
0x174: {  	v25 =	vadd.f32 v25, v14;
	v14 =	vld [tilespmem:s21+$0xE9F0]  }
0x175: {  	v31 =	vld.idx.msk [tilespmem:v0+s22+$0x10 ss:$0x1], $0xffff;
	v26 =	vmul.f32 v26, v8;
	v8 =	vmov v24  }
0x176: {  	v24 =	vld [tilespmem:s21+$0x111F0]  }
0x177: {  	v32 =	vld [tilespmem:s22+$0xE990];
	v26 =	vadd.f32 v26, v28;
	v28 =	vmul.f32 v29, v7;
	v7 =	vmov v23  }
0x178: {  	v23 =	vld [tilespmem:s21+$0x139F0]  }
0x179: {  	v29 =	vmul.f32 v30, v8;
	v30 =	vld [tilespmem:s22+$0x11190];
	v26 =	vadd.f32 v28, v26;
	v14 =	vmul.f32 v14, v6;
	v6 =	vmovc v22  }
0x17a: {  	v22 =	vmul.f32 v27, v7;
	v27 =	vld [tilespmem:s21+$0x161F0]  }
0x17b: {  	v29 =	vadd.f32 v29, v31;
	v28 =	vld [tilespmem:s22+$0x11100];
	v14 =	vadd.f32 v14, v26;
	v24 =	vmul.f32 v24, v5;
	v5 =	vmovc v13  }
0x17c: {  	v26 =	vmul.f32 v32, v6;
	v31 =	vld [tilespmem:s22+$0x13990]  }
0x17d: {  	v22 =	vadd.f32 v22, v29;
	v13 =	vld.msk [tilespmem:s15+$0x7EFF ss:$0x0], $0xffff;
	v14 =	vadd.f32 v24, v14;
	v23 =	vmul.f32 v23, v4;
	v4 =	vmovc v21  }
0x17e: {  	v21 =	vmul.f32 v30, v5;
	v24 =	vld [tilespmem:s22+$0x16190]  }
0x17f: {  	v22 =	vadd.f32 v26, v22;
	v29 =	vld [tilespmem:s22+$0x13900];
	v23 =	vadd.f32 v23, v14;
	v26 =	vmul.f32 v27, v3;
	v3 =	vmovc v20  }
0x180: {  	v20 =	vmul.f32 v28, v15;
	v14 =	vld.msk [tilespmem:s15+$0x8BFF ss:$0x0], $0xffff  }
0x181: {  	v21 =	vadd.f32 v21, v22;
	v27 =	vld [tilespmem:s22+$0x16100];
	v22 =	vmul.f32 v31, v4;
	v23 =	vadd.f32 v26, v23  }
0x182: {  	v20 =	vadd.f32 v20, v25;
	v25 =	vld.idx.msk [tilespmem:v0+s21+$0xFFFFFFC0 ss:$0x1], $0xffff  }
0x183: {  	v21 =	vadd.f32 v22, v21;
	v22 =	vmul.f32 v24, v3;
	v24 =	vld [tilespmem:s21+$0xC140];
	[tilespmem:v0+s21+$0x70 ss:$0x1] =	vst.idx.msk $0xffff, v23  }
0x184: {  	v23 =	vmul.f32 v29, v13;
	v26 =	vld [tilespmem:s21+$0xE940]  }
0x185: {  	v21 =	vadd.f32 v22, v21;
	v22 =	vld [tilespmem:s21+$0x11140]  }
0x186: {  	v20 =	vadd.f32 v23, v20;
	v23 =	vmul.f32 v27, v14;
	v27 =	vld [tilespmem:s21+$0x13940]  }
0x187: {  	[tilespmem:v0+s22+$0x10 ss:$0x1] =	vst.idx.msk $0xffff, v21;
	v21 =	vld [tilespmem:s21+$0x16140]  }
0x188: {  	v19 =	vadd.f32 v19, v25;
	v20 =	vadd.f32 v23, v20;
	v23 =	vld [tilespmem:s22+$0x99A0];
	v24 =	vmul.f32 v24, v12  }
0x189: {  	v25 =	vld.idx.msk [tilespmem:v0+s22+$0x20 ss:$0x1], $0xffff;
	v26 =	vmul.f32 v26, v11  }
0x18a: {  	[tilespmem:v0+s22+$0xFFFFFF80 ss:$0x1] =	vst.idx.msk $0xffff, v20;
	v20 =	vld [tilespmem:s22+$0xC1A0];
	v19 =	vadd.f32 v24, v19;
	v22 =	vmul.f32 v22, v9  }
0x18b: {  	v24 =	vld [tilespmem:s22+$0x9910];
	v27 =	vmul.f32 v27, v1  }
0x18c: {  	v28 =	vld [tilespmem:s22+$0xE9A0];
	v19 =	vadd.f32 v26, v19;
	v21 =	vmul.f32 v21, v2  }
0x18d: {  	v26 =	vld.idx.msk [tilespmem:v0+s22+$0xFFFFFF90 ss:$0x1], $0xffff;
	v23 =	vmul.f32 v23, v8  }
0x18e: {  	v29 =	vld [tilespmem:s22+$0x111A0];
	v19 =	vadd.f32 v22, v19  }
0x18f: {  	v22 =	vld [tilespmem:s22+$0xC110];
	v23 =	vadd.f32 v23, v25;
	v20 =	vmul.f32 v20, v7  }
0x190: {  	v24 =	vmul.f32 v24, v16;
	v25 =	vld [tilespmem:s22+$0x139A0];
	v19 =	vadd.f32 v27, v19  }
0x191: {  	v27 =	vld [tilespmem:s22+$0xE910];
	v20 =	vadd.f32 v20, v23;
	v23 =	vmul.f32 v28, v6  }
0x192: {  	v28 =	vld [tilespmem:s22+$0x161A0];
	v19 =	vadd.f32 v21, v19  }
0x193: {  	v21 =	vadd.f32 v24, v26;
	v24 =	vld [tilespmem:s22+$0x11110];
	v20 =	vadd.f32 v23, v20;
	v23 =	vmul.f32 v29, v5  }
0x194: {  	v22 =	vmul.f32 v22, v17;
	v26 =	vld [tilespmem:s22+$0x13910];
	[tilespmem:v0+s21+$0xFFFFFFC0 ss:$0x1] =	vst.idx.msk $0xffff, v19  }
0x195: {  	v19 =	vld [tilespmem:s22+$0x16110];
	v20 =	vadd.f32 v23, v20;
	v23 =	vmul.f32 v25, v4  }
0x196: {  	v21 =	vadd.f32 v22, v21;
	v22 =	vmul.f32 v27, v18;
	v25 =	vld [tilespmem:s21+$0x9950]  }
0x197: {  	v20 =	vadd.f32 v23, v20;
	v23 =	vmul.f32 v28, v3;
	v27 =	vld.idx.msk [tilespmem:v0+s21+$0xFFFFFFD0 ss:$0x1], $0xffff  }
0x198: {  	v21 =	vadd.f32 v22, v21;
	v22 =	vmul.f32 v24, v15;
	v24 =	vld [tilespmem:s21+$0xC150]  }
0x199: {  	v26 =	vmul.f32 v26, v13;
	v20 =	vadd.f32 v23, v20;
	v23 =	vld [tilespmem:s21+$0xE950]  }
0x19a: {  	v21 =	vadd.f32 v22, v21;
	v19 =	vmul.f32 v19, v14;
	v22 =	vld [tilespmem:s21+$0x11150]  }
0x19b: {  	[tilespmem:v0+s22+$0x20 ss:$0x1] =	vst.idx.msk $0xffff, v20;
	v20 =	vmul.f32 v25, v10;
	v25 =	vld [tilespmem:s21+$0x13950]  }
0x19c: {  	v21 =	vadd.f32 v26, v21;
	v26 =	vld [tilespmem:s22+$0x99B0]  }
0x19d: {  	v28 =	vld.idx.msk [tilespmem:v0+s22+$0x30 ss:$0x1], $0xffff;
	v20 =	vadd.f32 v20, v27;
	v24 =	vmul.f32 v24, v12  }
0x19e: {  	v19 =	vadd.f32 v19, v21;
	v21 =	vld [tilespmem:s22+$0xC1B0];
	v23 =	vmul.f32 v23, v11  }
0x19f: {  	v20 =	vadd.f32 v24, v20;
	v22 =	vmul.f32 v22, v9;
	v24 =	vld [tilespmem:s21+$0x16150]  }
0x1a0: {  	[tilespmem:v0+s22+$0xFFFFFF90 ss:$0x1] =	vst.idx.msk $0xffff, v19;
	v19 =	vld [tilespmem:s22+$0xE9B0];
	v25 =	vmul.f32 v25, v1  }
0x1a1: {  	v27 =	vld [tilespmem:s22+$0x9920];
	v26 =	vmul.f32 v26, v8;
	v20 =	vadd.f32 v23, v20  }
0x1a2: {  	v23 =	vld [tilespmem:s22+$0x111B0]  }
0x1a3: {  	v29 =	vld.idx.msk [tilespmem:v0+s22+$0xFFFFFFA0 ss:$0x1], $0xffff;
	v26 =	vadd.f32 v26, v28;
	v21 =	vmul.f32 v21, v7;
	v20 =	vadd.f32 v22, v20  }
0x1a4: {  	v22 =	vld [tilespmem:s22+$0x139B0];
	v24 =	vmul.f32 v24, v2  }
0x1a5: {  	v28 =	vld [tilespmem:s22+$0xC120];
	v21 =	vadd.f32 v21, v26;
	v19 =	vmul.f32 v19, v6;
	v20 =	vadd.f32 v25, v20  }
0x1a6: {  	v25 =	vmul.f32 v27, v16;
	v26 =	vld [tilespmem:s22+$0x161B0]  }
0x1a7: {  	v27 =	vld [tilespmem:s22+$0xE920];
	v19 =	vadd.f32 v19, v21;
	v21 =	vmul.f32 v23, v5;
	v20 =	vadd.f32 v24, v20  }
0x1a8: {  	v23 =	vld [tilespmem:s22+$0x11120]  }
0x1a9: {  	v24 =	vadd.f32 v25, v29;
	v25 =	vld [tilespmem:s22+$0x13920];
	v19 =	vadd.f32 v21, v19;
	v21 =	vmul.f32 v22, v4  }
0x1aa: {  	v22 =	vmul.f32 v28, v17;
	v28 =	vld [tilespmem:s22+$0x16120];
	[tilespmem:v0+s21+$0xFFFFFFD0 ss:$0x1] =	vst.idx.msk $0xffff, v20  }
0x1ab: {  	v19 =	vadd.f32 v21, v19;
	v20 =	vmul.f32 v26, v3;
	v21 =	vld [tilespmem:s21+$0x9960]  }
0x1ac: {  	v22 =	vadd.f32 v22, v24;
	v24 =	vmul.f32 v27, v18;
	v26 =	vld.idx.msk [tilespmem:v0+s21+$0xFFFFFFE0 ss:$0x1], $0xffff  }
0x1ad: {  	v23 =	vmul.f32 v23, v15;
	v19 =	vadd.f32 v20, v19;
	v20 =	vld [tilespmem:s21+$0xC160]  }
0x1ae: {  	v22 =	vadd.f32 v24, v22;
	v24 =	vmul.f32 v25, v13;
	v25 =	vld [tilespmem:s21+$0xE960]  }
0x1af: {  	v27 =	vmul.f32 v28, v14;
	[tilespmem:v0+s22+$0x30 ss:$0x1] =	vst.idx.msk $0xffff, v19;
	v19 =	vld [tilespmem:s21+$0x11160]  }
0x1b0: {  	v22 =	vadd.f32 v23, v22;
	v23 =	vld [tilespmem:s22+$0x99C0];
	v21 =	vmul.f32 v21, v10  }
0x1b1: {  	v28 =	vld.idx.msk [tilespmem:v0+s22+$0x40 ss:$0x1], $0xffff  }
0x1b2: {  	v22 =	vadd.f32 v24, v22;
	v24 =	vld [tilespmem:s22+$0xC1C0];
	v21 =	vadd.f32 v21, v26;
	v20 =	vmul.f32 v20, v12  }
0x1b3: {  	v25 =	vmul.f32 v25, v11;
	v26 =	vld [tilespmem:s21+$0x13960]  }
0x1b4: {  	v22 =	vadd.f32 v27, v22;
	v27 =	vld [tilespmem:s22+$0xE9C0];
	v20 =	vadd.f32 v20, v21;
	v19 =	vmul.f32 v19, v9  }
0x1b5: {  	v21 =	vmul.f32 v23, v8;
	v23 =	vld [tilespmem:s21+$0x16160]  }
0x1b6: {  	[tilespmem:v0+s22+$0xFFFFFFA0 ss:$0x1] =	vst.idx.msk $0xffff, v22;
	v22 =	vld [tilespmem:s22+$0x111C0];
	v20 =	vadd.f32 v25, v20  }
0x1b7: {  	v25 =	vld [tilespmem:s22+$0x9930];
	v21 =	vadd.f32 v21, v28;
	v24 =	vmul.f32 v24, v7  }
0x1b8: {  	v28 =	vld [tilespmem:s22+$0x139C0];
	v19 =	vadd.f32 v19, v20;
	v20 =	vmul.f32 v26, v1  }
0x1b9: {  	v26 =	vld.idx.msk [tilespmem:v0+s22+$0xFFFFFFB0 ss:$0x1], $0xffff;
	v21 =	vadd.f32 v24, v21;
	v24 =	vmul.f32 v27, v6  }
0x1ba: {  	v27 =	vld [tilespmem:s22+$0x161C0];
	v19 =	vadd.f32 v20, v19;
	v20 =	vmul.f32 v23, v2  }
0x1bb: {  	v23 =	vld [tilespmem:s22+$0xC130];
	v21 =	vadd.f32 v24, v21;
	v22 =	vmul.f32 v22, v5  }
0x1bc: {  	v24 =	vmul.f32 v25, v16;
	v25 =	vld [tilespmem:s22+$0xE930];
	v19 =	vadd.f32 v20, v19  }
0x1bd: {  	v20 =	vld [tilespmem:s22+$0x11130];
	v21 =	vadd.f32 v22, v21;
	v22 =	vmul.f32 v28, v4  }
0x1be: {  	v28 =	vld [tilespmem:s22+$0x13930];
	[tilespmem:v0+s21+$0xFFFFFFE0 ss:$0x1] =	vst.idx.msk $0xffff, v19  }
0x1bf: {  	v19 =	vadd.f32 v24, v26;
	v24 =	vld [tilespmem:s22+$0x16130];
	v21 =	vadd.f32 v22, v21;
	v22 =	vmul.f32 v27, v3  }
0x1c0: {  	v23 =	vmul.f32 v23, v17;
	v26 =	vld [tilespmem:s21+$0x9970]  }
0x1c1: {  	v25 =	vmul.f32 v25, v18;
	v21 =	vadd.f32 v22, v21;
	v22 =	vld.idx.msk [tilespmem:v0+s21+$0xFFFFFFF0 ss:$0x1], $0xffff  }
0x1c2: {  	v19 =	vadd.f32 v23, v19;
	v20 =	vmul.f32 v20, v15;
	v23 =	vld [tilespmem:s21+$0xC170]  }
0x1c3: {  	v27 =	vmul.f32 v28, v13;
	[tilespmem:v0+s22+$0x40 ss:$0x1] =	vst.idx.msk $0xffff, v21;
	v21 =	vld [tilespmem:s21+$0xE970]  }
0x1c4: {  	v19 =	vadd.f32 v25, v19;
	v24 =	vmul.f32 v24, v14;
	v25 =	vld [tilespmem:s22+$0x99D0]  }
0x1c5: {  	v28 =	vld.idx.msk [tilespmem:v0+s22+$0x50 ss:$0x1], $0xffff;
	v26 =	vmul.f32 v26, v10;
	v10 =	vmov v16  }
0x1c6: {  	v16 =	vadd.f32 v20, v19;
	v20 =	vld [tilespmem:s22+$0xC1D0]  }
0x1c7: {  	v19 =	vadd.f32 v26, v22;
	v22 =	vmul.f32 v23, v12;
	v23 =	vld [tilespmem:s21+$0x11170];
	v12 =	vmov v17  }
0x1c8: {  	v16 =	vadd.f32 v27, v16;
	v26 =	vld [tilespmem:s22+$0xE9D0];
	v17 =	vmul.f32 v21, v11;
	v11 =	vmov v18  }
.Ltmp0:
0x1c9: {  	v18 =	vmul.f32 v25, v8;
	v22 =	vadd.f32 v22, v19;
	v19 =	vld [tilespmem:s21+$0x13970];
	(pc) =	sbr.rel @p0 .LBB2_3-.Ltmp0, $4  }
0x1ca: {  	v16 =	vadd.f32 v24, v16;
	v21 =	vld [tilespmem:s22+$0x111D0]  }
0x1cb: {  	v25 =	vadd.f32 v18, v28;
	v20 =	vmul.f32 v20, v7;
	v18 =	vadd.f32 v17, v22;
	v17 =	vld [tilespmem:s21+$0x16170]  }
0x1cc: {  	[tilespmem:v0+s22+$0xFFFFFFB0 ss:$0x1] =	vst.idx.msk $0xffff, v16;
	v22 =	vld [tilespmem:s22+$0x139D0];
	v16 =	vmul.f32 v23, v9;
	v9 =	vmov v15  }
0x1cd: {  	s11 =	sadd.s32 $0x8, s11;
	v24 =	vld [tilespmem:s22+$0x9940];
	v15 =	vadd.f32 v20, v25;
	v23 =	vmul.f32 v26, v6  }
0x1ce: {  	_ =	sdelay $0x3  }
0x1cf: {  	v20 =	vld.idx.msk [tilespmem:v0+s22+$0xFFFFFFC0 ss:$0x1], $0xffff  }
0x1d0: {  	v25 =	vld [tilespmem:s22+$0xC140];
	_ =	sdelay $0x1  }
0x1d1: {  	v26 =	vld [tilespmem:s22+$0xE940]  }
0x1d2: {  	v24 =	vmul.f32 v24, v10  }
0x1d3: {  	v27 =	vld [tilespmem:s22+$0x11140]  }
0x1d4: {  	v39 =	vmul.f32 v25, v12;
	v20 =	vadd.f32 v24, v20  }
0x1d5: {  	v40 =	vld [tilespmem:s22+$0x13940]  }
0x1d6: {  	v26 =	vmul.f32 v26, v11;
	v20 =	vadd.f32 v39, v20  }
0x1d7: {  	v41 =	vld [tilespmem:s22+$0x16140]  }
0x1d8: {  	v27 =	vmul.f32 v27, v9;
	v20 =	vadd.f32 v26, v20;
	_ =	sdelay $0x1  }
0x1d9: {  	v25 =	vmul.f32 v40, v13;
	v20 =	vadd.f32 v27, v20;
	_ =	sdelay $0x1  }
0x1da: {  	v24 =	vmul.f32 v41, v14;
	v20 =	vadd.f32 v25, v20;
	_ =	sdelay $0x1  }
0x1db: {  	v20 =	vadd.f32 v24, v20;
	_ =	sdelay $0x1  }
0x1dc: {  	[tilespmem:v0+s22+$0xFFFFFFC0 ss:$0x1] =	vst.idx.msk $0xffff, v20  }
0x1dd: {  	v20 =	vld [tilespmem:s22+$0x9950]  }
0x1de: {  	v42 =	vld.idx.msk [tilespmem:v0+s22+$0xFFFFFFD0 ss:$0x1], $0xffff  }
0x1df: {  	v43 =	vld [tilespmem:s22+$0xC150];
	_ =	sdelay $0x1  }
0x1e0: {  	v44 =	vld [tilespmem:s22+$0xE950]  }
0x1e1: {  	v45 =	vld [tilespmem:s22+$0x161D0];
	v20 =	vmul.f32 v20, v10  }
0x1e2: {  	v15 =	vadd.f32 v23, v15;
	v21 =	vmul.f32 v21, v5;
	v46 =	vld [tilespmem:s22+$0x11150]  }
0x1e3: {  	v47 =	vmul.f32 v43, v12;
	v20 =	vadd.f32 v20, v42  }
0x1e4: {  	v15 =	vadd.f32 v21, v15;
	v48 =	vmul.f32 v22, v4;
	v49 =	vld [tilespmem:s22+$0x13950]  }
0x1e5: {  	v50 =	vmul.f32 v44, v11;
	v20 =	vadd.f32 v47, v20  }
0x1e6: {  	v15 =	vadd.f32 v48, v15;
	v51 =	vld [tilespmem:s22+$0x16150]  }
0x1e7: {  	v52 =	vmul.f32 v45, v3;
	v23 =	vmul.f32 v46, v9;
	v20 =	vadd.f32 v50, v20;
	_ =	sdelay $0x1  }
0x1e8: {  	v15 =	vadd.f32 v52, v15;
	v22 =	vmul.f32 v49, v13;
	v20 =	vadd.f32 v23, v20;
	_ =	sdelay $0x1  }
0x1e9: {  	[tilespmem:v0+s22+$0x50 ss:$0x1] =	vst.idx.msk $0xffff, v15;
	v53 =	vmul.f32 v51, v14;
	v20 =	vadd.f32 v22, v20  }
0x1ea: {  	v54 =	vld [tilespmem:s22+$0x99E0]  }
0x1eb: {  	v55 =	vld.idx.msk [tilespmem:v0+s22+$0x60 ss:$0x1], $0xffff;
	v15 =	vadd.f32 v53, v20  }
0x1ec: {  	v56 =	vld [tilespmem:s22+$0xC1E0]  }
0x1ed: {  	v57 =	vld [tilespmem:s22+$0xE9E0];
	[tilespmem:v0+s22+$0xFFFFFFD0 ss:$0x1] =	vst.idx.msk $0xffff, v15  }
0x1ee: {  	v15 =	vld [tilespmem:s22+$0x9960]  }
0x1ef: {  	v58 =	vld.idx.msk [tilespmem:v0+s22+$0xFFFFFFE0 ss:$0x1], $0xffff  }
0x1f0: {  	v21 =	vmul.f32 v54, v8;
	v59 =	vld [tilespmem:s22+$0xC160]  }
0x1f1: {  	v60 =	vld [tilespmem:s22+$0x111E0]  }
0x1f2: {  	v21 =	vadd.f32 v21, v55;
	v20 =	vmul.f32 v56, v7;
	v61 =	vld [tilespmem:s22+$0xE960]  }
0x1f3: {  	v62 =	vld [tilespmem:s22+$0x139E0];
	v15 =	vmul.f32 v15, v10  }
0x1f4: {  	v63 =	vmul.f32 v57, v6;
	v20 =	vadd.f32 v20, v21;
	v28 =	vld [tilespmem:s22+$0x11160]  }
0x1f5: {  	v29 =	vld [tilespmem:s22+$0x161E0];
	v25 =	vmul.f32 v59, v12;
	v15 =	vadd.f32 v15, v58  }
0x1f6: {  	v30 =	vmul.f32 v60, v5;
	v31 =	vld [tilespmem:s22+$0x13960];
	v20 =	vadd.f32 v63, v20  }
0x1f7: {  	v22 =	vmul.f32 v61, v11;
	v15 =	vadd.f32 v25, v15  }
0x1f8: {  	v32 =	vmul.f32 v62, v4;
	v33 =	vld [tilespmem:s22+$0x16160];
	v20 =	vadd.f32 v30, v20  }
0x1f9: {  	v34 =	vmul.f32 v28, v9;
	v15 =	vadd.f32 v22, v15  }
0x1fa: {  	v35 =	vmul.f32 v29, v3;
	v20 =	vadd.f32 v32, v20  }
0x1fb: {  	v36 =	vmul.f32 v31, v13;
	v15 =	vadd.f32 v34, v15  }
0x1fc: {  	v20 =	vadd.f32 v35, v20  }
0x1fd: {  	v37 =	vmul.f32 v33, v14;
	v15 =	vadd.f32 v36, v15  }
0x1fe: {  	[tilespmem:v0+s22+$0x60 ss:$0x1] =	vst.idx.msk $0xffff, v20  }
0x1ff: {  	v20 =	vld [tilespmem:s22+$0x99F0];
	v15 =	vadd.f32 v37, v15  }
0x200: {  	v38 =	vld.idx.msk [tilespmem:v0+s22+$0x70 ss:$0x1], $0xffff  }
0x201: {  	v39 =	vld [tilespmem:s22+$0xC1F0];
	[tilespmem:v0+s22+$0xFFFFFFE0 ss:$0x1] =	vst.idx.msk $0xffff, v15  }
0x202: {  	v15 =	vld [tilespmem:s22+$0x9970]  }
0x203: {  	v40 =	vld.idx.msk [tilespmem:v0+s22+$0xFFFFFFF0 ss:$0x1], $0xffff  }
0x204: {  	v41 =	vld [tilespmem:s22+$0xC170]  }
0x205: {  	v42 =	vld [tilespmem:s22+$0xE9F0]  }
0x206: {  	v43 =	vmul.f32 v20, v8;
	v44 =	vld [tilespmem:s22+$0xE970]  }
0x207: {  	v46 =	vld [tilespmem:s22+$0x111F0];
	v45 =	vmul.f32 v15, v10  }
0x208: {  	v47 =	vmul.f32 v39, v7;
	v8 =	vadd.f32 v43, v38;
	v48 =	vld [tilespmem:s22+$0x11170]  }
0x209: {  	v49 =	vld [tilespmem:s22+$0x139F0];
	v50 =	vmul.f32 v41, v12;
	v10 =	vadd.f32 v45, v40  }
0x20a: {  	v51 =	vmul.f32 v42, v6;
	v7 =	vadd.f32 v47, v8;
	v52 =	vld [tilespmem:s22+$0x13970]  }
0x20b: {  	v16 =	vadd.f32 v16, v18;
	v53 =	vld [tilespmem:s22+$0x161F0];
	v54 =	vmul.f32 v44, v11;
	v10 =	vadd.f32 v50, v10  }
0x20c: {  	v1 =	vmul.f32 v19, v1;
	v55 =	vmul.f32 v46, v5;
	v56 =	vld [tilespmem:s22+$0x16170];
	v6 =	vadd.f32 v51, v7  }
0x20d: {  	v57 =	vmul.f32 v48, v9;
	v10 =	vadd.f32 v54, v10  }
0x20e: {  	v1 =	vadd.f32 v1, v16;
	v58 =	vmul.f32 v49, v4;
	v5 =	vadd.f32 v55, v6  }
0x20f: {  	v2 =	vmul.f32 v17, v2;
	v8 =	vmul.f32 v52, v13;
	v59 =	vadd.f32 v57, v10  }
0x210: {  	s18 =	sadd.s32 $0x1, s18;
	v60 =	vmul.f32 v53, v3;
	v4 =	vadd.f32 v58, v5  }
0x211: {  	p0 =	sne.s32 s18, s24;
	v1 =	vadd.f32 v2, v1;
	v62 =	vmul.f32 v56, v14;
	v61 =	vadd.f32 v8, v59  }
.Ltmp1:
0x212: {  	v3 =	vadd.f32 v60, v4;
	(pc) =	sbr.rel @p0 .LBB2_2-.Ltmp1, $4  }
0x213: {  	[tilespmem:v0+s21+$0xFFFFFFF0 ss:$0x1] =	vst.idx.msk $0xffff, v1;
	v63 =	vadd.f32 v62, v61  }
0x214: {  	[tilespmem:v0+s22+$0x70 ss:$0x1] =	vst.idx.msk $0xffff, v3  }
0x215: {  	s11 =	sadd.s32 s2, s20;
	s17 =	sadd.s32 $0x140, s17;
	[tilespmem:v0+s22+$0xFFFFFFF0 ss:$0x1] =	vst.idx.msk $0xffff, v63  }
0x216: {  	[hbm4b:s11+s3] =	stream.linear.scatter [tilespmem:s19], [sflag:$0x3], $0x2800, $0x38;
	[tilespmem:$0x1D900] =	vst v63  }
0x217: {  	s15 =	simm.s32 $0x3  }
0x218: {  	_ =	swait.ge [sflag:s15], $0x2800  }
0x219: {  	s16 =	rddreg [dreg:$0x10]  }
0x21a: {  	s11 =	rddreg [dreg:$0xf];
	s16 =	sadd.s32 $0x1, s16  }
0x21b: {  	p0 =	sne.s32 s16, s11  }
.Ltmp2:
0x21c: {  	_ = 	snop;
	(pc) =	sbr.rel @p0 .LBB2_1-.Ltmp2, $3  }
0x21d: {  	_ =	sdelay $0x1  }
0x21e: {  	[sflag:s15] =	ssyncset.done $0x0  }
0x21f: {  	[sflag:s15] =	ssyncadd.s32 $0xFFFFD800  }
0x220: {  	_ =	sfence.sel $0x180000  }
0x221: {  	[bflag:$0x0] =	sbarrier.arrive $0xFFFF  }
0x222: {  	_ =	strace $0x90000047  }
0x223: {  	s0 =	stileid.u32;
	[bflag:$0x2] =	sbarrier.arrive $0xFFFF  }
0x224: {  	p0 =	sne.s32 s0, $0x0;
	s0 =	rddreg [dreg:$0x2]  }
0x225: {  	s0 =	sadd.s32 @!p0 $0x100000, s0  }
0x226: {  	[sflag:s0] =	ssyncadd.tile.s32 @!p0 $0x1;
	_ =	shalt  }
.Lfunc_end2:
_tile_overlayer_lowered:
.L_overlay_start_2:
0x227: {  	(tag) =	ssettag $0x2  }
0x228: {  	s0 =	rddreg [dreg:$0x0];
	s2 =	stileid.u32  }
0x229: {  	s1 =	rddreg [dreg:$0x1];
	p0 =	sne.s32 s2, $0x0  }
0x22a: {  	s3 =	rddreg [dreg:$0x2];
	[bflag:$0x3] =	sbarrier.arrive $0xFFFF;
	s2 =	simm.s32 @!p0 $0x1C04  }
0x22b: {  	[timem:s3], [sflag:s2] =	dma.local @!p0 [hbm:s0], s1  }
0x22c: {  	s0 =	simm.s32 @!p0 $0x4  }
0x22d: {  	_ =	swait.ge @!p0 [sflag:s0], s1  }
0x22e: {  	s1 =	ssub.s32 @!p0 $0x0, s1;
	[sflag:s0] =	ssyncset.done @!p0 $0x0  }
0x22f: {  	[sflag:s0] =	ssyncadd.s32 @!p0 s1  }
0x230: {  	[bflag:$0x3] =	sbarrier.arrive $0xFFFF  }
0x231: {  	_ =	shalt  }

</sc_bundles>
